<compile_context>
chip_gen: v7x
topology: tpu7x:2x2x1
jax: 0.10.2.dev20260603
libtpu: 0.0.44.dev20260713+nightly
codegen_flags: <defaults>
</compile_context>

<pallas_src>
import jax
import jax.numpy as jnp
from jax import lax
from jax.experimental import pallas as pl
from jax.experimental.pallas import tpu as pltpu
from jax.experimental.pallas import tpu_sc as plsc

NC = 2
NS = 16
NW = NC * NS
LANES = 16
C = 128

_MESH = dict(core_axis_name="c", subcore_axis_name="s", num_cores=NC,
             num_subcores=NS)


def _deg_partials(dst2d, n):
  nrows = dst2d.shape[0]
  cw = dst2d.shape[2]
  cpt = nrows // NW
  extra = nrows - cpt * NW

  def body(dst_hbm, parts_hbm, hist, dslab, dx):
    cid = lax.axis_index("c")
    sid = lax.axis_index("s")
    wid = cid * NS + sid
    zero16 = jnp.zeros((LANES,), jnp.float32)
    ones16 = jnp.ones((LANES,), jnp.float32)

    pltpu.sync_copy(dst_hbm.at[pl.ds(wid * cpt, cpt)], dslab)

    def zloop(i, _):
      hist[pl.ds(i * LANES, LANES)] = zero16
      return 0
    lax.fori_loop(0, n // LANES, zloop, 0)

    def chunk(k, _):
      for j in range(cw // LANES):
        iv = dslab[k, 0, pl.ds(j * LANES, LANES)]
        plsc.addupdate_scatter(hist, [iv], ones16)
      return 0
    lax.fori_loop(0, cpt, chunk, 0)

    if extra:
      @pl.when(wid < extra)
      def _():
        pltpu.sync_copy(dst_hbm.at[pl.ds(NW * cpt + wid, 1)], dx)
        for j in range(cw // LANES):
          iv = dx[0, 0, pl.ds(j * LANES, LANES)]
          plsc.addupdate_scatter(hist, [iv], ones16)

    pltpu.sync_copy(hist, parts_hbm.at[wid, 0])

  return pl.kernel(
      body,
      out_type=jax.ShapeDtypeStruct((NW, 1, n), jnp.float32),
      mesh=plsc.VectorSubcoreMesh(**_MESH),
      compiler_params=pltpu.CompilerParams(needs_layout_passes=False),
      scratch_types=[
          pltpu.VMEM((n,), jnp.float32),
          pltpu.VMEM((cpt, 1, cw), jnp.int32),
          pltpu.VMEM((1, 1, cw), jnp.int32),
      ],
  )(dst2d)


def _spmm_raw(x, dst2d, src2d):
  n, h = x.shape
  nrows = dst2d.shape[0]
  cw = dst2d.shape[2]
  cpt = nrows // NW
  extra = nrows - cpt * NW
  rpt = (n // NS) // 8 * 8
  nrem = n - NS * rpt
  assert cpt % 2 == 0 and extra <= NW

  def body(x_hbm, dst_hbm, src_hbm, out_hbm, acc, sslab, didx0, didx1,
           rows0, rows1, sx, dx, slabsem, g0, g1, d0, d1):
    cid = lax.axis_index("c")
    sid = lax.axis_index("s")
    wid = cid * NS + sid
    rb = sid * rpt
    zero16 = jnp.zeros((LANES,), jnp.float32)
    rows = (rows0, rows1)
    gsem = (g0, g1)
    didx = (didx0, didx1)
    dsem = (d0, d1)

    def wait_gather(k, b):
      pltpu.make_async_copy(x_hbm.at[sslab.at[k, 0]], rows[b], gsem[b]).wait()

    def issue_gather(k, b):
      pltpu.async_copy(x_hbm.at[sslab.at[k, 0]], rows[b], gsem[b])

    def issue_didx(k, b):
      pltpu.async_copy(dst_hbm.at[pl.ds(wid * cpt + k, 1)], didx[b], dsem[b])

    def wait_didx(k, b):
      pltpu.make_async_copy(dst_hbm.at[pl.ds(wid * cpt + k, 1)], didx[b],
                            dsem[b]).wait()

    cs = pltpu.async_copy(src_hbm.at[pl.ds(wid * cpt, cpt)], sslab, slabsem)
    pltpu.sync_copy(dst_hbm.at[pl.ds(wid * cpt, 1)], didx0)

    vpr = h // LANES

    def zloop(i, _):
      rows0[i // vpr, pl.ds((i % vpr) * LANES, LANES)] = zero16
      return 0
    lax.fori_loop(0, cw * vpr, zloop, 0)

    nz = rpt // cw
    for j in range(nz):
      pltpu.sync_copy(rows0, acc.at[pl.ds(rb + j * cw, cw)])
    rem = rpt - nz * cw
    if rem:
      pltpu.sync_copy(rows0.at[pl.ds(0, rem)], acc.at[pl.ds(rb + nz * cw, rem)])
    if nrem:
      @pl.when(sid == NS - 1)
      def _():
        pltpu.sync_copy(rows0.at[pl.ds(0, nrem)],
                        acc.at[pl.ds(NS * rpt, nrem)])
    cs.wait()
    plsc.subcore_barrier()

    issue_gather(0, 0)

    def pair(i, _):
      for b in range(2):
        k = 2 * i + b
        wait_gather(k, b)

        @pl.when(k + 1 < cpt)
        def _():
          issue_gather(k + 1, 1 - b)
          issue_didx(k + 1, 1 - b)
        if b == 0:
          @pl.when(k > 0)
          def _():
            wait_didx(k, b)
        else:
          wait_didx(k, b)
        pltpu.sync_copy(rows[b], acc.at[didx[b].at[0, 0]], add=True)
      return 0
    lax.fori_loop(0, cpt // 2, pair, 0)

    if extra:
      @pl.when(wid < extra)
      def _():
        pltpu.sync_copy(src_hbm.at[pl.ds(NW * cpt + wid, 1)], sx)
        pltpu.sync_copy(dst_hbm.at[pl.ds(NW * cpt + wid, 1)], dx)
        pltpu.async_copy(x_hbm.at[sx.at[0, 0]], rows0, g0).wait()
        pltpu.sync_copy(rows0, acc.at[dx.at[0, 0]], add=True)

    plsc.subcore_barrier()
    pltpu.sync_copy(acc.at[pl.ds(rb, rpt)], out_hbm.at[cid, pl.ds(rb, rpt)])
    if nrem:
      @pl.when(sid == NS - 1)
      def _():
        pltpu.sync_copy(acc.at[pl.ds(NS * rpt, nrem)],
                        out_hbm.at[cid, pl.ds(NS * rpt, nrem)])

  return pl.kernel(
      body,
      out_type=jax.ShapeDtypeStruct((NC, n, h), jnp.float32),
      mesh=plsc.VectorSubcoreMesh(**_MESH),
      compiler_params=pltpu.CompilerParams(needs_layout_passes=False,
                                           use_tc_tiling_on_sc=False),
      scratch_types=[
          pltpu.VMEM_SHARED((n, h), jnp.float32),
          pltpu.VMEM((cpt, 1, cw), jnp.int32),
          pltpu.VMEM((1, 1, cw), jnp.int32),
          pltpu.VMEM((1, 1, cw), jnp.int32),
          pltpu.VMEM((cw, h), jnp.float32),
          pltpu.VMEM((cw, h), jnp.float32),
          pltpu.VMEM((1, 1, cw), jnp.int32),
          pltpu.VMEM((1, 1, cw), jnp.int32),
      ] + [pltpu.SemaphoreType.DMA] * 5,
  )(x, dst2d, src2d)


def _prep(parts, x, bn=2048):
  n, h = x.shape

  def body(p_ref, x_ref, d_ref, o_ref):
    deg = jnp.sum(p_ref[...], axis=0, keepdims=True)
    dinv = jnp.where(deg > 0, lax.rsqrt(deg), 0.0)
    dcol = jnp.transpose(dinv, (1, 0))
    d_ref[...] = dcol
    o_ref[...] = dcol * x_ref[...]

  return pl.pallas_call(
      body,
      grid=(pl.cdiv(n, bn),),
      in_specs=[
          pl.BlockSpec((NW, bn), lambda i: (0, i)),
          pl.BlockSpec((bn, h), lambda i: (i, 0)),
      ],
      out_specs=[
          pl.BlockSpec((bn, 1), lambda i: (i, 0)),
          pl.BlockSpec((bn, h), lambda i: (i, 0)),
      ],
      out_shape=[
          jax.ShapeDtypeStruct((n, 1), jnp.float32),
          jax.ShapeDtypeStruct((n, h), jnp.float32),
      ],
  )(parts, x)


def _mid_layer(raw, dinv_col, b1_row, w2, bn=2000):
  n, h = raw.shape[1], raw.shape[2]

  def body(r_ref, d_ref, b_ref, w_ref, o_ref):
    d = d_ref[...]
    hidden = jnp.maximum(d * (r_ref[0] + r_ref[1]) + b_ref[...], 0.0)
    o_ref[...] = d * jnp.dot(hidden, w_ref[...],
                             preferred_element_type=jnp.float32)

  return pl.pallas_call(
      body,
      grid=(n // bn,),
      in_specs=[
          pl.BlockSpec((NC, bn, h), lambda i: (0, i, 0)),
          pl.BlockSpec((bn, 1), lambda i: (i, 0)),
          pl.BlockSpec((1, h), lambda i: (0, 0)),
          pl.BlockSpec((h, h), lambda i: (0, 0)),
      ],
      out_specs=pl.BlockSpec((bn, h), lambda i: (i, 0)),
      out_shape=jax.ShapeDtypeStruct((n, h), jnp.float32),
  )(raw, dinv_col, b1_row, w2)


def _head(raw, dinv_col, b2_row, wf, bf_2d, bn=2000):
  n, h = raw.shape[1], raw.shape[2]

  def body(r_ref, d_ref, b_ref, w_ref, bf_ref, o_ref):
    d = d_ref[...]
    hidden = jnp.maximum(d * (r_ref[0] + r_ref[1]) + b_ref[...], 0.0)
    o_ref[...] = jnp.dot(hidden, w_ref[...],
                         preferred_element_type=jnp.float32) + bf_ref[...]

  return pl.pallas_call(
      body,
      grid=(n // bn,),
      in_specs=[
          pl.BlockSpec((NC, bn, h), lambda i: (0, i, 0)),
          pl.BlockSpec((bn, 1), lambda i: (i, 0)),
          pl.BlockSpec((1, h), lambda i: (0, 0)),
          pl.BlockSpec((h, 1), lambda i: (0, 0)),
          pl.BlockSpec((1, 1), lambda i: (0, 0)),
      ],
      out_specs=pl.BlockSpec((bn, 1), lambda i: (i, 0)),
      out_shape=jax.ShapeDtypeStruct((n, 1), jnp.float32),
  )(raw, dinv_col, b2_row, wf, bf_2d)


def kernel(inputs, edge_index, W1, b1, W2, b2, Wf, bf):
  del inputs
  n, h = W1.shape
  e = edge_index.shape[1]
  assert e % C == 0
  dst2d = edge_index[0].reshape(e // C, 1, C)
  src2d = edge_index[1].reshape(e // C, 1, C)

  parts = _deg_partials(dst2d, n)
  dinv_col, x1 = _prep(parts.reshape(NW, n), W1)
  raw1 = _spmm_raw(x1, dst2d, src2d)
  x2 = _mid_layer(raw1, dinv_col, b1.reshape(1, h), W2)
  raw2 = _spmm_raw(x2, dst2d, src2d)
  out = _head(raw2, dinv_col, b2.reshape(1, h), Wf, bf.reshape(1, 1))
  return out.reshape(1, n)

# --- scband reference (transcript-rebuilt; emitter-appended) ---
"""Pipeline reference for scband-gcnmodel-63058709840592 (READ-ONLY COPY).

The authoritative reference and input builder live on the scoring server;
editing this copy changes nothing except your own understanding.
"""

import jax, jax.numpy as jnp
import numpy as np

N = 10000
E = 320000
H = 128


def setup_inputs(seed: int = 0):
    key = jax.random.key(seed)
    ks = jax.random.split(key, 8)
    inputs = jax.random.normal(ks[0], (N, H), dtype=jnp.float32)
    # network adjacency as an edge list (row=dst, col=src), stands in for network.adj_matrix.to_sparse()
    edge_index = jax.random.randint(ks[1], (2, E), 0, N, dtype=jnp.int32)
    # GCN layer 1: features=False so in_features = len(network) = N (identity input features)
    W1 = jax.random.normal(ks[2], (N, H), dtype=jnp.float32) / np.sqrt(N)
    b1 = jnp.zeros((H,), jnp.float32)
    W2 = jax.random.normal(ks[3], (H, H), dtype=jnp.float32) / np.sqrt(H)
    b2 = jnp.zeros((H,), jnp.float32)
    # fcn: Linear(128 -> 1)
    Wf = jax.random.normal(ks[4], (H, 1), dtype=jnp.float32) / np.sqrt(H)
    bf = jnp.zeros((1,), jnp.float32)
    return {"inputs": inputs, "edge_index": edge_index, "W1": W1, "b1": b1, "W2": W2, "b2": b2, "Wf": Wf, "bf": bf}


def reference(inputs, edge_index, W1, b1, W2, b2, Wf, bf):
    n = W1.shape[0]
    dst = edge_index[0]
    src = edge_index[1]
    # symmetric normalization: A_norm = D^-1/2 A D^-1/2 (deg from row sums of A)
    deg = jnp.zeros((n,), jnp.float32).at[dst].add(1.0)
    safe = jnp.where(deg > 0, deg, 1.0)
    dinv = jnp.where(deg > 0, jnp.power(safe, -0.5), 0.0)
    w = dinv[dst] * dinv[src]

    def spmm(X):
        # sparse A_norm @ X via gather + scatter-add (SparseCore-friendly)
        return jnp.zeros((n, X.shape[1]), X.dtype).at[dst].add(w[:, None] * X[src])

    # self.features == False in __init__, so forward sets inputs to None and
    # the first GCN layer uses identity features: A_norm @ I @ W1 + b1
    h = jax.nn.relu(spmm(W1) + b1)
    # second GCN layer: A_norm @ (H @ W2) + b2
    h = jax.nn.relu(spmm(h @ W2) + b2)
    # fcn Linear head
    out = h @ Wf + bf
    # outputs.squeeze().unsqueeze(0)
    out = jnp.squeeze(out)[None, :]
    return out

if __name__ == "__main__":
    import jax
    _d = setup_inputs()
    print(jax.jit(kernel)(*tuple(_d.values())))

</pallas_src>

<mosaic_0001>
#map = affine_map<(d0, d1) -> (0, 0, 0)>
module attributes {stable_mosaic.version = 14 : i64} {
  func.func @body(%arg0: i32, %arg1: i32, %arg2: memref<2500x1x128xi32, #tpu.memory_space<hbm>>, %arg3: memref<32x1x10000xf32, #tpu.memory_space<hbm>>, %arg4: memref<10000xf32, #tpu.memory_space<vmem>>, %arg5: memref<78x1x128xi32, #tpu.memory_space<vmem>>, %arg6: memref<1x1x128xi32, #tpu.memory_space<vmem>>) attributes {dimension_semantics = [#tpu.dimension_semantics<core_parallel>, #tpu.dimension_semantics<subcore_parallel>], iteration_bounds = array<i64: 2, 16>, scalar_prefetch = 0 : i64, scratch_operands = 3 : i64, tpu.core_type = #tpu.core_type<sc_vector_subcore>, window_params = [{transform_indices = #map}, {transform_indices = #map}]} {
    %mul3A = arith.constant 16 : i32
    %mul3A_0 = arith.muli %arg0, %mul3A : i32
    %add3A = arith.addi %mul3A_0, %arg1 : i32
    %broadcast_in_dim3A = arith.constant 0.000000e+00 : f32
    %broadcast_in_dim3A_1 = vector.broadcast %broadcast_in_dim3A : f32 to vector<16xf32>
    %broadcast_in_dim3A_2 = arith.constant 1.000000e+00 : f32
    %broadcast_in_dim3A_3 = vector.broadcast %broadcast_in_dim3A_2 : f32 to vector<16xf32>
    %mul3A_4 = arith.constant 78 : i32
    %mul3A_5 = arith.muli %add3A, %mul3A_4 : i32
    "tpu.region"() ({
      %run_scoped3A_21 = tpu.sem_alloc : memref<!tpu.dma_semaphore, #tpu.memory_space<semaphore_mem>>
      %dma_start3A = arith.constant 0 : i32
      %dma_start3A_22 = arith.constant 0 : i32
      %dma_start3A_23 = tpu.memref_slice %arg2[%mul3A_5, %dma_start3A, %dma_start3A_22] : memref<2500x1x128xi32, #tpu.memory_space<hbm>> -> memref<78x1x128xi32, #tpu.memory_space<hbm>>
      %dma_start3A_24 = arith.constant 0 : i32
      %dma_start3A_25 = arith.constant 0 : i32
      %dma_start3A_26 = tpu.memref_slice %arg2[%mul3A_5, %dma_start3A_24, %dma_start3A_25] : memref<2500x1x128xi32, #tpu.memory_space<hbm>> -> memref<78x1x128xi32, #tpu.memory_space<hbm>>
      tpu.enqueue_dma source(%dma_start3A_26 : memref<78x1x128xi32, #tpu.memory_space<hbm>>) target(%arg5 : memref<78x1x128xi32, #tpu.memory_space<vmem>>) target_semaphore(%run_scoped3A_21 : memref<!tpu.dma_semaphore, #tpu.memory_space<semaphore_mem>>)
      %dma_wait3A = arith.constant 0 : i32
      %dma_wait3A_27 = arith.constant 0 : i32
      %dma_wait3A_28 = tpu.memref_slice %arg2[%mul3A_5, %dma_wait3A, %dma_wait3A_27] : memref<2500x1x128xi32, #tpu.memory_space<hbm>> -> memref<78x1x128xi32, #tpu.memory_space<hbm>>
      %dma_wait3A_29 = arith.constant 0 : i32
      %dma_wait3A_30 = arith.constant 0 : i32
      %dma_wait3A_31 = tpu.memref_slice %arg2[%mul3A_5, %dma_wait3A_29, %dma_wait3A_30] : memref<2500x1x128xi32, #tpu.memory_space<hbm>> -> memref<78x1x128xi32, #tpu.memory_space<hbm>>
      tpu.wait_dma2 semaphore(%run_scoped3A_21 : memref<!tpu.dma_semaphore, #tpu.memory_space<semaphore_mem>>) src(%dma_wait3A_31 : memref<78x1x128xi32, #tpu.memory_space<hbm>>) dst(%arg5 : memref<78x1x128xi32, #tpu.memory_space<vmem>>)
      tpu.yield
    }) : () -> ()
    %scan3A = arith.constant 0 : i32
    %scan3A_6 = arith.constant 0 : i32
    %scan3A_7 = arith.constant 625 : i32
    %scan3A_8 = arith.addi %scan3A_6, %scan3A_7 : i32
    %scan3A_9 = arith.constant 1 : i32
    %scan3A_10 = scf.for %scan3A_21 = %scan3A_6 to %scan3A_8 step %scan3A_9 iter_args(%scan3A_22 = %scan3A) -> (i32)  : i32 {
      %mul3A_23 = arith.constant 16 : i32
      %mul3A_24 = arith.muli %scan3A_21, %mul3A_23 : i32
      %swap3A = arith.index_cast %mul3A_24 : i32 to index
      %swap3A_25 = tpu.vector_load %arg4[%swap3A] {strides = array<i32>} : memref<10000xf32, #tpu.memory_space<vmem>>, vector<16xf32>,
      tpu.vector_store %arg4[%swap3A], %broadcast_in_dim3A_1 {strides = array<i32>} : memref<10000xf32, #tpu.memory_space<vmem>>, vector<16xf32>,
      %scan3A_26 = arith.constant 0 : i32
      scf.yield %scan3A_26 : i32
    }
    %scan3A_11 = arith.constant 625 : i32
    %scan3A_12 = arith.constant 0 : i32
    %scan3A_13 = arith.constant 0 : i32
    %scan3A_14 = arith.constant 78 : i32
    %scan3A_15 = arith.addi %scan3A_13, %scan3A_14 : i32
    %scan3A_16 = arith.constant 1 : i32
    %scan3A_17 = scf.for %scan3A_21 = %scan3A_13 to %scan3A_15 step %scan3A_16 iter_args(%scan3A_22 = %scan3A_12) -> (i32)  : i32 {
      %get3A = arith.constant 0 : i32
      %get3A_23 = arith.index_cast %scan3A_21 : i32 to index
      %get3A_24 = arith.index_cast %get3A : i32 to index
      %get3A_25 = arith.constant 0 : index
      %get3A_26 = tpu.vector_load %arg5[%get3A_23, %get3A_24, %get3A_25] {strides = array<i32>} : memref<78x1x128xi32, #tpu.memory_space<vmem>>, vector<16xi32>,
      tpu.vector_store_idx %arg4[%get3A_26], %broadcast_in_dim3A_3 {add = true} : memref<10000xf32, #tpu.memory_space<vmem>>[vector<16xi32>], vector<16xf32>,
      %get3A_27 = arith.constant 0 : i32
      %get3A_28 = arith.index_cast %scan3A_21 : i32 to index
      %get3A_29 = arith.index_cast %get3A_27 : i32 to index
      %get3A_30 = arith.constant 16 : index
      %get3A_31 = tpu.vector_load %arg5[%get3A_28, %get3A_29, %get3A_30] {strides = array<i32>} : memref<78x1x128xi32, #tpu.memory_space<vmem>>, vector<16xi32>,
      tpu.vector_store_idx %arg4[%get3A_31], %broadcast_in_dim3A_3 {add = true} : memref<10000xf32, #tpu.memory_space<vmem>>[vector<16xi32>], vector<16xf32>,
      %get3A_32 = arith.constant 0 : i32
      %get3A_33 = arith.index_cast %scan3A_21 : i32 to index
      %get3A_34 = arith.index_cast %get3A_32 : i32 to index
      %get3A_35 = arith.constant 32 : index
      %get3A_36 = tpu.vector_load %arg5[%get3A_33, %get3A_34, %get3A_35] {strides = array<i32>} : memref<78x1x128xi32, #tpu.memory_space<vmem>>, vector<16xi32>,
      tpu.vector_store_idx %arg4[%get3A_36], %broadcast_in_dim3A_3 {add = true} : memref<10000xf32, #tpu.memory_space<vmem>>[vector<16xi32>], vector<16xf32>,
      %get3A_37 = arith.constant 0 : i32
      %get3A_38 = arith.index_cast %scan3A_21 : i32 to index
      %get3A_39 = arith.index_cast %get3A_37 : i32 to index
      %get3A_40 = arith.constant 48 : index
      %get3A_41 = tpu.vector_load %arg5[%get3A_38, %get3A_39, %get3A_40] {strides = array<i32>} : memref<78x1x128xi32, #tpu.memory_space<vmem>>, vector<16xi32>,
      tpu.vector_store_idx %arg4[%get3A_41], %broadcast_in_dim3A_3 {add = true} : memref<10000xf32, #tpu.memory_space<vmem>>[vector<16xi32>], vector<16xf32>,
      %get3A_42 = arith.constant 0 : i32
      %get3A_43 = arith.index_cast %scan3A_21 : i32 to index
      %get3A_44 = arith.index_cast %get3A_42 : i32 to index
      %get3A_45 = arith.constant 64 : index
      %get3A_46 = tpu.vector_load %arg5[%get3A_43, %get3A_44, %get3A_45] {strides = array<i32>} : memref<78x1x128xi32, #tpu.memory_space<vmem>>, vector<16xi32>,
      tpu.vector_store_idx %arg4[%get3A_46], %broadcast_in_dim3A_3 {add = true} : memref<10000xf32, #tpu.memory_space<vmem>>[vector<16xi32>], vector<16xf32>,
      %get3A_47 = arith.constant 0 : i32
      %get3A_48 = arith.index_cast %scan3A_21 : i32 to index
      %get3A_49 = arith.index_cast %get3A_47 : i32 to index
      %get3A_50 = arith.constant 80 : index
      %get3A_51 = tpu.vector_load %arg5[%get3A_48, %get3A_49, %get3A_50] {strides = array<i32>} : memref<78x1x128xi32, #tpu.memory_space<vmem>>, vector<16xi32>,
      tpu.vector_store_idx %arg4[%get3A_51], %broadcast_in_dim3A_3 {add = true} : memref<10000xf32, #tpu.memory_space<vmem>>[vector<16xi32>], vector<16xf32>,
      %get3A_52 = arith.constant 0 : i32
      %get3A_53 = arith.index_cast %scan3A_21 : i32 to index
      %get3A_54 = arith.index_cast %get3A_52 : i32 to index
      %get3A_55 = arith.constant 96 : index
      %get3A_56 = tpu.vector_load %arg5[%get3A_53, %get3A_54, %get3A_55] {strides = array<i32>} : memref<78x1x128xi32, #tpu.memory_space<vmem>>, vector<16xi32>,
      tpu.vector_store_idx %arg4[%get3A_56], %broadcast_in_dim3A_3 {add = true} : memref<10000xf32, #tpu.memory_space<vmem>>[vector<16xi32>], vector<16xf32>,
      %get3A_57 = arith.constant 0 : i32
      %get3A_58 = arith.index_cast %scan3A_21 : i32 to index
      %get3A_59 = arith.index_cast %get3A_57 : i32 to index
      %get3A_60 = arith.constant 112 : index
      %get3A_61 = tpu.vector_load %arg5[%get3A_58, %get3A_59, %get3A_60] {strides = array<i32>} : memref<78x1x128xi32, #tpu.memory_space<vmem>>, vector<16xi32>,
      tpu.vector_store_idx %arg4[%get3A_61], %broadcast_in_dim3A_3 {add = true} : memref<10000xf32, #tpu.memory_space<vmem>>[vector<16xi32>], vector<16xf32>,
      %scan3A_62 = arith.constant 0 : i32
      scf.yield %scan3A_62 : i32
    }
    %scan3A_18 = arith.constant 78 : i32
    %lt3A = arith.constant 4 : i32
    %lt3A_19 = arith.cmpi slt, %add3A, %lt3A : i32
    %convert_element_type3A = arith.extui %lt3A_19 : i1 to i32
    %cond3A = arith.constant 0 : i32
    %cond3A_20 = arith.cmpi ne, %convert_element_type3A, %cond3A : i32
    scf.if %cond3A_20 {
      %add3A_21 = arith.constant 2496 : i32
      %add3A_22 = arith.addi %add3A_21, %add3A : i32
      "tpu.region"() ({
        %run_scoped3A_70 = tpu.sem_alloc : memref<!tpu.dma_semaphore, #tpu.memory_space<semaphore_mem>>
        %dma_start3A = arith.constant 0 : i32
        %dma_start3A_71 = arith.constant 0 : i32
        %dma_start3A_72 = tpu.memref_slice %arg2[%add3A_22, %dma_start3A, %dma_start3A_71] : memref<2500x1x128xi32, #tpu.memory_space<hbm>> -> memref<1x1x128xi32, #tpu.memory_space<hbm>>
        %dma_start3A_73 = arith.constant 0 : i32
        %dma_start3A_74 = arith.constant 0 : i32
        %dma_start3A_75 = tpu.memref_slice %arg2[%add3A_22, %dma_start3A_73, %dma_start3A_74] : memref<2500x1x128xi32, #tpu.memory_space<hbm>> -> memref<1x1x128xi32, #tpu.memory_space<hbm>>
        tpu.enqueue_dma source(%dma_start3A_75 : memref<1x1x128xi32, #tpu.memory_space<hbm>>) target(%arg6 : memref<1x1x128xi32, #tpu.memory_space<vmem>>) target_semaphore(%run_scoped3A_70 : memref<!tpu.dma_semaphore, #tpu.memory_space<semaphore_mem>>)
        %dma_wait3A = arith.constant 0 : i32
        %dma_wait3A_76 = arith.constant 0 : i32
        %dma_wait3A_77 = tpu.memref_slice %arg2[%add3A_22, %dma_wait3A, %dma_wait3A_76] : memref<2500x1x128xi32, #tpu.memory_space<hbm>> -> memref<1x1x128xi32, #tpu.memory_space<hbm>>
        %dma_wait3A_78 = arith.constant 0 : i32
        %dma_wait3A_79 = arith.constant 0 : i32
        %dma_wait3A_80 = tpu.memref_slice %arg2[%add3A_22, %dma_wait3A_78, %dma_wait3A_79] : memref<2500x1x128xi32, #tpu.memory_space<hbm>> -> memref<1x1x128xi32, #tpu.memory_space<hbm>>
        tpu.wait_dma2 semaphore(%run_scoped3A_70 : memref<!tpu.dma_semaphore, #tpu.memory_space<semaphore_mem>>) src(%dma_wait3A_80 : memref<1x1x128xi32, #tpu.memory_space<hbm>>) dst(%arg6 : memref<1x1x128xi32, #tpu.memory_space<vmem>>)
        tpu.yield
      }) : () -> ()
      %get3A = arith.constant 0 : i32
      %get3A_23 = arith.constant 0 : i32
      %get3A_24 = arith.index_cast %get3A : i32 to index
      %get3A_25 = arith.index_cast %get3A_23 : i32 to index
      %get3A_26 = arith.constant 0 : index
      %get3A_27 = tpu.vector_load %arg6[%get3A_24, %get3A_25, %get3A_26] {strides = array<i32>} : memref<1x1x128xi32, #tpu.memory_space<vmem>>, vector<16xi32>,
      tpu.vector_store_idx %arg4[%get3A_27], %broadcast_in_dim3A_3 {add = true} : memref<10000xf32, #tpu.memory_space<vmem>>[vector<16xi32>], vector<16xf32>,
      %get3A_28 = arith.constant 0 : i32
      %get3A_29 = arith.constant 0 : i32
      %get3A_30 = arith.index_cast %get3A_28 : i32 to index
      %get3A_31 = arith.index_cast %get3A_29 : i32 to index
      %get3A_32 = arith.constant 16 : index
      %get3A_33 = tpu.vector_load %arg6[%get3A_30, %get3A_31, %get3A_32] {strides = array<i32>} : memref<1x1x128xi32, #tpu.memory_space<vmem>>, vector<16xi32>,
      tpu.vector_store_idx %arg4[%get3A_33], %broadcast_in_dim3A_3 {add = true} : memref<10000xf32, #tpu.memory_space<vmem>>[vector<16xi32>], vector<16xf32>,
      %get3A_34 = arith.constant 0 : i32
      %get3A_35 = arith.constant 0 : i32
      %get3A_36 = arith.index_cast %get3A_34 : i32 to index
      %get3A_37 = arith.index_cast %get3A_35 : i32 to index
      %get3A_38 = arith.constant 32 : index
      %get3A_39 = tpu.vector_load %arg6[%get3A_36, %get3A_37, %get3A_38] {strides = array<i32>} : memref<1x1x128xi32, #tpu.memory_space<vmem>>, vector<16xi32>,
      tpu.vector_store_idx %arg4[%get3A_39], %broadcast_in_dim3A_3 {add = true} : memref<10000xf32, #tpu.memory_space<vmem>>[vector<16xi32>], vector<16xf32>,
      %get3A_40 = arith.constant 0 : i32
      %get3A_41 = arith.constant 0 : i32
      %get3A_42 = arith.index_cast %get3A_40 : i32 to index
      %get3A_43 = arith.index_cast %get3A_41 : i32 to index
      %get3A_44 = arith.constant 48 : index
      %get3A_45 = tpu.vector_load %arg6[%get3A_42, %get3A_43, %get3A_44] {strides = array<i32>} : memref<1x1x128xi32, #tpu.memory_space<vmem>>, vector<16xi32>,
      tpu.vector_store_idx %arg4[%get3A_45], %broadcast_in_dim3A_3 {add = true} : memref<10000xf32, #tpu.memory_space<vmem>>[vector<16xi32>], vector<16xf32>,
      %get3A_46 = arith.constant 0 : i32
      %get3A_47 = arith.constant 0 : i32
      %get3A_48 = arith.index_cast %get3A_46 : i32 to index
      %get3A_49 = arith.index_cast %get3A_47 : i32 to index
      %get3A_50 = arith.constant 64 : index
      %get3A_51 = tpu.vector_load %arg6[%get3A_48, %get3A_49, %get3A_50] {strides = array<i32>} : memref<1x1x128xi32, #tpu.memory_space<vmem>>, vector<16xi32>,
      tpu.vector_store_idx %arg4[%get3A_51], %broadcast_in_dim3A_3 {add = true} : memref<10000xf32, #tpu.memory_space<vmem>>[vector<16xi32>], vector<16xf32>,
      %get3A_52 = arith.constant 0 : i32
      %get3A_53 = arith.constant 0 : i32
      %get3A_54 = arith.index_cast %get3A_52 : i32 to index
      %get3A_55 = arith.index_cast %get3A_53 : i32 to index
      %get3A_56 = arith.constant 80 : index
      %get3A_57 = tpu.vector_load %arg6[%get3A_54, %get3A_55, %get3A_56] {strides = array<i32>} : memref<1x1x128xi32, #tpu.memory_space<vmem>>, vector<16xi32>,
      tpu.vector_store_idx %arg4[%get3A_57], %broadcast_in_dim3A_3 {add = true} : memref<10000xf32, #tpu.memory_space<vmem>>[vector<16xi32>], vector<16xf32>,
      %get3A_58 = arith.constant 0 : i32
      %get3A_59 = arith.constant 0 : i32
      %get3A_60 = arith.index_cast %get3A_58 : i32 to index
      %get3A_61 = arith.index_cast %get3A_59 : i32 to index
      %get3A_62 = arith.constant 96 : index
      %get3A_63 = tpu.vector_load %arg6[%get3A_60, %get3A_61, %get3A_62] {strides = array<i32>} : memref<1x1x128xi32, #tpu.memory_space<vmem>>, vector<16xi32>,
      tpu.vector_store_idx %arg4[%get3A_63], %broadcast_in_dim3A_3 {add = true} : memref<10000xf32, #tpu.memory_space<vmem>>[vector<16xi32>], vector<16xf32>,
      %get3A_64 = arith.constant 0 : i32
      %get3A_65 = arith.constant 0 : i32
      %get3A_66 = arith.index_cast %get3A_64 : i32 to index
      %get3A_67 = arith.index_cast %get3A_65 : i32 to index
      %get3A_68 = arith.constant 112 : index
      %get3A_69 = tpu.vector_load %arg6[%get3A_66, %get3A_67, %get3A_68] {strides = array<i32>} : memref<1x1x128xi32, #tpu.memory_space<vmem>>, vector<16xi32>,
      tpu.vector_store_idx %arg4[%get3A_69], %broadcast_in_dim3A_3 {add = true} : memref<10000xf32, #tpu.memory_space<vmem>>[vector<16xi32>], vector<16xf32>,
    } else {
    }
    %run_scoped3A = arith.constant 0 : i32
    "tpu.region"() ({
      %run_scoped3A_21 = tpu.sem_alloc : memref<!tpu.dma_semaphore, #tpu.memory_space<semaphore_mem>>
      %dma_start3A = arith.constant 0 : i32
      %dma_start3A_22 = tpu.memref_slice %arg3[%add3A, %run_scoped3A, %dma_start3A] : memref<32x1x10000xf32, #tpu.memory_space<hbm>> -> memref<1x1x10000xf32, #tpu.memory_space<hbm>>
      %dma_start3A_23 = tpu.memref_squeeze %dma_start3A_22 : memref<1x1x10000xf32, #tpu.memory_space<hbm>> -> memref<10000xf32, #tpu.memory_space<hbm>>
      %dma_start3A_24 = arith.constant 0 : i32
      %dma_start3A_25 = tpu.memref_slice %arg3[%add3A, %run_scoped3A, %dma_start3A_24] : memref<32x1x10000xf32, #tpu.memory_space<hbm>> -> memref<1x1x10000xf32, #tpu.memory_space<hbm>>
      %dma_start3A_26 = tpu.memref_squeeze %dma_start3A_25 : memref<1x1x10000xf32, #tpu.memory_space<hbm>> -> memref<10000xf32, #tpu.memory_space<hbm>>
      tpu.enqueue_dma source(%arg4 : memref<10000xf32, #tpu.memory_space<vmem>>) target(%dma_start3A_26 : memref<10000xf32, #tpu.memory_space<hbm>>) target_semaphore(%run_scoped3A_21 : memref<!tpu.dma_semaphore, #tpu.memory_space<semaphore_mem>>)
      %dma_wait3A = arith.constant 0 : i32
      %dma_wait3A_27 = tpu.memref_slice %arg3[%add3A, %run_scoped3A, %dma_wait3A] : memref<32x1x10000xf32, #tpu.memory_space<hbm>> -> memref<1x1x10000xf32, #tpu.memory_space<hbm>>
      %dma_wait3A_28 = tpu.memref_squeeze %dma_wait3A_27 : memref<1x1x10000xf32, #tpu.memory_space<hbm>> -> memref<10000xf32, #tpu.memory_space<hbm>>
      %dma_wait3A_29 = arith.constant 0 : i32
      %dma_wait3A_30 = tpu.memref_slice %arg3[%add3A, %run_scoped3A, %dma_wait3A_29] : memref<32x1x10000xf32, #tpu.memory_space<hbm>> -> memref<1x1x10000xf32, #tpu.memory_space<hbm>>
      %dma_wait3A_31 = tpu.memref_squeeze %dma_wait3A_30 : memref<1x1x10000xf32, #tpu.memory_space<hbm>> -> memref<10000xf32, #tpu.memory_space<hbm>>
      tpu.wait_dma2 semaphore(%run_scoped3A_21 : memref<!tpu.dma_semaphore, #tpu.memory_space<semaphore_mem>>) src(%arg4 : memref<10000xf32, #tpu.memory_space<vmem>>) dst(%dma_wait3A_31 : memref<10000xf32, #tpu.memory_space<hbm>>)
      tpu.yield
    }) : () -> ()
    return
  }
}

#map = affine_map<(d0, d1) -> (0, 0)>
#map1 = affine_map<(d0, d1) -> (0, 0, 0)>
module attributes {stable_mosaic.version = 14 : i64} {
  func.func @body(%arg0: i32, %arg1: i32, %arg2: memref<10000x128xf32, #tpu.memory_space<hbm>>, %arg3: memref<2500x1x128xi32, #tpu.memory_space<hbm>>, %arg4: memref<2500x1x128xi32, #tpu.memory_space<hbm>>, %arg5: memref<2x10000x128xf32, #tpu.memory_space<hbm>>, %arg6: memref<10000x128xf32, #tpu.memory_space<vmem_shared>>, %arg7: memref<78x1x128xi32, #tpu.memory_space<vmem>>, %arg8: memref<1x1x128xi32, #tpu.memory_space<vmem>>, %arg9: memref<1x1x128xi32, #tpu.memory_space<vmem>>, %arg10: memref<128x128xf32, #tpu.memory_space<vmem>>, %arg11: memref<128x128xf32, #tpu.memory_space<vmem>>, %arg12: memref<1x1x128xi32, #tpu.memory_space<vmem>>, %arg13: memref<1x1x128xi32, #tpu.memory_space<vmem>>, %arg14: memref<!tpu.dma_semaphore, #tpu.memory_space<semaphore_mem>>, %arg15: memref<!tpu.dma_semaphore, #tpu.memory_space<semaphore_mem>>, %arg16: memref<!tpu.dma_semaphore, #tpu.memory_space<semaphore_mem>>, %arg17: memref<!tpu.dma_semaphore, #tpu.memory_space<semaphore_mem>>, %arg18: memref<!tpu.dma_semaphore, #tpu.memory_space<semaphore_mem>>) attributes {dimension_semantics = [#tpu.dimension_semantics<core_parallel>, #tpu.dimension_semantics<subcore_parallel>], iteration_bounds = array<i64: 2, 16>, scalar_prefetch = 0 : i64, scratch_operands = 13 : i64, tpu.core_type = #tpu.core_type<sc_vector_subcore>, window_params = [{transform_indices = #map}, {transform_indices = #map1}, {transform_indices = #map1}, {transform_indices = #map1}]} {
    %mul3A = arith.constant 16 : i32
    %mul3A_0 = arith.muli %arg0, %mul3A : i32
    %add3A = arith.addi %mul3A_0, %arg1 : i32
    %mul3A_1 = arith.constant 624 : i32
    %mul3A_2 = arith.muli %arg1, %mul3A_1 : i32
    %broadcast_in_dim3A = arith.constant 0.000000e+00 : f32
    %broadcast_in_dim3A_3 = vector.broadcast %broadcast_in_dim3A : f32 to vector<16xf32>
    %mul3A_4 = arith.constant 78 : i32
    %mul3A_5 = arith.muli %add3A, %mul3A_4 : i32
    %dma_start3A = arith.constant 0 : i32
    %dma_start3A_6 = arith.constant 0 : i32
    %dma_start3A_7 = tpu.memref_slice %arg4[%mul3A_5, %dma_start3A, %dma_start3A_6] : memref<2500x1x128xi32, #tpu.memory_space<hbm>> -> memref<78x1x128xi32, #tpu.memory_space<hbm>>
    %dma_start3A_8 = arith.constant 0 : i32
    %dma_start3A_9 = arith.constant 0 : i32
    %dma_start3A_10 = tpu.memref_slice %arg4[%mul3A_5, %dma_start3A_8, %dma_start3A_9] : memref<2500x1x128xi32, #tpu.memory_space<hbm>> -> memref<78x1x128xi32, #tpu.memory_space<hbm>>
    tpu.enqueue_dma source(%dma_start3A_10 : memref<78x1x128xi32, #tpu.memory_space<hbm>>) target(%arg7 : memref<78x1x128xi32, #tpu.memory_space<vmem>>) target_semaphore(%arg14 : memref<!tpu.dma_semaphore, #tpu.memory_space<semaphore_mem>>)
    %mul3A_11 = arith.constant 78 : i32
    %mul3A_12 = arith.muli %add3A, %mul3A_11 : i32
    "tpu.region"() ({
      %run_scoped3A = tpu.sem_alloc : memref<!tpu.dma_semaphore, #tpu.memory_space<semaphore_mem>>
      %dma_start3A_61 = arith.constant 0 : i32
      %dma_start3A_62 = arith.constant 0 : i32
      %dma_start3A_63 = tpu.memref_slice %arg3[%mul3A_12, %dma_start3A_61, %dma_start3A_62] : memref<2500x1x128xi32, #tpu.memory_space<hbm>> -> memref<1x1x128xi32, #tpu.memory_space<hbm>>
      %dma_start3A_64 = arith.constant 0 : i32
      %dma_start3A_65 = arith.constant 0 : i32
      %dma_start3A_66 = tpu.memref_slice %arg3[%mul3A_12, %dma_start3A_64, %dma_start3A_65] : memref<2500x1x128xi32, #tpu.memory_space<hbm>> -> memref<1x1x128xi32, #tpu.memory_space<hbm>>
      tpu.enqueue_dma source(%dma_start3A_66 : memref<1x1x128xi32, #tpu.memory_space<hbm>>) target(%arg8 : memref<1x1x128xi32, #tpu.memory_space<vmem>>) target_semaphore(%run_scoped3A : memref<!tpu.dma_semaphore, #tpu.memory_space<semaphore_mem>>)
      %dma_wait3A_67 = arith.constant 0 : i32
      %dma_wait3A_68 = arith.constant 0 : i32
      %dma_wait3A_69 = tpu.memref_slice %arg3[%mul3A_12, %dma_wait3A_67, %dma_wait3A_68] : memref<2500x1x128xi32, #tpu.memory_space<hbm>> -> memref<1x1x128xi32, #tpu.memory_space<hbm>>
      %dma_wait3A_70 = arith.constant 0 : i32
      %dma_wait3A_71 = arith.constant 0 : i32
      %dma_wait3A_72 = tpu.memref_slice %arg3[%mul3A_12, %dma_wait3A_70, %dma_wait3A_71] : memref<2500x1x128xi32, #tpu.memory_space<hbm>> -> memref<1x1x128xi32, #tpu.memory_space<hbm>>
      tpu.wait_dma2 semaphore(%run_scoped3A : memref<!tpu.dma_semaphore, #tpu.memory_space<semaphore_mem>>) src(%dma_wait3A_72 : memref<1x1x128xi32, #tpu.memory_space<hbm>>) dst(%arg8 : memref<1x1x128xi32, #tpu.memory_space<vmem>>)
      tpu.yield
    }) : () -> ()
    %scan3A = arith.constant 0 : i32
    %scan3A_13 = arith.constant 0 : i32
    %scan3A_14 = arith.constant 1024 : i32
    %scan3A_15 = arith.addi %scan3A_13, %scan3A_14 : i32
    %scan3A_16 = arith.constant 1 : i32
    %scan3A_17 = scf.for %scan3A_61 = %scan3A_13 to %scan3A_15 step %scan3A_16 iter_args(%scan3A_62 = %scan3A) -> (i32)  : i32 {
      %jit3A = arith.constant 8 : i32
      %div3A = arith.divsi %scan3A_61, %jit3A : i32
      %sign3A = arith.constant 0 : i32
      %sign3A_63 = arith.cmpi sgt, %scan3A_61, %sign3A : i32
      %sign3A_64 = arith.extui %sign3A_63 : i1 to i32
      %sign3A_65 = arith.constant 0 : i32
      %sign3A_66 = arith.cmpi slt, %scan3A_61, %sign3A_65 : i32
      %sign3A_67 = arith.extui %sign3A_66 : i1 to i32
      %sign3A_68 = arith.subi %sign3A_64, %sign3A_67 : i32
      %sign3A_69 = arith.constant 0 : i32
      %sign3A_70 = arith.cmpi sgt, %jit3A, %sign3A_69 : i32
      %sign3A_71 = arith.extui %sign3A_70 : i1 to i32
      %sign3A_72 = arith.constant 0 : i32
      %sign3A_73 = arith.cmpi slt, %jit3A, %sign3A_72 : i32
      %sign3A_74 = arith.extui %sign3A_73 : i1 to i32
      %sign3A_75 = arith.subi %sign3A_71, %sign3A_74 : i32
      %ne3A = arith.cmpi ne, %sign3A_68, %sign3A_75 : i32
      %rem3A = arith.remsi %scan3A_61, %jit3A : i32
      %ne3A_76 = arith.constant 0 : i32
      %ne3A_77 = arith.cmpi ne, %rem3A, %ne3A_76 : i32
      %and3A = arith.andi %ne3A, %ne3A_77 : i1
      %sub3A = arith.constant 1 : i32
      %sub3A_78 = arith.subi %div3A, %sub3A : i32
      %select_n3A = arith.select %and3A, %sub3A_78, %div3A : i32
      %jit3A_79 = arith.constant 8 : i32
      %eq3A_80 = arith.constant 0 : i32
      %eq3A_81 = arith.cmpi eq, %jit3A_79, %eq3A_80 : i32
      %jit3A_82 = arith.constant 1 : i32
      %select_n3A_83 = arith.select %eq3A_81, %jit3A_82, %jit3A_79 : i32
      %rem3A_84 = arith.remsi %scan3A_61, %select_n3A_83 : i32
      %ne3A_85 = arith.constant 0 : i32
      %ne3A_86 = arith.cmpi ne, %rem3A_84, %ne3A_85 : i32
      %lt3A_87 = arith.constant 0 : i32
      %lt3A_88 = arith.cmpi slt, %rem3A_84, %lt3A_87 : i32
      %lt3A_89 = arith.constant 0 : i32
      %lt3A_90 = arith.cmpi slt, %select_n3A_83, %lt3A_89 : i32
      %ne3A_91 = arith.xori %lt3A_88, %lt3A_90 : i1
      %and3A_92 = arith.andi %ne3A_91, %ne3A_86 : i1
      %add3A_93 = arith.addi %rem3A_84, %select_n3A_83 : i32
      %select_n3A_94 = arith.select %and3A_92, %add3A_93, %rem3A_84 : i32
      %mul3A_95 = arith.constant 16 : i32
      %mul3A_96 = arith.muli %select_n3A_94, %mul3A_95 : i32
      %swap3A = arith.index_cast %select_n3A : i32 to index
      %swap3A_97 = arith.index_cast %mul3A_96 : i32 to index
      %swap3A_98 = tpu.vector_load %arg10[%swap3A, %swap3A_97] {strides = array<i32>} : memref<128x128xf32, #tpu.memory_space<vmem>>, vector<16xf32>,
      tpu.vector_store %arg10[%swap3A, %swap3A_97], %broadcast_in_dim3A_3 {strides = array<i32>} : memref<128x128xf32, #tpu.memory_space<vmem>>, vector<16xf32>,
      %scan3A_99 = arith.constant 0 : i32
      scf.yield %scan3A_99 : i32
    }
    %scan3A_18 = arith.constant 1024 : i32
    %add3A_19 = arith.constant 0 : i32
    %add3A_20 = arith.addi %mul3A_2, %add3A_19 : i32
    "tpu.region"() ({
      %run_scoped3A = tpu.sem_alloc : memref<!tpu.dma_semaphore, #tpu.memory_space<semaphore_mem>>
      %dma_start3A_61 = arith.constant 0 : i32
      %dma_start3A_62 = tpu.memref_slice %arg6[%add3A_20, %dma_start3A_61] : memref<10000x128xf32, #tpu.memory_space<vmem_shared>> -> memref<128x128xf32, #tpu.memory_space<vmem_shared>>
      %dma_start3A_63 = arith.constant 0 : i32
      %dma_start3A_64 = tpu.memref_slice %arg6[%add3A_20, %dma_start3A_63] : memref<10000x128xf32, #tpu.memory_space<vmem_shared>> -> memref<128x128xf32, #tpu.memory_space<vmem_shared>>
      tpu.enqueue_dma source(%arg10 : memref<128x128xf32, #tpu.memory_space<vmem>>) target(%dma_start3A_64 : memref<128x128xf32, #tpu.memory_space<vmem_shared>>) target_semaphore(%run_scoped3A : memref<!tpu.dma_semaphore, #tpu.memory_space<semaphore_mem>>)
      %dma_wait3A_65 = arith.constant 0 : i32
      %dma_wait3A_66 = tpu.memref_slice %arg6[%add3A_20, %dma_wait3A_65] : memref<10000x128xf32, #tpu.memory_space<vmem_shared>> -> memref<128x128xf32, #tpu.memory_space<vmem_shared>>
      %dma_wait3A_67 = arith.constant 0 : i32
      %dma_wait3A_68 = tpu.memref_slice %arg6[%add3A_20, %dma_wait3A_67] : memref<10000x128xf32, #tpu.memory_space<vmem_shared>> -> memref<128x128xf32, #tpu.memory_space<vmem_shared>>
      tpu.wait_dma2 semaphore(%run_scoped3A : memref<!tpu.dma_semaphore, #tpu.memory_space<semaphore_mem>>) src(%arg10 : memref<128x128xf32, #tpu.memory_space<vmem>>) dst(%dma_wait3A_68 : memref<128x128xf32, #tpu.memory_space<vmem_shared>>)
      tpu.yield
    }) : () -> ()
    %add3A_21 = arith.constant 128 : i32
    %add3A_22 = arith.addi %mul3A_2, %add3A_21 : i32
    "tpu.region"() ({
      %run_scoped3A = tpu.sem_alloc : memref<!tpu.dma_semaphore, #tpu.memory_space<semaphore_mem>>
      %dma_start3A_61 = arith.constant 0 : i32
      %dma_start3A_62 = tpu.memref_slice %arg6[%add3A_22, %dma_start3A_61] : memref<10000x128xf32, #tpu.memory_space<vmem_shared>> -> memref<128x128xf32, #tpu.memory_space<vmem_shared>>
      %dma_start3A_63 = arith.constant 0 : i32
      %dma_start3A_64 = tpu.memref_slice %arg6[%add3A_22, %dma_start3A_63] : memref<10000x128xf32, #tpu.memory_space<vmem_shared>> -> memref<128x128xf32, #tpu.memory_space<vmem_shared>>
      tpu.enqueue_dma source(%arg10 : memref<128x128xf32, #tpu.memory_space<vmem>>) target(%dma_start3A_64 : memref<128x128xf32, #tpu.memory_space<vmem_shared>>) target_semaphore(%run_scoped3A : memref<!tpu.dma_semaphore, #tpu.memory_space<semaphore_mem>>)
      %dma_wait3A_65 = arith.constant 0 : i32
      %dma_wait3A_66 = tpu.memref_slice %arg6[%add3A_22, %dma_wait3A_65] : memref<10000x128xf32, #tpu.memory_space<vmem_shared>> -> memref<128x128xf32, #tpu.memory_space<vmem_shared>>
      %dma_wait3A_67 = arith.constant 0 : i32
      %dma_wait3A_68 = tpu.memref_slice %arg6[%add3A_22, %dma_wait3A_67] : memref<10000x128xf32, #tpu.memory_space<vmem_shared>> -> memref<128x128xf32, #tpu.memory_space<vmem_shared>>
      tpu.wait_dma2 semaphore(%run_scoped3A : memref<!tpu.dma_semaphore, #tpu.memory_space<semaphore_mem>>) src(%arg10 : memref<128x128xf32, #tpu.memory_space<vmem>>) dst(%dma_wait3A_68 : memref<128x128xf32, #tpu.memory_space<vmem_shared>>)
      tpu.yield
    }) : () -> ()
    %add3A_23 = arith.constant 256 : i32
    %add3A_24 = arith.addi %mul3A_2, %add3A_23 : i32
    "tpu.region"() ({
      %run_scoped3A = tpu.sem_alloc : memref<!tpu.dma_semaphore, #tpu.memory_space<semaphore_mem>>
      %dma_start3A_61 = arith.constant 0 : i32
      %dma_start3A_62 = tpu.memref_slice %arg6[%add3A_24, %dma_start3A_61] : memref<10000x128xf32, #tpu.memory_space<vmem_shared>> -> memref<128x128xf32, #tpu.memory_space<vmem_shared>>
      %dma_start3A_63 = arith.constant 0 : i32
      %dma_start3A_64 = tpu.memref_slice %arg6[%add3A_24, %dma_start3A_63] : memref<10000x128xf32, #tpu.memory_space<vmem_shared>> -> memref<128x128xf32, #tpu.memory_space<vmem_shared>>
      tpu.enqueue_dma source(%arg10 : memref<128x128xf32, #tpu.memory_space<vmem>>) target(%dma_start3A_64 : memref<128x128xf32, #tpu.memory_space<vmem_shared>>) target_semaphore(%run_scoped3A : memref<!tpu.dma_semaphore, #tpu.memory_space<semaphore_mem>>)
      %dma_wait3A_65 = arith.constant 0 : i32
      %dma_wait3A_66 = tpu.memref_slice %arg6[%add3A_24, %dma_wait3A_65] : memref<10000x128xf32, #tpu.memory_space<vmem_shared>> -> memref<128x128xf32, #tpu.memory_space<vmem_shared>>
      %dma_wait3A_67 = arith.constant 0 : i32
      %dma_wait3A_68 = tpu.memref_slice %arg6[%add3A_24, %dma_wait3A_67] : memref<10000x128xf32, #tpu.memory_space<vmem_shared>> -> memref<128x128xf32, #tpu.memory_space<vmem_shared>>
      tpu.wait_dma2 semaphore(%run_scoped3A : memref<!tpu.dma_semaphore, #tpu.memory_space<semaphore_mem>>) src(%arg10 : memref<128x128xf32, #tpu.memory_space<vmem>>) dst(%dma_wait3A_68 : memref<128x128xf32, #tpu.memory_space<vmem_shared>>)
      tpu.yield
    }) : () -> ()
    %add3A_25 = arith.constant 384 : i32
    %add3A_26 = arith.addi %mul3A_2, %add3A_25 : i32
    "tpu.region"() ({
      %run_scoped3A = tpu.sem_alloc : memref<!tpu.dma_semaphore, #tpu.memory_space<semaphore_mem>>
      %dma_start3A_61 = arith.constant 0 : i32
      %dma_start3A_62 = tpu.memref_slice %arg6[%add3A_26, %dma_start3A_61] : memref<10000x128xf32, #tpu.memory_space<vmem_shared>> -> memref<128x128xf32, #tpu.memory_space<vmem_shared>>
      %dma_start3A_63 = arith.constant 0 : i32
      %dma_start3A_64 = tpu.memref_slice %arg6[%add3A_26, %dma_start3A_63] : memref<10000x128xf32, #tpu.memory_space<vmem_shared>> -> memref<128x128xf32, #tpu.memory_space<vmem_shared>>
      tpu.enqueue_dma source(%arg10 : memref<128x128xf32, #tpu.memory_space<vmem>>) target(%dma_start3A_64 : memref<128x128xf32, #tpu.memory_space<vmem_shared>>) target_semaphore(%run_scoped3A : memref<!tpu.dma_semaphore, #tpu.memory_space<semaphore_mem>>)
      %dma_wait3A_65 = arith.constant 0 : i32
      %dma_wait3A_66 = tpu.memref_slice %arg6[%add3A_26, %dma_wait3A_65] : memref<10000x128xf32, #tpu.memory_space<vmem_shared>> -> memref<128x128xf32, #tpu.memory_space<vmem_shared>>
      %dma_wait3A_67 = arith.constant 0 : i32
      %dma_wait3A_68 = tpu.memref_slice %arg6[%add3A_26, %dma_wait3A_67] : memref<10000x128xf32, #tpu.memory_space<vmem_shared>> -> memref<128x128xf32, #tpu.memory_space<vmem_shared>>
      tpu.wait_dma2 semaphore(%run_scoped3A : memref<!tpu.dma_semaphore, #tpu.memory_space<semaphore_mem>>) src(%arg10 : memref<128x128xf32, #tpu.memory_space<vmem>>) dst(%dma_wait3A_68 : memref<128x128xf32, #tpu.memory_space<vmem_shared>>)
      tpu.yield
    }) : () -> ()
    %add3A_27 = arith.constant 512 : i32
    %add3A_28 = arith.addi %mul3A_2, %add3A_27 : i32
    "tpu.region"() ({
      %run_scoped3A = tpu.sem_alloc : memref<!tpu.dma_semaphore, #tpu.memory_space<semaphore_mem>>
      %dma_start3A_61 = arith.constant 0 : i32
      %dma_start3A_62 = arith.constant 0 : i32
      %dma_start3A_63 = tpu.memref_slice %arg10[%dma_start3A_61, %dma_start3A_62] : memref<128x128xf32, #tpu.memory_space<vmem>> -> memref<112x128xf32, #tpu.memory_space<vmem>>
      %dma_start3A_64 = arith.constant 0 : i32
      %dma_start3A_65 = tpu.memref_slice %arg6[%add3A_28, %dma_start3A_64] : memref<10000x128xf32, #tpu.memory_space<vmem_shared>> -> memref<112x128xf32, #tpu.memory_space<vmem_shared>>
      %dma_start3A_66 = arith.constant 0 : i32
      %dma_start3A_67 = tpu.memref_slice %arg6[%add3A_28, %dma_start3A_66] : memref<10000x128xf32, #tpu.memory_space<vmem_shared>> -> memref<112x128xf32, #tpu.memory_space<vmem_shared>>
      %dma_start3A_68 = arith.constant 0 : i32
      %dma_start3A_69 = arith.constant 0 : i32
      %dma_start3A_70 = tpu.memref_slice %arg10[%dma_start3A_68, %dma_start3A_69] : memref<128x128xf32, #tpu.memory_space<vmem>> -> memref<112x128xf32, #tpu.memory_space<vmem>>
      tpu.enqueue_dma source(%dma_start3A_70 : memref<112x128xf32, #tpu.memory_space<vmem>>) target(%dma_start3A_67 : memref<112x128xf32, #tpu.memory_space<vmem_shared>>) target_semaphore(%run_scoped3A : memref<!tpu.dma_semaphore, #tpu.memory_space<semaphore_mem>>)
      %dma_wait3A_71 = arith.constant 0 : i32
      %dma_wait3A_72 = arith.constant 0 : i32
      %dma_wait3A_73 = tpu.memref_slice %arg10[%dma_wait3A_71, %dma_wait3A_72] : memref<128x128xf32, #tpu.memory_space<vmem>> -> memref<112x128xf32, #tpu.memory_space<vmem>>
      %dma_wait3A_74 = arith.constant 0 : i32
      %dma_wait3A_75 = tpu.memref_slice %arg6[%add3A_28, %dma_wait3A_74] : memref<10000x128xf32, #tpu.memory_space<vmem_shared>> -> memref<112x128xf32, #tpu.memory_space<vmem_shared>>
      %dma_wait3A_76 = arith.constant 0 : i32
      %dma_wait3A_77 = tpu.memref_slice %arg6[%add3A_28, %dma_wait3A_76] : memref<10000x128xf32, #tpu.memory_space<vmem_shared>> -> memref<112x128xf32, #tpu.memory_space<vmem_shared>>
      %dma_wait3A_78 = arith.constant 0 : i32
      %dma_wait3A_79 = arith.constant 0 : i32
      %dma_wait3A_80 = tpu.memref_slice %arg10[%dma_wait3A_78, %dma_wait3A_79] : memref<128x128xf32, #tpu.memory_space<vmem>> -> memref<112x128xf32, #tpu.memory_space<vmem>>
      tpu.wait_dma2 semaphore(%run_scoped3A : memref<!tpu.dma_semaphore, #tpu.memory_space<semaphore_mem>>) src(%dma_wait3A_80 : memref<112x128xf32, #tpu.memory_space<vmem>>) dst(%dma_wait3A_77 : memref<112x128xf32, #tpu.memory_space<vmem_shared>>)
      tpu.yield
    }) : () -> ()
    %eq3A = arith.constant 15 : i32
    %eq3A_29 = arith.cmpi eq, %arg1, %eq3A : i32
    %convert_element_type3A = arith.extui %eq3A_29 : i1 to i32
    %cond3A = arith.constant 0 : i32
    %cond3A_30 = arith.cmpi ne, %convert_element_type3A, %cond3A : i32
    scf.if %cond3A_30 {
      "tpu.region"() ({
        %run_scoped3A = tpu.sem_alloc : memref<!tpu.dma_semaphore, #tpu.memory_space<semaphore_mem>>
        %dma_start3A_61 = arith.constant 0 : i32
        %dma_start3A_62 = arith.constant 0 : i32
        %dma_start3A_63 = tpu.memref_slice %arg10[%dma_start3A_61, %dma_start3A_62] : memref<128x128xf32, #tpu.memory_space<vmem>> -> memref<16x128xf32, #tpu.memory_space<vmem>>
        %dma_start3A_64 = arith.constant 9984 : i32
        %dma_start3A_65 = arith.constant 0 : i32
        %dma_start3A_66 = tpu.memref_slice %arg6[%dma_start3A_64, %dma_start3A_65] : memref<10000x128xf32, #tpu.memory_space<vmem_shared>> -> memref<16x128xf32, #tpu.memory_space<vmem_shared>>
        %dma_start3A_67 = arith.constant 9984 : i32
        %dma_start3A_68 = arith.constant 0 : i32
        %dma_start3A_69 = tpu.memref_slice %arg6[%dma_start3A_67, %dma_start3A_68] : memref<10000x128xf32, #tpu.memory_space<vmem_shared>> -> memref<16x128xf32, #tpu.memory_space<vmem_shared>>
        %dma_start3A_70 = arith.constant 0 : i32
        %dma_start3A_71 = arith.constant 0 : i32
        %dma_start3A_72 = tpu.memref_slice %arg10[%dma_start3A_70, %dma_start3A_71] : memref<128x128xf32, #tpu.memory_space<vmem>> -> memref<16x128xf32, #tpu.memory_space<vmem>>
        tpu.enqueue_dma source(%dma_start3A_72 : memref<16x128xf32, #tpu.memory_space<vmem>>) target(%dma_start3A_69 : memref<16x128xf32, #tpu.memory_space<vmem_shared>>) target_semaphore(%run_scoped3A : memref<!tpu.dma_semaphore, #tpu.memory_space<semaphore_mem>>)
        %dma_wait3A_73 = arith.constant 0 : i32
        %dma_wait3A_74 = arith.constant 0 : i32
        %dma_wait3A_75 = tpu.memref_slice %arg10[%dma_wait3A_73, %dma_wait3A_74] : memref<128x128xf32, #tpu.memory_space<vmem>> -> memref<16x128xf32, #tpu.memory_space<vmem>>
        %dma_wait3A_76 = arith.constant 9984 : i32
        %dma_wait3A_77 = arith.constant 0 : i32
        %dma_wait3A_78 = tpu.memref_slice %arg6[%dma_wait3A_76, %dma_wait3A_77] : memref<10000x128xf32, #tpu.memory_space<vmem_shared>> -> memref<16x128xf32, #tpu.memory_space<vmem_shared>>
        %dma_wait3A_79 = arith.constant 9984 : i32
        %dma_wait3A_80 = arith.constant 0 : i32
        %dma_wait3A_81 = tpu.memref_slice %arg6[%dma_wait3A_79, %dma_wait3A_80] : memref<10000x128xf32, #tpu.memory_space<vmem_shared>> -> memref<16x128xf32, #tpu.memory_space<vmem_shared>>
        %dma_wait3A_82 = arith.constant 0 : i32
        %dma_wait3A_83 = arith.constant 0 : i32
        %dma_wait3A_84 = tpu.memref_slice %arg10[%dma_wait3A_82, %dma_wait3A_83] : memref<128x128xf32, #tpu.memory_space<vmem>> -> memref<16x128xf32, #tpu.memory_space<vmem>>
        tpu.wait_dma2 semaphore(%run_scoped3A : memref<!tpu.dma_semaphore, #tpu.memory_space<semaphore_mem>>) src(%dma_wait3A_84 : memref<16x128xf32, #tpu.memory_space<vmem>>) dst(%dma_wait3A_81 : memref<16x128xf32, #tpu.memory_space<vmem_shared>>)
        tpu.yield
      }) : () -> ()
    } else {
    }
    %dma_wait3A = arith.constant 0 : i32
    %dma_wait3A_31 = arith.constant 0 : i32
    %dma_wait3A_32 = tpu.memref_slice %arg4[%mul3A_5, %dma_wait3A, %dma_wait3A_31] : memref<2500x1x128xi32, #tpu.memory_space<hbm>> -> memref<78x1x128xi32, #tpu.memory_space<hbm>>
    %dma_wait3A_33 = arith.constant 0 : i32
    %dma_wait3A_34 = arith.constant 0 : i32
    %dma_wait3A_35 = tpu.memref_slice %arg4[%mul3A_5, %dma_wait3A_33, %dma_wait3A_34] : memref<2500x1x128xi32, #tpu.memory_space<hbm>> -> memref<78x1x128xi32, #tpu.memory_space<hbm>>
    tpu.wait_dma2 semaphore(%arg14 : memref<!tpu.dma_semaphore, #tpu.memory_space<semaphore_mem>>) src(%dma_wait3A_35 : memref<78x1x128xi32, #tpu.memory_space<hbm>>) dst(%arg7 : memref<78x1x128xi32, #tpu.memory_space<vmem>>)
    %barrier3A = arith.constant 0 : index
    tpu.barrier barrier_id(%barrier3A)
    %dma_start3A_36 = arith.constant 0 : i32
    %dma_start3A_37 = arith.constant 0 : i32
    %dma_start3A_38 = arith.constant 0 : i32
    %dma_start3A_39 = tpu.memref_slice %arg7[%dma_start3A_36, %dma_start3A_37, %dma_start3A_38] : memref<78x1x128xi32, #tpu.memory_space<vmem>> -> memref<1x1x128xi32, #tpu.memory_space<vmem>>
    %dma_start3A_40 = tpu.memref_squeeze %dma_start3A_39 : memref<1x1x128xi32, #tpu.memory_space<vmem>> -> memref<128xi32, #tpu.memory_space<vmem>>
    %dma_start3A_41 = arith.constant 0 : i32
    %dma_start3A_42 = arith.constant 0 : i32
    %dma_start3A_43 = tpu.memref_slice %arg2[%dma_start3A_41, %dma_start3A_42] : memref<10000x128xf32, #tpu.memory_space<hbm>> -> memref<10000x128xf32, #tpu.memory_space<hbm>>
    tpu.enqueue_indirect_dma source(%dma_start3A_43 : memref<10000x128xf32, #tpu.memory_space<hbm>>) target(%arg10 : memref<128x128xf32, #tpu.memory_space<vmem>>) offsets(%dma_start3A_40 : memref<128xi32, #tpu.memory_space<vmem>>) semaphore(%arg15 : memref<!tpu.dma_semaphore, #tpu.memory_space<semaphore_mem>>)
    %scan3A_44 = arith.constant 0 : i32
    %scan3A_45 = arith.constant 0 : i32
    %scan3A_46 = arith.constant 39 : i32
    %scan3A_47 = arith.addi %scan3A_45, %scan3A_46 : i32
    %scan3A_48 = arith.constant 1 : i32
    %scan3A_49 = scf.for %scan3A_61 = %scan3A_45 to %scan3A_47 step %scan3A_48 iter_args(%scan3A_62 = %scan3A_44) -> (i32)  : i32 {
      %mul3A_63 = arith.constant 2 : i32
      %mul3A_64 = arith.muli %mul3A_63, %scan3A_61 : i32
      %add3A_65 = arith.constant 0 : i32
      %add3A_66 = arith.addi %mul3A_64, %add3A_65 : i32
      %dma_wait3A_67 = arith.constant 0 : i32
      %dma_wait3A_68 = arith.constant 0 : i32
      %dma_wait3A_69 = tpu.memref_slice %arg7[%add3A_66, %dma_wait3A_67, %dma_wait3A_68] : memref<78x1x128xi32, #tpu.memory_space<vmem>> -> memref<1x1x128xi32, #tpu.memory_space<vmem>>
      %dma_wait3A_70 = tpu.memref_squeeze %dma_wait3A_69 : memref<1x1x128xi32, #tpu.memory_space<vmem>> -> memref<128xi32, #tpu.memory_space<vmem>>
      %dma_wait3A_71 = arith.constant 0 : i32
      %dma_wait3A_72 = arith.constant 0 : i32
      %dma_wait3A_73 = tpu.memref_slice %arg2[%dma_wait3A_71, %dma_wait3A_72] : memref<10000x128xf32, #tpu.memory_space<hbm>> -> memref<10000x128xf32, #tpu.memory_space<hbm>>
      tpu.wait_indirect_dma semaphore(%arg15 : memref<!tpu.dma_semaphore, #tpu.memory_space<semaphore_mem>>) src(%dma_wait3A_73 : memref<10000x128xf32, #tpu.memory_space<hbm>>) dst(%arg10 : memref<128x128xf32, #tpu.memory_space<vmem>>)
      %add3A_74 = arith.constant 1 : i32
      %add3A_75 = arith.addi %add3A_66, %add3A_74 : i32
      %lt3A_76 = arith.constant 78 : i32
      %lt3A_77 = arith.cmpi slt, %add3A_75, %lt3A_76 : i32
      %convert_element_type3A_78 = arith.extui %lt3A_77 : i1 to i32
      %cond3A_79 = arith.constant 0 : i32
      %cond3A_80 = arith.cmpi ne, %convert_element_type3A_78, %cond3A_79 : i32
      scf.if %cond3A_80 {
        %add3A_116 = arith.constant 1 : i32
        %add3A_117 = arith.addi %add3A_66, %add3A_116 : i32
        %dma_start3A_118 = arith.constant 0 : i32
        %dma_start3A_119 = arith.constant 0 : i32
        %dma_start3A_120 = tpu.memref_slice %arg7[%add3A_117, %dma_start3A_118, %dma_start3A_119] : memref<78x1x128xi32, #tpu.memory_space<vmem>> -> memref<1x1x128xi32, #tpu.memory_space<vmem>>
        %dma_start3A_121 = tpu.memref_squeeze %dma_start3A_120 : memref<1x1x128xi32, #tpu.memory_space<vmem>> -> memref<128xi32, #tpu.memory_space<vmem>>
        %dma_start3A_122 = arith.constant 0 : i32
        %dma_start3A_123 = arith.constant 0 : i32
        %dma_start3A_124 = tpu.memref_slice %arg2[%dma_start3A_122, %dma_start3A_123] : memref<10000x128xf32, #tpu.memory_space<hbm>> -> memref<10000x128xf32, #tpu.memory_space<hbm>>
        tpu.enqueue_indirect_dma source(%dma_start3A_124 : memref<10000x128xf32, #tpu.memory_space<hbm>>) target(%arg11 : memref<128x128xf32, #tpu.memory_space<vmem>>) offsets(%dma_start3A_121 : memref<128xi32, #tpu.memory_space<vmem>>) semaphore(%arg16 : memref<!tpu.dma_semaphore, #tpu.memory_space<semaphore_mem>>)
        %add3A_125 = arith.constant 1 : i32
        %add3A_126 = arith.addi %add3A_66, %add3A_125 : i32
        %mul3A_127 = arith.constant 78 : i32
        %mul3A_128 = arith.muli %add3A, %mul3A_127 : i32
        %add3A_129 = arith.addi %mul3A_128, %add3A_126 : i32
        %dma_start3A_130 = arith.constant 0 : i32
        %dma_start3A_131 = arith.constant 0 : i32
        %dma_start3A_132 = tpu.memref_slice %arg3[%add3A_129, %dma_start3A_130, %dma_start3A_131] : memref<2500x1x128xi32, #tpu.memory_space<hbm>> -> memref<1x1x128xi32, #tpu.memory_space<hbm>>
        %dma_start3A_133 = arith.constant 0 : i32
        %dma_start3A_134 = arith.constant 0 : i32
        %dma_start3A_135 = tpu.memref_slice %arg3[%add3A_129, %dma_start3A_133, %dma_start3A_134] : memref<2500x1x128xi32, #tpu.memory_space<hbm>> -> memref<1x1x128xi32, #tpu.memory_space<hbm>>
        tpu.enqueue_dma source(%dma_start3A_135 : memref<1x1x128xi32, #tpu.memory_space<hbm>>) target(%arg9 : memref<1x1x128xi32, #tpu.memory_space<vmem>>) target_semaphore(%arg18 : memref<!tpu.dma_semaphore, #tpu.memory_space<semaphore_mem>>)
      } else {
      }
      %gt3A = arith.constant 0 : i32
      %gt3A_81 = arith.cmpi sgt, %add3A_66, %gt3A : i32
      %convert_element_type3A_82 = arith.extui %gt3A_81 : i1 to i32
      %cond3A_83 = arith.constant 0 : i32
      %cond3A_84 = arith.cmpi ne, %convert_element_type3A_82, %cond3A_83 : i32
      scf.if %cond3A_84 {
        %mul3A_116 = arith.constant 78 : i32
        %mul3A_117 = arith.muli %add3A, %mul3A_116 : i32
        %add3A_118 = arith.addi %mul3A_117, %add3A_66 : i32
        %dma_wait3A_119 = arith.constant 0 : i32
        %dma_wait3A_120 = arith.constant 0 : i32
        %dma_wait3A_121 = tpu.memref_slice %arg3[%add3A_118, %dma_wait3A_119, %dma_wait3A_120] : memref<2500x1x128xi32, #tpu.memory_space<hbm>> -> memref<1x1x128xi32, #tpu.memory_space<hbm>>
        %dma_wait3A_122 = arith.constant 0 : i32
        %dma_wait3A_123 = arith.constant 0 : i32
        %dma_wait3A_124 = tpu.memref_slice %arg3[%add3A_118, %dma_wait3A_122, %dma_wait3A_123] : memref<2500x1x128xi32, #tpu.memory_space<hbm>> -> memref<1x1x128xi32, #tpu.memory_space<hbm>>
        tpu.wait_dma2 semaphore(%arg17 : memref<!tpu.dma_semaphore, #tpu.memory_space<semaphore_mem>>) src(%dma_wait3A_124 : memref<1x1x128xi32, #tpu.memory_space<hbm>>) dst(%arg8 : memref<1x1x128xi32, #tpu.memory_space<vmem>>)
      } else {
      }
      %run_scoped3A = arith.constant 0 : i32
      %run_scoped3A_85 = arith.constant 0 : i32
      "tpu.region"() ({
        %run_scoped3A_116 = tpu.sem_alloc : memref<!tpu.dma_semaphore, #tpu.memory_space<semaphore_mem>>
        %dma_start3A_117 = arith.constant 0 : i32
        %dma_start3A_118 = tpu.memref_slice %arg8[%run_scoped3A, %run_scoped3A_85, %dma_start3A_117] : memref<1x1x128xi32, #tpu.memory_space<vmem>> -> memref<1x1x128xi32, #tpu.memory_space<vmem>>
        %dma_start3A_119 = tpu.memref_squeeze %dma_start3A_118 : memref<1x1x128xi32, #tpu.memory_space<vmem>> -> memref<128xi32, #tpu.memory_space<vmem>>
        %dma_start3A_120 = arith.constant 0 : i32
        %dma_start3A_121 = arith.constant 0 : i32
        %dma_start3A_122 = tpu.memref_slice %arg6[%dma_start3A_120, %dma_start3A_121] : memref<10000x128xf32, #tpu.memory_space<vmem_shared>> -> memref<10000x128xf32, #tpu.memory_space<vmem_shared>>
        tpu.enqueue_indirect_dma source(%arg10 : memref<128x128xf32, #tpu.memory_space<vmem>>) target(%dma_start3A_122 : memref<10000x128xf32, #tpu.memory_space<vmem_shared>>) offsets(%dma_start3A_119 : memref<128xi32, #tpu.memory_space<vmem>>) semaphore(%run_scoped3A_116 : memref<!tpu.dma_semaphore, #tpu.memory_space<semaphore_mem>>) {add = true}
        %dma_wait3A_123 = arith.constant 0 : i32
        %dma_wait3A_124 = tpu.memref_slice %arg8[%run_scoped3A, %run_scoped3A_85, %dma_wait3A_123] : memref<1x1x128xi32, #tpu.memory_space<vmem>> -> memref<1x1x128xi32, #tpu.memory_space<vmem>>
        %dma_wait3A_125 = tpu.memref_squeeze %dma_wait3A_124 : memref<1x1x128xi32, #tpu.memory_space<vmem>> -> memref<128xi32, #tpu.memory_space<vmem>>
        %dma_wait3A_126 = arith.constant 0 : i32
        %dma_wait3A_127 = arith.constant 0 : i32
        %dma_wait3A_128 = tpu.memref_slice %arg6[%dma_wait3A_126, %dma_wait3A_127] : memref<10000x128xf32, #tpu.memory_space<vmem_shared>> -> memref<10000x128xf32, #tpu.memory_space<vmem_shared>>
        tpu.wait_indirect_dma semaphore(%run_scoped3A_116 : memref<!tpu.dma_semaphore, #tpu.memory_space<semaphore_mem>>) src(%arg10 : memref<128x128xf32, #tpu.memory_space<vmem>>) dst(%dma_wait3A_128 : memref<10000x128xf32, #tpu.memory_space<vmem_shared>>)
        tpu.yield
      }) : () -> ()
      %mul3A_86 = arith.constant 2 : i32
      %mul3A_87 = arith.muli %mul3A_86, %scan3A_61 : i32
      %add3A_88 = arith.constant 1 : i32
      %add3A_89 = arith.addi %mul3A_87, %add3A_88 : i32
      %dma_wait3A_90 = arith.constant 0 : i32
      %dma_wait3A_91 = arith.constant 0 : i32
      %dma_wait3A_92 = tpu.memref_slice %arg7[%add3A_89, %dma_wait3A_90, %dma_wait3A_91] : memref<78x1x128xi32, #tpu.memory_space<vmem>> -> memref<1x1x128xi32, #tpu.memory_space<vmem>>
      %dma_wait3A_93 = tpu.memref_squeeze %dma_wait3A_92 : memref<1x1x128xi32, #tpu.memory_space<vmem>> -> memref<128xi32, #tpu.memory_space<vmem>>
      %dma_wait3A_94 = arith.constant 0 : i32
      %dma_wait3A_95 = arith.constant 0 : i32
      %dma_wait3A_96 = tpu.memref_slice %arg2[%dma_wait3A_94, %dma_wait3A_95] : memref<10000x128xf32, #tpu.memory_space<hbm>> -> memref<10000x128xf32, #tpu.memory_space<hbm>>
      tpu.wait_indirect_dma semaphore(%arg16 : memref<!tpu.dma_semaphore, #tpu.memory_space<semaphore_mem>>) src(%dma_wait3A_96 : memref<10000x128xf32, #tpu.memory_space<hbm>>) dst(%arg11 : memref<128x128xf32, #tpu.memory_space<vmem>>)
      %add3A_97 = arith.constant 1 : i32
      %add3A_98 = arith.addi %add3A_89, %add3A_97 : i32
      %lt3A_99 = arith.constant 78 : i32
      %lt3A_100 = arith.cmpi slt, %add3A_98, %lt3A_99 : i32
      %convert_element_type3A_101 = arith.extui %lt3A_100 : i1 to i32
      %cond3A_102 = arith.constant 0 : i32
      %cond3A_103 = arith.cmpi ne, %convert_element_type3A_101, %cond3A_102 : i32
      scf.if %cond3A_103 {
        %add3A_116 = arith.constant 1 : i32
        %add3A_117 = arith.addi %add3A_89, %add3A_116 : i32
        %dma_start3A_118 = arith.constant 0 : i32
        %dma_start3A_119 = arith.constant 0 : i32
        %dma_start3A_120 = tpu.memref_slice %arg7[%add3A_117, %dma_start3A_118, %dma_start3A_119] : memref<78x1x128xi32, #tpu.memory_space<vmem>> -> memref<1x1x128xi32, #tpu.memory_space<vmem>>
        %dma_start3A_121 = tpu.memref_squeeze %dma_start3A_120 : memref<1x1x128xi32, #tpu.memory_space<vmem>> -> memref<128xi32, #tpu.memory_space<vmem>>
        %dma_start3A_122 = arith.constant 0 : i32
        %dma_start3A_123 = arith.constant 0 : i32
        %dma_start3A_124 = tpu.memref_slice %arg2[%dma_start3A_122, %dma_start3A_123] : memref<10000x128xf32, #tpu.memory_space<hbm>> -> memref<10000x128xf32, #tpu.memory_space<hbm>>
        tpu.enqueue_indirect_dma source(%dma_start3A_124 : memref<10000x128xf32, #tpu.memory_space<hbm>>) target(%arg10 : memref<128x128xf32, #tpu.memory_space<vmem>>) offsets(%dma_start3A_121 : memref<128xi32, #tpu.memory_space<vmem>>) semaphore(%arg15 : memref<!tpu.dma_semaphore, #tpu.memory_space<semaphore_mem>>)
        %add3A_125 = arith.constant 1 : i32
        %add3A_126 = arith.addi %add3A_89, %add3A_125 : i32
        %mul3A_127 = arith.constant 78 : i32
        %mul3A_128 = arith.muli %add3A, %mul3A_127 : i32
        %add3A_129 = arith.addi %mul3A_128, %add3A_126 : i32
        %dma_start3A_130 = arith.constant 0 : i32
        %dma_start3A_131 = arith.constant 0 : i32
        %dma_start3A_132 = tpu.memref_slice %arg3[%add3A_129, %dma_start3A_130, %dma_start3A_131] : memref<2500x1x128xi32, #tpu.memory_space<hbm>> -> memref<1x1x128xi32, #tpu.memory_space<hbm>>
        %dma_start3A_133 = arith.constant 0 : i32
        %dma_start3A_134 = arith.constant 0 : i32
        %dma_start3A_135 = tpu.memref_slice %arg3[%add3A_129, %dma_start3A_133, %dma_start3A_134] : memref<2500x1x128xi32, #tpu.memory_space<hbm>> -> memref<1x1x128xi32, #tpu.memory_space<hbm>>
        tpu.enqueue_dma source(%dma_start3A_135 : memref<1x1x128xi32, #tpu.memory_space<hbm>>) target(%arg8 : memref<1x1x128xi32, #tpu.memory_space<vmem>>) target_semaphore(%arg17 : memref<!tpu.dma_semaphore, #tpu.memory_space<semaphore_mem>>)
      } else {
      }
      %mul3A_104 = arith.constant 78 : i32
      %mul3A_105 = arith.muli %add3A, %mul3A_104 : i32
      %add3A_106 = arith.addi %mul3A_105, %add3A_89 : i32
      %dma_wait3A_107 = arith.constant 0 : i32
      %dma_wait3A_108 = arith.constant 0 : i32
      %dma_wait3A_109 = tpu.memref_slice %arg3[%add3A_106, %dma_wait3A_107, %dma_wait3A_108] : memref<2500x1x128xi32, #tpu.memory_space<hbm>> -> memref<1x1x128xi32, #tpu.memory_space<hbm>>
      %dma_wait3A_110 = arith.constant 0 : i32
      %dma_wait3A_111 = arith.constant 0 : i32
      %dma_wait3A_112 = tpu.memref_slice %arg3[%add3A_106, %dma_wait3A_110, %dma_wait3A_111] : memref<2500x1x128xi32, #tpu.memory_space<hbm>> -> memref<1x1x128xi32, #tpu.memory_space<hbm>>
      tpu.wait_dma2 semaphore(%arg18 : memref<!tpu.dma_semaphore, #tpu.memory_space<semaphore_mem>>) src(%dma_wait3A_112 : memref<1x1x128xi32, #tpu.memory_space<hbm>>) dst(%arg9 : memref<1x1x128xi32, #tpu.memory_space<vmem>>)
      %run_scoped3A_113 = arith.constant 0 : i32
      %run_scoped3A_114 = arith.constant 0 : i32
      "tpu.region"() ({
        %run_scoped3A_116 = tpu.sem_alloc : memref<!tpu.dma_semaphore, #tpu.memory_space<semaphore_mem>>
        %dma_start3A_117 = arith.constant 0 : i32
        %dma_start3A_118 = tpu.memref_slice %arg9[%run_scoped3A_113, %run_scoped3A_114, %dma_start3A_117] : memref<1x1x128xi32, #tpu.memory_space<vmem>> -> memref<1x1x128xi32, #tpu.memory_space<vmem>>
        %dma_start3A_119 = tpu.memref_squeeze %dma_start3A_118 : memref<1x1x128xi32, #tpu.memory_space<vmem>> -> memref<128xi32, #tpu.memory_space<vmem>>
        %dma_start3A_120 = arith.constant 0 : i32
        %dma_start3A_121 = arith.constant 0 : i32
        %dma_start3A_122 = tpu.memref_slice %arg6[%dma_start3A_120, %dma_start3A_121] : memref<10000x128xf32, #tpu.memory_space<vmem_shared>> -> memref<10000x128xf32, #tpu.memory_space<vmem_shared>>
        tpu.enqueue_indirect_dma source(%arg11 : memref<128x128xf32, #tpu.memory_space<vmem>>) target(%dma_start3A_122 : memref<10000x128xf32, #tpu.memory_space<vmem_shared>>) offsets(%dma_start3A_119 : memref<128xi32, #tpu.memory_space<vmem>>) semaphore(%run_scoped3A_116 : memref<!tpu.dma_semaphore, #tpu.memory_space<semaphore_mem>>) {add = true}
        %dma_wait3A_123 = arith.constant 0 : i32
        %dma_wait3A_124 = tpu.memref_slice %arg9[%run_scoped3A_113, %run_scoped3A_114, %dma_wait3A_123] : memref<1x1x128xi32, #tpu.memory_space<vmem>> -> memref<1x1x128xi32, #tpu.memory_space<vmem>>
        %dma_wait3A_125 = tpu.memref_squeeze %dma_wait3A_124 : memref<1x1x128xi32, #tpu.memory_space<vmem>> -> memref<128xi32, #tpu.memory_space<vmem>>
        %dma_wait3A_126 = arith.constant 0 : i32
        %dma_wait3A_127 = arith.constant 0 : i32
        %dma_wait3A_128 = tpu.memref_slice %arg6[%dma_wait3A_126, %dma_wait3A_127] : memref<10000x128xf32, #tpu.memory_space<vmem_shared>> -> memref<10000x128xf32, #tpu.memory_space<vmem_shared>>
        tpu.wait_indirect_dma semaphore(%run_scoped3A_116 : memref<!tpu.dma_semaphore, #tpu.memory_space<semaphore_mem>>) src(%arg11 : memref<128x128xf32, #tpu.memory_space<vmem>>) dst(%dma_wait3A_128 : memref<10000x128xf32, #tpu.memory_space<vmem_shared>>)
        tpu.yield
      }) : () -> ()
      %scan3A_115 = arith.constant 0 : i32
      scf.yield %scan3A_115 : i32
    }
    %scan3A_50 = arith.constant 39 : i32
    %lt3A = arith.constant 4 : i32
    %lt3A_51 = arith.cmpi slt, %add3A, %lt3A : i32
    %convert_element_type3A_52 = arith.extui %lt3A_51 : i1 to i32
    %cond3A_53 = arith.constant 0 : i32
    %cond3A_54 = arith.cmpi ne, %convert_element_type3A_52, %cond3A_53 : i32
    scf.if %cond3A_54 {
      %add3A_61 = arith.constant 2496 : i32
      %add3A_62 = arith.addi %add3A_61, %add3A : i32
      "tpu.region"() ({
        %run_scoped3A_82 = tpu.sem_alloc : memref<!tpu.dma_semaphore, #tpu.memory_space<semaphore_mem>>
        %dma_start3A_83 = arith.constant 0 : i32
        %dma_start3A_84 = arith.constant 0 : i32
        %dma_start3A_85 = tpu.memref_slice %arg4[%add3A_62, %dma_start3A_83, %dma_start3A_84] : memref<2500x1x128xi32, #tpu.memory_space<hbm>> -> memref<1x1x128xi32, #tpu.memory_space<hbm>>
        %dma_start3A_86 = arith.constant 0 : i32
        %dma_start3A_87 = arith.constant 0 : i32
        %dma_start3A_88 = tpu.memref_slice %arg4[%add3A_62, %dma_start3A_86, %dma_start3A_87] : memref<2500x1x128xi32, #tpu.memory_space<hbm>> -> memref<1x1x128xi32, #tpu.memory_space<hbm>>
        tpu.enqueue_dma source(%dma_start3A_88 : memref<1x1x128xi32, #tpu.memory_space<hbm>>) target(%arg12 : memref<1x1x128xi32, #tpu.memory_space<vmem>>) target_semaphore(%run_scoped3A_82 : memref<!tpu.dma_semaphore, #tpu.memory_space<semaphore_mem>>)
        %dma_wait3A_89 = arith.constant 0 : i32
        %dma_wait3A_90 = arith.constant 0 : i32
        %dma_wait3A_91 = tpu.memref_slice %arg4[%add3A_62, %dma_wait3A_89, %dma_wait3A_90] : memref<2500x1x128xi32, #tpu.memory_space<hbm>> -> memref<1x1x128xi32, #tpu.memory_space<hbm>>
        %dma_wait3A_92 = arith.constant 0 : i32
        %dma_wait3A_93 = arith.constant 0 : i32
        %dma_wait3A_94 = tpu.memref_slice %arg4[%add3A_62, %dma_wait3A_92, %dma_wait3A_93] : memref<2500x1x128xi32, #tpu.memory_space<hbm>> -> memref<1x1x128xi32, #tpu.memory_space<hbm>>
        tpu.wait_dma2 semaphore(%run_scoped3A_82 : memref<!tpu.dma_semaphore, #tpu.memory_space<semaphore_mem>>) src(%dma_wait3A_94 : memref<1x1x128xi32, #tpu.memory_space<hbm>>) dst(%arg12 : memref<1x1x128xi32, #tpu.memory_space<vmem>>)
        tpu.yield
      }) : () -> ()
      %add3A_63 = arith.constant 2496 : i32
      %add3A_64 = arith.addi %add3A_63, %add3A : i32
      "tpu.region"() ({
        %run_scoped3A_82 = tpu.sem_alloc : memref<!tpu.dma_semaphore, #tpu.memory_space<semaphore_mem>>
        %dma_start3A_83 = arith.constant 0 : i32
        %dma_start3A_84 = arith.constant 0 : i32
        %dma_start3A_85 = tpu.memref_slice %arg3[%add3A_64, %dma_start3A_83, %dma_start3A_84] : memref<2500x1x128xi32, #tpu.memory_space<hbm>> -> memref<1x1x128xi32, #tpu.memory_space<hbm>>
        %dma_start3A_86 = arith.constant 0 : i32
        %dma_start3A_87 = arith.constant 0 : i32
        %dma_start3A_88 = tpu.memref_slice %arg3[%add3A_64, %dma_start3A_86, %dma_start3A_87] : memref<2500x1x128xi32, #tpu.memory_space<hbm>> -> memref<1x1x128xi32, #tpu.memory_space<hbm>>
        tpu.enqueue_dma source(%dma_start3A_88 : memref<1x1x128xi32, #tpu.memory_space<hbm>>) target(%arg13 : memref<1x1x128xi32, #tpu.memory_space<vmem>>) target_semaphore(%run_scoped3A_82 : memref<!tpu.dma_semaphore, #tpu.memory_space<semaphore_mem>>)
        %dma_wait3A_89 = arith.constant 0 : i32
        %dma_wait3A_90 = arith.constant 0 : i32
        %dma_wait3A_91 = tpu.memref_slice %arg3[%add3A_64, %dma_wait3A_89, %dma_wait3A_90] : memref<2500x1x128xi32, #tpu.memory_space<hbm>> -> memref<1x1x128xi32, #tpu.memory_space<hbm>>
        %dma_wait3A_92 = arith.constant 0 : i32
        %dma_wait3A_93 = arith.constant 0 : i32
        %dma_wait3A_94 = tpu.memref_slice %arg3[%add3A_64, %dma_wait3A_92, %dma_wait3A_93] : memref<2500x1x128xi32, #tpu.memory_space<hbm>> -> memref<1x1x128xi32, #tpu.memory_space<hbm>>
        tpu.wait_dma2 semaphore(%run_scoped3A_82 : memref<!tpu.dma_semaphore, #tpu.memory_space<semaphore_mem>>) src(%dma_wait3A_94 : memref<1x1x128xi32, #tpu.memory_space<hbm>>) dst(%arg13 : memref<1x1x128xi32, #tpu.memory_space<vmem>>)
        tpu.yield
      }) : () -> ()
      %dma_start3A_65 = arith.constant 0 : i32
      %dma_start3A_66 = arith.constant 0 : i32
      %dma_start3A_67 = arith.constant 0 : i32
      %dma_start3A_68 = tpu.memref_slice %arg12[%dma_start3A_65, %dma_start3A_66, %dma_start3A_67] : memref<1x1x128xi32, #tpu.memory_space<vmem>> -> memref<1x1x128xi32, #tpu.memory_space<vmem>>
      %dma_start3A_69 = tpu.memref_squeeze %dma_start3A_68 : memref<1x1x128xi32, #tpu.memory_space<vmem>> -> memref<128xi32, #tpu.memory_space<vmem>>
      %dma_start3A_70 = arith.constant 0 : i32
      %dma_start3A_71 = arith.constant 0 : i32
      %dma_start3A_72 = tpu.memref_slice %arg2[%dma_start3A_70, %dma_start3A_71] : memref<10000x128xf32, #tpu.memory_space<hbm>> -> memref<10000x128xf32, #tpu.memory_space<hbm>>
      tpu.enqueue_indirect_dma source(%dma_start3A_72 : memref<10000x128xf32, #tpu.memory_space<hbm>>) target(%arg10 : memref<128x128xf32, #tpu.memory_space<vmem>>) offsets(%dma_start3A_69 : memref<128xi32, #tpu.memory_space<vmem>>) semaphore(%arg15 : memref<!tpu.dma_semaphore, #tpu.memory_space<semaphore_mem>>)
      %dma_wait3A_73 = arith.constant 0 : i32
      %dma_wait3A_74 = arith.constant 0 : i32
      %dma_wait3A_75 = arith.constant 0 : i32
      %dma_wait3A_76 = tpu.memref_slice %arg12[%dma_wait3A_73, %dma_wait3A_74, %dma_wait3A_75] : memref<1x1x128xi32, #tpu.memory_space<vmem>> -> memref<1x1x128xi32, #tpu.memory_space<vmem>>
      %dma_wait3A_77 = tpu.memref_squeeze %dma_wait3A_76 : memref<1x1x128xi32, #tpu.memory_space<vmem>> -> memref<128xi32, #tpu.memory_space<vmem>>
      %dma_wait3A_78 = arith.constant 0 : i32
      %dma_wait3A_79 = arith.constant 0 : i32
      %dma_wait3A_80 = tpu.memref_slice %arg2[%dma_wait3A_78, %dma_wait3A_79] : memref<10000x128xf32, #tpu.memory_space<hbm>> -> memref<10000x128xf32, #tpu.memory_space<hbm>>
      tpu.wait_indirect_dma semaphore(%arg15 : memref<!tpu.dma_semaphore, #tpu.memory_space<semaphore_mem>>) src(%dma_wait3A_80 : memref<10000x128xf32, #tpu.memory_space<hbm>>) dst(%arg10 : memref<128x128xf32, #tpu.memory_space<vmem>>)
      %run_scoped3A = arith.constant 0 : i32
      %run_scoped3A_81 = arith.constant 0 : i32
      "tpu.region"() ({
        %run_scoped3A_82 = tpu.sem_alloc : memref<!tpu.dma_semaphore, #tpu.memory_space<semaphore_mem>>
        %dma_start3A_83 = arith.constant 0 : i32
        %dma_start3A_84 = tpu.memref_slice %arg13[%run_scoped3A, %run_scoped3A_81, %dma_start3A_83] : memref<1x1x128xi32, #tpu.memory_space<vmem>> -> memref<1x1x128xi32, #tpu.memory_space<vmem>>
        %dma_start3A_85 = tpu.memref_squeeze %dma_start3A_84 : memref<1x1x128xi32, #tpu.memory_space<vmem>> -> memref<128xi32, #tpu.memory_space<vmem>>
        %dma_start3A_86 = arith.constant 0 : i32
        %dma_start3A_87 = arith.constant 0 : i32
        %dma_start3A_88 = tpu.memref_slice %arg6[%dma_start3A_86, %dma_start3A_87] : memref<10000x128xf32, #tpu.memory_space<vmem_shared>> -> memref<10000x128xf32, #tpu.memory_space<vmem_shared>>
        tpu.enqueue_indirect_dma source(%arg10 : memref<128x128xf32, #tpu.memory_space<vmem>>) target(%dma_start3A_88 : memref<10000x128xf32, #tpu.memory_space<vmem_shared>>) offsets(%dma_start3A_85 : memref<128xi32, #tpu.memory_space<vmem>>) semaphore(%run_scoped3A_82 : memref<!tpu.dma_semaphore, #tpu.memory_space<semaphore_mem>>) {add = true}
        %dma_wait3A_89 = arith.constant 0 : i32
        %dma_wait3A_90 = tpu.memref_slice %arg13[%run_scoped3A, %run_scoped3A_81, %dma_wait3A_89] : memref<1x1x128xi32, #tpu.memory_space<vmem>> -> memref<1x1x128xi32, #tpu.memory_space<vmem>>
        %dma_wait3A_91 = tpu.memref_squeeze %dma_wait3A_90 : memref<1x1x128xi32, #tpu.memory_space<vmem>> -> memref<128xi32, #tpu.memory_space<vmem>>
        %dma_wait3A_92 = arith.constant 0 : i32
        %dma_wait3A_93 = arith.constant 0 : i32
        %dma_wait3A_94 = tpu.memref_slice %arg6[%dma_wait3A_92, %dma_wait3A_93] : memref<10000x128xf32, #tpu.memory_space<vmem_shared>> -> memref<10000x128xf32, #tpu.memory_space<vmem_shared>>
        tpu.wait_indirect_dma semaphore(%run_scoped3A_82 : memref<!tpu.dma_semaphore, #tpu.memory_space<semaphore_mem>>) src(%arg10 : memref<128x128xf32, #tpu.memory_space<vmem>>) dst(%dma_wait3A_94 : memref<10000x128xf32, #tpu.memory_space<vmem_shared>>)
        tpu.yield
      }) : () -> ()
    } else {
    }
    %barrier3A_55 = arith.constant 0 : index
    tpu.barrier barrier_id(%barrier3A_55)
    "tpu.region"() ({
      %run_scoped3A = tpu.sem_alloc : memref<!tpu.dma_semaphore, #tpu.memory_space<semaphore_mem>>
      %dma_start3A_61 = arith.constant 0 : i32
      %dma_start3A_62 = tpu.memref_slice %arg5[%arg0, %mul3A_2, %dma_start3A_61] : memref<2x10000x128xf32, #tpu.memory_space<hbm>> -> memref<1x624x128xf32, #tpu.memory_space<hbm>>
      %dma_start3A_63 = tpu.memref_squeeze %dma_start3A_62 : memref<1x624x128xf32, #tpu.memory_space<hbm>> -> memref<624x128xf32, #tpu.memory_space<hbm>>
      %dma_start3A_64 = arith.constant 0 : i32
      %dma_start3A_65 = tpu.memref_slice %arg6[%mul3A_2, %dma_start3A_64] : memref<10000x128xf32, #tpu.memory_space<vmem_shared>> -> memref<624x128xf32, #tpu.memory_space<vmem_shared>>
      tpu.enqueue_dma source(%dma_start3A_65 : memref<624x128xf32, #tpu.memory_space<vmem_shared>>) target(%dma_start3A_63 : memref<624x128xf32, #tpu.memory_space<hbm>>) target_semaphore(%run_scoped3A : memref<!tpu.dma_semaphore, #tpu.memory_space<semaphore_mem>>)
      %dma_wait3A_66 = arith.constant 0 : i32
      %dma_wait3A_67 = tpu.memref_slice %arg5[%arg0, %mul3A_2, %dma_wait3A_66] : memref<2x10000x128xf32, #tpu.memory_space<hbm>> -> memref<1x624x128xf32, #tpu.memory_space<hbm>>
      %dma_wait3A_68 = tpu.memref_squeeze %dma_wait3A_67 : memref<1x624x128xf32, #tpu.memory_space<hbm>> -> memref<624x128xf32, #tpu.memory_space<hbm>>
      %dma_wait3A_69 = arith.constant 0 : i32
      %dma_wait3A_70 = tpu.memref_slice %arg6[%mul3A_2, %dma_wait3A_69] : memref<10000x128xf32, #tpu.memory_space<vmem_shared>> -> memref<624x128xf32, #tpu.memory_space<vmem_shared>>
      tpu.wait_dma2 semaphore(%run_scoped3A : memref<!tpu.dma_semaphore, #tpu.memory_space<semaphore_mem>>) src(%dma_wait3A_70 : memref<624x128xf32, #tpu.memory_space<vmem_shared>>) dst(%dma_wait3A_68 : memref<624x128xf32, #tpu.memory_space<hbm>>)
      tpu.yield
    }) : () -> ()
    %eq3A_56 = arith.constant 15 : i32
    %eq3A_57 = arith.cmpi eq, %arg1, %eq3A_56 : i32
    %convert_element_type3A_58 = arith.extui %eq3A_57 : i1 to i32
    %cond3A_59 = arith.constant 0 : i32
    %cond3A_60 = arith.cmpi ne, %convert_element_type3A_58, %cond3A_59 : i32
    scf.if %cond3A_60 {
      "tpu.region"() ({
        %run_scoped3A = tpu.sem_alloc : memref<!tpu.dma_semaphore, #tpu.memory_space<semaphore_mem>>
        %dma_start3A_61 = arith.constant 9984 : i32
        %dma_start3A_62 = arith.constant 0 : i32
        %dma_start3A_63 = tpu.memref_slice %arg5[%arg0, %dma_start3A_61, %dma_start3A_62] : memref<2x10000x128xf32, #tpu.memory_space<hbm>> -> memref<1x16x128xf32, #tpu.memory_space<hbm>>
        %dma_start3A_64 = tpu.memref_squeeze %dma_start3A_63 : memref<1x16x128xf32, #tpu.memory_space<hbm>> -> memref<16x128xf32, #tpu.memory_space<hbm>>
        %dma_start3A_65 = arith.constant 9984 : i32
        %dma_start3A_66 = arith.constant 0 : i32
        %dma_start3A_67 = tpu.memref_slice %arg6[%dma_start3A_65, %dma_start3A_66] : memref<10000x128xf32, #tpu.memory_space<vmem_shared>> -> memref<16x128xf32, #tpu.memory_space<vmem_shared>>
        tpu.enqueue_dma source(%dma_start3A_67 : memref<16x128xf32, #tpu.memory_space<vmem_shared>>) target(%dma_start3A_64 : memref<16x128xf32, #tpu.memory_space<hbm>>) target_semaphore(%run_scoped3A : memref<!tpu.dma_semaphore, #tpu.memory_space<semaphore_mem>>)
        %dma_wait3A_68 = arith.constant 9984 : i32
        %dma_wait3A_69 = arith.constant 0 : i32
        %dma_wait3A_70 = tpu.memref_slice %arg5[%arg0, %dma_wait3A_68, %dma_wait3A_69] : memref<2x10000x128xf32, #tpu.memory_space<hbm>> -> memref<1x16x128xf32, #tpu.memory_space<hbm>>
        %dma_wait3A_71 = tpu.memref_squeeze %dma_wait3A_70 : memref<1x16x128xf32, #tpu.memory_space<hbm>> -> memref<16x128xf32, #tpu.memory_space<hbm>>
        %dma_wait3A_72 = arith.constant 9984 : i32
        %dma_wait3A_73 = arith.constant 0 : i32
        %dma_wait3A_74 = tpu.memref_slice %arg6[%dma_wait3A_72, %dma_wait3A_73] : memref<10000x128xf32, #tpu.memory_space<vmem_shared>> -> memref<16x128xf32, #tpu.memory_space<vmem_shared>>
        tpu.wait_dma2 semaphore(%run_scoped3A : memref<!tpu.dma_semaphore, #tpu.memory_space<semaphore_mem>>) src(%dma_wait3A_74 : memref<16x128xf32, #tpu.memory_space<vmem_shared>>) dst(%dma_wait3A_71 : memref<16x128xf32, #tpu.memory_space<hbm>>)
        tpu.yield
      }) : () -> ()
    } else {
    }
    return
  }
}

#map = affine_map<(d0, d1) -> (0, 0)>
#map1 = affine_map<(d0, d1) -> (0, 0, 0)>
module attributes {stable_mosaic.version = 14 : i64} {
  func.func @body(%arg0: i32, %arg1: i32, %arg2: memref<10000x128xf32, #tpu.memory_space<hbm>>, %arg3: memref<2500x1x128xi32, #tpu.memory_space<hbm>>, %arg4: memref<2500x1x128xi32, #tpu.memory_space<hbm>>, %arg5: memref<2x10000x128xf32, #tpu.memory_space<hbm>>, %arg6: memref<10000x128xf32, #tpu.memory_space<vmem_shared>>, %arg7: memref<78x1x128xi32, #tpu.memory_space<vmem>>, %arg8: memref<1x1x128xi32, #tpu.memory_space<vmem>>, %arg9: memref<1x1x128xi32, #tpu.memory_space<vmem>>, %arg10: memref<128x128xf32, #tpu.memory_space<vmem>>, %arg11: memref<128x128xf32, #tpu.memory_space<vmem>>, %arg12: memref<1x1x128xi32, #tpu.memory_space<vmem>>, %arg13: memref<1x1x128xi32, #tpu.memory_space<vmem>>, %arg14: memref<!tpu.dma_semaphore, #tpu.memory_space<semaphore_mem>>, %arg15: memref<!tpu.dma_semaphore, #tpu.memory_space<semaphore_mem>>, %arg16: memref<!tpu.dma_semaphore, #tpu.memory_space<semaphore_mem>>, %arg17: memref<!tpu.dma_semaphore, #tpu.memory_space<semaphore_mem>>, %arg18: memref<!tpu.dma_semaphore, #tpu.memory_space<semaphore_mem>>) attributes {dimension_semantics = [#tpu.dimension_semantics<core_parallel>, #tpu.dimension_semantics<subcore_parallel>], iteration_bounds = array<i64: 2, 16>, scalar_prefetch = 0 : i64, scratch_operands = 13 : i64, tpu.core_type = #tpu.core_type<sc_vector_subcore>, window_params = [{transform_indices = #map}, {transform_indices = #map1}, {transform_indices = #map1}, {transform_indices = #map1}]} {
    %mul3A = arith.constant 16 : i32
    %mul3A_0 = arith.muli %arg0, %mul3A : i32
    %add3A = arith.addi %mul3A_0, %arg1 : i32
    %mul3A_1 = arith.constant 624 : i32
    %mul3A_2 = arith.muli %arg1, %mul3A_1 : i32
    %broadcast_in_dim3A = arith.constant 0.000000e+00 : f32
    %broadcast_in_dim3A_3 = vector.broadcast %broadcast_in_dim3A : f32 to vector<16xf32>
    %mul3A_4 = arith.constant 78 : i32
    %mul3A_5 = arith.muli %add3A, %mul3A_4 : i32
    %dma_start3A = arith.constant 0 : i32
    %dma_start3A_6 = arith.constant 0 : i32
    %dma_start3A_7 = tpu.memref_slice %arg4[%mul3A_5, %dma_start3A, %dma_start3A_6] : memref<2500x1x128xi32, #tpu.memory_space<hbm>> -> memref<78x1x128xi32, #tpu.memory_space<hbm>>
    %dma_start3A_8 = arith.constant 0 : i32
    %dma_start3A_9 = arith.constant 0 : i32
    %dma_start3A_10 = tpu.memref_slice %arg4[%mul3A_5, %dma_start3A_8, %dma_start3A_9] : memref<2500x1x128xi32, #tpu.memory_space<hbm>> -> memref<78x1x128xi32, #tpu.memory_space<hbm>>
    tpu.enqueue_dma source(%dma_start3A_10 : memref<78x1x128xi32, #tpu.memory_space<hbm>>) target(%arg7 : memref<78x1x128xi32, #tpu.memory_space<vmem>>) target_semaphore(%arg14 : memref<!tpu.dma_semaphore, #tpu.memory_space<semaphore_mem>>)
    %mul3A_11 = arith.constant 78 : i32
    %mul3A_12 = arith.muli %add3A, %mul3A_11 : i32
    "tpu.region"() ({
      %run_scoped3A = tpu.sem_alloc : memref<!tpu.dma_semaphore, #tpu.memory_space<semaphore_mem>>
      %dma_start3A_61 = arith.constant 0 : i32
      %dma_start3A_62 = arith.constant 0 : i32
      %dma_start3A_63 = tpu.memref_slice %arg3[%mul3A_12, %dma_start3A_61, %dma_start3A_62] : memref<2500x1x128xi32, #tpu.memory_space<hbm>> -> memref<1x1x128xi32, #tpu.memory_space<hbm>>
      %dma_start3A_64 = arith.constant 0 : i32
      %dma_start3A_65 = arith.constant 0 : i32
      %dma_start3A_66 = tpu.memref_slice %arg3[%mul3A_12, %dma_start3A_64, %dma_start3A_65] : memref<2500x1x128xi32, #tpu.memory_space<hbm>> -> memref<1x1x128xi32, #tpu.memory_space<hbm>>
      tpu.enqueue_dma source(%dma_start3A_66 : memref<1x1x128xi32, #tpu.memory_space<hbm>>) target(%arg8 : memref<1x1x128xi32, #tpu.memory_space<vmem>>) target_semaphore(%run_scoped3A : memref<!tpu.dma_semaphore, #tpu.memory_space<semaphore_mem>>)
      %dma_wait3A_67 = arith.constant 0 : i32
      %dma_wait3A_68 = arith.constant 0 : i32
      %dma_wait3A_69 = tpu.memref_slice %arg3[%mul3A_12, %dma_wait3A_67, %dma_wait3A_68] : memref<2500x1x128xi32, #tpu.memory_space<hbm>> -> memref<1x1x128xi32, #tpu.memory_space<hbm>>
      %dma_wait3A_70 = arith.constant 0 : i32
      %dma_wait3A_71 = arith.constant 0 : i32
      %dma_wait3A_72 = tpu.memref_slice %arg3[%mul3A_12, %dma_wait3A_70, %dma_wait3A_71] : memref<2500x1x128xi32, #tpu.memory_space<hbm>> -> memref<1x1x128xi32, #tpu.memory_space<hbm>>
      tpu.wait_dma2 semaphore(%run_scoped3A : memref<!tpu.dma_semaphore, #tpu.memory_space<semaphore_mem>>) src(%dma_wait3A_72 : memref<1x1x128xi32, #tpu.memory_space<hbm>>) dst(%arg8 : memref<1x1x128xi32, #tpu.memory_space<vmem>>)
      tpu.yield
    }) : () -> ()
    %scan3A = arith.constant 0 : i32
    %scan3A_13 = arith.constant 0 : i32
    %scan3A_14 = arith.constant 1024 : i32
    %scan3A_15 = arith.addi %scan3A_13, %scan3A_14 : i32
    %scan3A_16 = arith.constant 1 : i32
    %scan3A_17 = scf.for %scan3A_61 = %scan3A_13 to %scan3A_15 step %scan3A_16 iter_args(%scan3A_62 = %scan3A) -> (i32)  : i32 {
      %jit3A = arith.constant 8 : i32
      %div3A = arith.divsi %scan3A_61, %jit3A : i32
      %sign3A = arith.constant 0 : i32
      %sign3A_63 = arith.cmpi sgt, %scan3A_61, %sign3A : i32
      %sign3A_64 = arith.extui %sign3A_63 : i1 to i32
      %sign3A_65 = arith.constant 0 : i32
      %sign3A_66 = arith.cmpi slt, %scan3A_61, %sign3A_65 : i32
      %sign3A_67 = arith.extui %sign3A_66 : i1 to i32
      %sign3A_68 = arith.subi %sign3A_64, %sign3A_67 : i32
      %sign3A_69 = arith.constant 0 : i32
      %sign3A_70 = arith.cmpi sgt, %jit3A, %sign3A_69 : i32
      %sign3A_71 = arith.extui %sign3A_70 : i1 to i32
      %sign3A_72 = arith.constant 0 : i32
      %sign3A_73 = arith.cmpi slt, %jit3A, %sign3A_72 : i32
      %sign3A_74 = arith.extui %sign3A_73 : i1 to i32
      %sign3A_75 = arith.subi %sign3A_71, %sign3A_74 : i32
      %ne3A = arith.cmpi ne, %sign3A_68, %sign3A_75 : i32
      %rem3A = arith.remsi %scan3A_61, %jit3A : i32
      %ne3A_76 = arith.constant 0 : i32
      %ne3A_77 = arith.cmpi ne, %rem3A, %ne3A_76 : i32
      %and3A = arith.andi %ne3A, %ne3A_77 : i1
      %sub3A = arith.constant 1 : i32
      %sub3A_78 = arith.subi %div3A, %sub3A : i32
      %select_n3A = arith.select %and3A, %sub3A_78, %div3A : i32
      %jit3A_79 = arith.constant 8 : i32
      %eq3A_80 = arith.constant 0 : i32
      %eq3A_81 = arith.cmpi eq, %jit3A_79, %eq3A_80 : i32
      %jit3A_82 = arith.constant 1 : i32
      %select_n3A_83 = arith.select %eq3A_81, %jit3A_82, %jit3A_79 : i32
      %rem3A_84 = arith.remsi %scan3A_61, %select_n3A_83 : i32
      %ne3A_85 = arith.constant 0 : i32
      %ne3A_86 = arith.cmpi ne, %rem3A_84, %ne3A_85 : i32
      %lt3A_87 = arith.constant 0 : i32
      %lt3A_88 = arith.cmpi slt, %rem3A_84, %lt3A_87 : i32
      %lt3A_89 = arith.constant 0 : i32
      %lt3A_90 = arith.cmpi slt, %select_n3A_83, %lt3A_89 : i32
      %ne3A_91 = arith.xori %lt3A_88, %lt3A_90 : i1
      %and3A_92 = arith.andi %ne3A_91, %ne3A_86 : i1
      %add3A_93 = arith.addi %rem3A_84, %select_n3A_83 : i32
      %select_n3A_94 = arith.select %and3A_92, %add3A_93, %rem3A_84 : i32
      %mul3A_95 = arith.constant 16 : i32
      %mul3A_96 = arith.muli %select_n3A_94, %mul3A_95 : i32
      %swap3A = arith.index_cast %select_n3A : i32 to index
      %swap3A_97 = arith.index_cast %mul3A_96 : i32 to index
      %swap3A_98 = tpu.vector_load %arg10[%swap3A, %swap3A_97] {strides = array<i32>} : memref<128x128xf32, #tpu.memory_space<vmem>>, vector<16xf32>,
      tpu.vector_store %arg10[%swap3A, %swap3A_97], %broadcast_in_dim3A_3 {strides = array<i32>} : memref<128x128xf32, #tpu.memory_space<vmem>>, vector<16xf32>,
      %scan3A_99 = arith.constant 0 : i32
      scf.yield %scan3A_99 : i32
    }
    %scan3A_18 = arith.constant 1024 : i32
    %add3A_19 = arith.constant 0 : i32
    %add3A_20 = arith.addi %mul3A_2, %add3A_19 : i32
    "tpu.region"() ({
      %run_scoped3A = tpu.sem_alloc : memref<!tpu.dma_semaphore, #tpu.memory_space<semaphore_mem>>
      %dma_start3A_61 = arith.constant 0 : i32
      %dma_start3A_62 = tpu.memref_slice %arg6[%add3A_20, %dma_start3A_61] : memref<10000x128xf32, #tpu.memory_space<vmem_shared>> -> memref<128x128xf32, #tpu.memory_space<vmem_shared>>
      %dma_start3A_63 = arith.constant 0 : i32
      %dma_start3A_64 = tpu.memref_slice %arg6[%add3A_20, %dma_start3A_63] : memref<10000x128xf32, #tpu.memory_space<vmem_shared>> -> memref<128x128xf32, #tpu.memory_space<vmem_shared>>
      tpu.enqueue_dma source(%arg10 : memref<128x128xf32, #tpu.memory_space<vmem>>) target(%dma_start3A_64 : memref<128x128xf32, #tpu.memory_space<vmem_shared>>) target_semaphore(%run_scoped3A : memref<!tpu.dma_semaphore, #tpu.memory_space<semaphore_mem>>)
      %dma_wait3A_65 = arith.constant 0 : i32
      %dma_wait3A_66 = tpu.memref_slice %arg6[%add3A_20, %dma_wait3A_65] : memref<10000x128xf32, #tpu.memory_space<vmem_shared>> -> memref<128x128xf32, #tpu.memory_space<vmem_shared>>
      %dma_wait3A_67 = arith.constant 0 : i32
      %dma_wait3A_68 = tpu.memref_slice %arg6[%add3A_20, %dma_wait3A_67] : memref<10000x128xf32, #tpu.memory_space<vmem_shared>> -> memref<128x128xf32, #tpu.memory_space<vmem_shared>>
      tpu.wait_dma2 semaphore(%run_scoped3A : memref<!tpu.dma_semaphore, #tpu.memory_space<semaphore_mem>>) src(%arg10 : memref<128x128xf32, #tpu.memory_space<vmem>>) dst(%dma_wait3A_68 : memref<128x128xf32, #tpu.memory_space<vmem_shared>>)
      tpu.yield
    }) : () -> ()
    %add3A_21 = arith.constant 128 : i32
    %add3A_22 = arith.addi %mul3A_2, %add3A_21 : i32
    "tpu.region"() ({
      %run_scoped3A = tpu.sem_alloc : memref<!tpu.dma_semaphore, #tpu.memory_space<semaphore_mem>>
      %dma_start3A_61 = arith.constant 0 : i32
      %dma_start3A_62 = tpu.memref_slice %arg6[%add3A_22, %dma_start3A_61] : memref<10000x128xf32, #tpu.memory_space<vmem_shared>> -> memref<128x128xf32, #tpu.memory_space<vmem_shared>>
      %dma_start3A_63 = arith.constant 0 : i32
      %dma_start3A_64 = tpu.memref_slice %arg6[%add3A_22, %dma_start3A_63] : memref<10000x128xf32, #tpu.memory_space<vmem_shared>> -> memref<128x128xf32, #tpu.memory_space<vmem_shared>>
      tpu.enqueue_dma source(%arg10 : memref<128x128xf32, #tpu.memory_space<vmem>>) target(%dma_start3A_64 : memref<128x128xf32, #tpu.memory_space<vmem_shared>>) target_semaphore(%run_scoped3A : memref<!tpu.dma_semaphore, #tpu.memory_space<semaphore_mem>>)
      %dma_wait3A_65 = arith.constant 0 : i32
      %dma_wait3A_66 = tpu.memref_slice %arg6[%add3A_22, %dma_wait3A_65] : memref<10000x128xf32, #tpu.memory_space<vmem_shared>> -> memref<128x128xf32, #tpu.memory_space<vmem_shared>>
      %dma_wait3A_67 = arith.constant 0 : i32
      %dma_wait3A_68 = tpu.memref_slice %arg6[%add3A_22, %dma_wait3A_67] : memref<10000x128xf32, #tpu.memory_space<vmem_shared>> -> memref<128x128xf32, #tpu.memory_space<vmem_shared>>
      tpu.wait_dma2 semaphore(%run_scoped3A : memref<!tpu.dma_semaphore, #tpu.memory_space<semaphore_mem>>) src(%arg10 : memref<128x128xf32, #tpu.memory_space<vmem>>) dst(%dma_wait3A_68 : memref<128x128xf32, #tpu.memory_space<vmem_shared>>)
      tpu.yield
    }) : () -> ()
    %add3A_23 = arith.constant 256 : i32
    %add3A_24 = arith.addi %mul3A_2, %add3A_23 : i32
    "tpu.region"() ({
      %run_scoped3A = tpu.sem_alloc : memref<!tpu.dma_semaphore, #tpu.memory_space<semaphore_mem>>
      %dma_start3A_61 = arith.constant 0 : i32
      %dma_start3A_62 = tpu.memref_slice %arg6[%add3A_24, %dma_start3A_61] : memref<10000x128xf32, #tpu.memory_space<vmem_shared>> -> memref<128x128xf32, #tpu.memory_space<vmem_shared>>
      %dma_start3A_63 = arith.constant 0 : i32
      %dma_start3A_64 = tpu.memref_slice %arg6[%add3A_24, %dma_start3A_63] : memref<10000x128xf32, #tpu.memory_space<vmem_shared>> -> memref<128x128xf32, #tpu.memory_space<vmem_shared>>
      tpu.enqueue_dma source(%arg10 : memref<128x128xf32, #tpu.memory_space<vmem>>) target(%dma_start3A_64 : memref<128x128xf32, #tpu.memory_space<vmem_shared>>) target_semaphore(%run_scoped3A : memref<!tpu.dma_semaphore, #tpu.memory_space<semaphore_mem>>)
      %dma_wait3A_65 = arith.constant 0 : i32
      %dma_wait3A_66 = tpu.memref_slice %arg6[%add3A_24, %dma_wait3A_65] : memref<10000x128xf32, #tpu.memory_space<vmem_shared>> -> memref<128x128xf32, #tpu.memory_space<vmem_shared>>
      %dma_wait3A_67 = arith.constant 0 : i32
      %dma_wait3A_68 = tpu.memref_slice %arg6[%add3A_24, %dma_wait3A_67] : memref<10000x128xf32, #tpu.memory_space<vmem_shared>> -> memref<128x128xf32, #tpu.memory_space<vmem_shared>>
      tpu.wait_dma2 semaphore(%run_scoped3A : memref<!tpu.dma_semaphore, #tpu.memory_space<semaphore_mem>>) src(%arg10 : memref<128x128xf32, #tpu.memory_space<vmem>>) dst(%dma_wait3A_68 : memref<128x128xf32, #tpu.memory_space<vmem_shared>>)
      tpu.yield
    }) : () -> ()
    %add3A_25 = arith.constant 384 : i32
    %add3A_26 = arith.addi %mul3A_2, %add3A_25 : i32
    "tpu.region"() ({
      %run_scoped3A = tpu.sem_alloc : memref<!tpu.dma_semaphore, #tpu.memory_space<semaphore_mem>>
      %dma_start3A_61 = arith.constant 0 : i32
      %dma_start3A_62 = tpu.memref_slice %arg6[%add3A_26, %dma_start3A_61] : memref<10000x128xf32, #tpu.memory_space<vmem_shared>> -> memref<128x128xf32, #tpu.memory_space<vmem_shared>>
      %dma_start3A_63 = arith.constant 0 : i32
      %dma_start3A_64 = tpu.memref_slice %arg6[%add3A_26, %dma_start3A_63] : memref<10000x128xf32, #tpu.memory_space<vmem_shared>> -> memref<128x128xf32, #tpu.memory_space<vmem_shared>>
      tpu.enqueue_dma source(%arg10 : memref<128x128xf32, #tpu.memory_space<vmem>>) target(%dma_start3A_64 : memref<128x128xf32, #tpu.memory_space<vmem_shared>>) target_semaphore(%run_scoped3A : memref<!tpu.dma_semaphore, #tpu.memory_space<semaphore_mem>>)
      %dma_wait3A_65 = arith.constant 0 : i32
      %dma_wait3A_66 = tpu.memref_slice %arg6[%add3A_26, %dma_wait3A_65] : memref<10000x128xf32, #tpu.memory_space<vmem_shared>> -> memref<128x128xf32, #tpu.memory_space<vmem_shared>>
      %dma_wait3A_67 = arith.constant 0 : i32
      %dma_wait3A_68 = tpu.memref_slice %arg6[%add3A_26, %dma_wait3A_67] : memref<10000x128xf32, #tpu.memory_space<vmem_shared>> -> memref<128x128xf32, #tpu.memory_space<vmem_shared>>
      tpu.wait_dma2 semaphore(%run_scoped3A : memref<!tpu.dma_semaphore, #tpu.memory_space<semaphore_mem>>) src(%arg10 : memref<128x128xf32, #tpu.memory_space<vmem>>) dst(%dma_wait3A_68 : memref<128x128xf32, #tpu.memory_space<vmem_shared>>)
      tpu.yield
    }) : () -> ()
    %add3A_27 = arith.constant 512 : i32
    %add3A_28 = arith.addi %mul3A_2, %add3A_27 : i32
    "tpu.region"() ({
      %run_scoped3A = tpu.sem_alloc : memref<!tpu.dma_semaphore, #tpu.memory_space<semaphore_mem>>
      %dma_start3A_61 = arith.constant 0 : i32
      %dma_start3A_62 = arith.constant 0 : i32
      %dma_start3A_63 = tpu.memref_slice %arg10[%dma_start3A_61, %dma_start3A_62] : memref<128x128xf32, #tpu.memory_space<vmem>> -> memref<112x128xf32, #tpu.memory_space<vmem>>
      %dma_start3A_64 = arith.constant 0 : i32
      %dma_start3A_65 = tpu.memref_slice %arg6[%add3A_28, %dma_start3A_64] : memref<10000x128xf32, #tpu.memory_space<vmem_shared>> -> memref<112x128xf32, #tpu.memory_space<vmem_shared>>
      %dma_start3A_66 = arith.constant 0 : i32
      %dma_start3A_67 = tpu.memref_slice %arg6[%add3A_28, %dma_start3A_66] : memref<10000x128xf32, #tpu.memory_space<vmem_shared>> -> memref<112x128xf32, #tpu.memory_space<vmem_shared>>
      %dma_start3A_68 = arith.constant 0 : i32
      %dma_start3A_69 = arith.constant 0 : i32
      %dma_start3A_70 = tpu.memref_slice %arg10[%dma_start3A_68, %dma_start3A_69] : memref<128x128xf32, #tpu.memory_space<vmem>> -> memref<112x128xf32, #tpu.memory_space<vmem>>
      tpu.enqueue_dma source(%dma_start3A_70 : memref<112x128xf32, #tpu.memory_space<vmem>>) target(%dma_start3A_67 : memref<112x128xf32, #tpu.memory_space<vmem_shared>>) target_semaphore(%run_scoped3A : memref<!tpu.dma_semaphore, #tpu.memory_space<semaphore_mem>>)
      %dma_wait3A_71 = arith.constant 0 : i32
      %dma_wait3A_72 = arith.constant 0 : i32
      %dma_wait3A_73 = tpu.memref_slice %arg10[%dma_wait3A_71, %dma_wait3A_72] : memref<128x128xf32, #tpu.memory_space<vmem>> -> memref<112x128xf32, #tpu.memory_space<vmem>>
      %dma_wait3A_74 = arith.constant 0 : i32
      %dma_wait3A_75 = tpu.memref_slice %arg6[%add3A_28, %dma_wait3A_74] : memref<10000x128xf32, #tpu.memory_space<vmem_shared>> -> memref<112x128xf32, #tpu.memory_space<vmem_shared>>
      %dma_wait3A_76 = arith.constant 0 : i32
      %dma_wait3A_77 = tpu.memref_slice %arg6[%add3A_28, %dma_wait3A_76] : memref<10000x128xf32, #tpu.memory_space<vmem_shared>> -> memref<112x128xf32, #tpu.memory_space<vmem_shared>>
      %dma_wait3A_78 = arith.constant 0 : i32
      %dma_wait3A_79 = arith.constant 0 : i32
      %dma_wait3A_80 = tpu.memref_slice %arg10[%dma_wait3A_78, %dma_wait3A_79] : memref<128x128xf32, #tpu.memory_space<vmem>> -> memref<112x128xf32, #tpu.memory_space<vmem>>
      tpu.wait_dma2 semaphore(%run_scoped3A : memref<!tpu.dma_semaphore, #tpu.memory_space<semaphore_mem>>) src(%dma_wait3A_80 : memref<112x128xf32, #tpu.memory_space<vmem>>) dst(%dma_wait3A_77 : memref<112x128xf32, #tpu.memory_space<vmem_shared>>)
      tpu.yield
    }) : () -> ()
    %eq3A = arith.constant 15 : i32
    %eq3A_29 = arith.cmpi eq, %arg1, %eq3A : i32
    %convert_element_type3A = arith.extui %eq3A_29 : i1 to i32
    %cond3A = arith.constant 0 : i32
    %cond3A_30 = arith.cmpi ne, %convert_element_type3A, %cond3A : i32
    scf.if %cond3A_30 {
      "tpu.region"() ({
        %run_scoped3A = tpu.sem_alloc : memref<!tpu.dma_semaphore, #tpu.memory_space<semaphore_mem>>
        %dma_start3A_61 = arith.constant 0 : i32
        %dma_start3A_62 = arith.constant 0 : i32
        %dma_start3A_63 = tpu.memref_slice %arg10[%dma_start3A_61, %dma_start3A_62] : memref<128x128xf32, #tpu.memory_space<vmem>> -> memref<16x128xf32, #tpu.memory_space<vmem>>
        %dma_start3A_64 = arith.constant 9984 : i32
        %dma_start3A_65 = arith.constant 0 : i32
        %dma_start3A_66 = tpu.memref_slice %arg6[%dma_start3A_64, %dma_start3A_65] : memref<10000x128xf32, #tpu.memory_space<vmem_shared>> -> memref<16x128xf32, #tpu.memory_space<vmem_shared>>
        %dma_start3A_67 = arith.constant 9984 : i32
        %dma_start3A_68 = arith.constant 0 : i32
        %dma_start3A_69 = tpu.memref_slice %arg6[%dma_start3A_67, %dma_start3A_68] : memref<10000x128xf32, #tpu.memory_space<vmem_shared>> -> memref<16x128xf32, #tpu.memory_space<vmem_shared>>
        %dma_start3A_70 = arith.constant 0 : i32
        %dma_start3A_71 = arith.constant 0 : i32
        %dma_start3A_72 = tpu.memref_slice %arg10[%dma_start3A_70, %dma_start3A_71] : memref<128x128xf32, #tpu.memory_space<vmem>> -> memref<16x128xf32, #tpu.memory_space<vmem>>
        tpu.enqueue_dma source(%dma_start3A_72 : memref<16x128xf32, #tpu.memory_space<vmem>>) target(%dma_start3A_69 : memref<16x128xf32, #tpu.memory_space<vmem_shared>>) target_semaphore(%run_scoped3A : memref<!tpu.dma_semaphore, #tpu.memory_space<semaphore_mem>>)
        %dma_wait3A_73 = arith.constant 0 : i32
        %dma_wait3A_74 = arith.constant 0 : i32
        %dma_wait3A_75 = tpu.memref_slice %arg10[%dma_wait3A_73, %dma_wait3A_74] : memref<128x128xf32, #tpu.memory_space<vmem>> -> memref<16x128xf32, #tpu.memory_space<vmem>>
        %dma_wait3A_76 = arith.constant 9984 : i32
        %dma_wait3A_77 = arith.constant 0 : i32
        %dma_wait3A_78 = tpu.memref_slice %arg6[%dma_wait3A_76, %dma_wait3A_77] : memref<10000x128xf32, #tpu.memory_space<vmem_shared>> -> memref<16x128xf32, #tpu.memory_space<vmem_shared>>
        %dma_wait3A_79 = arith.constant 9984 : i32
        %dma_wait3A_80 = arith.constant 0 : i32
        %dma_wait3A_81 = tpu.memref_slice %arg6[%dma_wait3A_79, %dma_wait3A_80] : memref<10000x128xf32, #tpu.memory_space<vmem_shared>> -> memref<16x128xf32, #tpu.memory_space<vmem_shared>>
        %dma_wait3A_82 = arith.constant 0 : i32
        %dma_wait3A_83 = arith.constant 0 : i32
        %dma_wait3A_84 = tpu.memref_slice %arg10[%dma_wait3A_82, %dma_wait3A_83] : memref<128x128xf32, #tpu.memory_space<vmem>> -> memref<16x128xf32, #tpu.memory_space<vmem>>
        tpu.wait_dma2 semaphore(%run_scoped3A : memref<!tpu.dma_semaphore, #tpu.memory_space<semaphore_mem>>) src(%dma_wait3A_84 : memref<16x128xf32, #tpu.memory_space<vmem>>) dst(%dma_wait3A_81 : memref<16x128xf32, #tpu.memory_space<vmem_shared>>)
        tpu.yield
      }) : () -> ()
    } else {
    }
    %dma_wait3A = arith.constant 0 : i32
    %dma_wait3A_31 = arith.constant 0 : i32
    %dma_wait3A_32 = tpu.memref_slice %arg4[%mul3A_5, %dma_wait3A, %dma_wait3A_31] : memref<2500x1x128xi32, #tpu.memory_space<hbm>> -> memref<78x1x128xi32, #tpu.memory_space<hbm>>
    %dma_wait3A_33 = arith.constant 0 : i32
    %dma_wait3A_34 = arith.constant 0 : i32
    %dma_wait3A_35 = tpu.memref_slice %arg4[%mul3A_5, %dma_wait3A_33, %dma_wait3A_34] : memref<2500x1x128xi32, #tpu.memory_space<hbm>> -> memref<78x1x128xi32, #tpu.memory_space<hbm>>
    tpu.wait_dma2 semaphore(%arg14 : memref<!tpu.dma_semaphore, #tpu.memory_space<semaphore_mem>>) src(%dma_wait3A_35 : memref<78x1x128xi32, #tpu.memory_space<hbm>>) dst(%arg7 : memref<78x1x128xi32, #tpu.memory_space<vmem>>)
    %barrier3A = arith.constant 0 : index
    tpu.barrier barrier_id(%barrier3A)
    %dma_start3A_36 = arith.constant 0 : i32
    %dma_start3A_37 = arith.constant 0 : i32
    %dma_start3A_38 = arith.constant 0 : i32
    %dma_start3A_39 = tpu.memref_slice %arg7[%dma_start3A_36, %dma_start3A_37, %dma_start3A_38] : memref<78x1x128xi32, #tpu.memory_space<vmem>> -> memref<1x1x128xi32, #tpu.memory_space<vmem>>
    %dma_start3A_40 = tpu.memref_squeeze %dma_start3A_39 : memref<1x1x128xi32, #tpu.memory_space<vmem>> -> memref<128xi32, #tpu.memory_space<vmem>>
    %dma_start3A_41 = arith.constant 0 : i32
    %dma_start3A_42 = arith.constant 0 : i32
    %dma_start3A_43 = tpu.memref_slice %arg2[%dma_start3A_41, %dma_start3A_42] : memref<10000x128xf32, #tpu.memory_space<hbm>> -> memref<10000x128xf32, #tpu.memory_space<hbm>>
    tpu.enqueue_indirect_dma source(%dma_start3A_43 : memref<10000x128xf32, #tpu.memory_space<hbm>>) target(%arg10 : memref<128x128xf32, #tpu.memory_space<vmem>>) offsets(%dma_start3A_40 : memref<128xi32, #tpu.memory_space<vmem>>) semaphore(%arg15 : memref<!tpu.dma_semaphore, #tpu.memory_space<semaphore_mem>>)
    %scan3A_44 = arith.constant 0 : i32
    %scan3A_45 = arith.constant 0 : i32
    %scan3A_46 = arith.constant 39 : i32
    %scan3A_47 = arith.addi %scan3A_45, %scan3A_46 : i32
    %scan3A_48 = arith.constant 1 : i32
    %scan3A_49 = scf.for %scan3A_61 = %scan3A_45 to %scan3A_47 step %scan3A_48 iter_args(%scan3A_62 = %scan3A_44) -> (i32)  : i32 {
      %mul3A_63 = arith.constant 2 : i32
      %mul3A_64 = arith.muli %mul3A_63, %scan3A_61 : i32
      %add3A_65 = arith.constant 0 : i32
      %add3A_66 = arith.addi %mul3A_64, %add3A_65 : i32
      %dma_wait3A_67 = arith.constant 0 : i32
      %dma_wait3A_68 = arith.constant 0 : i32
      %dma_wait3A_69 = tpu.memref_slice %arg7[%add3A_66, %dma_wait3A_67, %dma_wait3A_68] : memref<78x1x128xi32, #tpu.memory_space<vmem>> -> memref<1x1x128xi32, #tpu.memory_space<vmem>>
      %dma_wait3A_70 = tpu.memref_squeeze %dma_wait3A_69 : memref<1x1x128xi32, #tpu.memory_space<vmem>> -> memref<128xi32, #tpu.memory_space<vmem>>
      %dma_wait3A_71 = arith.constant 0 : i32
      %dma_wait3A_72 = arith.constant 0 : i32
      %dma_wait3A_73 = tpu.memref_slice %arg2[%dma_wait3A_71, %dma_wait3A_72] : memref<10000x128xf32, #tpu.memory_space<hbm>> -> memref<10000x128xf32, #tpu.memory_space<hbm>>
      tpu.wait_indirect_dma semaphore(%arg15 : memref<!tpu.dma_semaphore, #tpu.memory_space<semaphore_mem>>) src(%dma_wait3A_73 : memref<10000x128xf32, #tpu.memory_space<hbm>>) dst(%arg10 : memref<128x128xf32, #tpu.memory_space<vmem>>)
      %add3A_74 = arith.constant 1 : i32
      %add3A_75 = arith.addi %add3A_66, %add3A_74 : i32
      %lt3A_76 = arith.constant 78 : i32
      %lt3A_77 = arith.cmpi slt, %add3A_75, %lt3A_76 : i32
      %convert_element_type3A_78 = arith.extui %lt3A_77 : i1 to i32
      %cond3A_79 = arith.constant 0 : i32
      %cond3A_80 = arith.cmpi ne, %convert_element_type3A_78, %cond3A_79 : i32
      scf.if %cond3A_80 {
        %add3A_116 = arith.constant 1 : i32
        %add3A_117 = arith.addi %add3A_66, %add3A_116 : i32
        %dma_start3A_118 = arith.constant 0 : i32
        %dma_start3A_119 = arith.constant 0 : i32
        %dma_start3A_120 = tpu.memref_slice %arg7[%add3A_117, %dma_start3A_118, %dma_start3A_119] : memref<78x1x128xi32, #tpu.memory_space<vmem>> -> memref<1x1x128xi32, #tpu.memory_space<vmem>>
        %dma_start3A_121 = tpu.memref_squeeze %dma_start3A_120 : memref<1x1x128xi32, #tpu.memory_space<vmem>> -> memref<128xi32, #tpu.memory_space<vmem>>
        %dma_start3A_122 = arith.constant 0 : i32
        %dma_start3A_123 = arith.constant 0 : i32
        %dma_start3A_124 = tpu.memref_slice %arg2[%dma_start3A_122, %dma_start3A_123] : memref<10000x128xf32, #tpu.memory_space<hbm>> -> memref<10000x128xf32, #tpu.memory_space<hbm>>
        tpu.enqueue_indirect_dma source(%dma_start3A_124 : memref<10000x128xf32, #tpu.memory_space<hbm>>) target(%arg11 : memref<128x128xf32, #tpu.memory_space<vmem>>) offsets(%dma_start3A_121 : memref<128xi32, #tpu.memory_space<vmem>>) semaphore(%arg16 : memref<!tpu.dma_semaphore, #tpu.memory_space<semaphore_mem>>)
        %add3A_125 = arith.constant 1 : i32
        %add3A_126 = arith.addi %add3A_66, %add3A_125 : i32
        %mul3A_127 = arith.constant 78 : i32
        %mul3A_128 = arith.muli %add3A, %mul3A_127 : i32
        %add3A_129 = arith.addi %mul3A_128, %add3A_126 : i32
        %dma_start3A_130 = arith.constant 0 : i32
        %dma_start3A_131 = arith.constant 0 : i32
        %dma_start3A_132 = tpu.memref_slice %arg3[%add3A_129, %dma_start3A_130, %dma_start3A_131] : memref<2500x1x128xi32, #tpu.memory_space<hbm>> -> memref<1x1x128xi32, #tpu.memory_space<hbm>>
        %dma_start3A_133 = arith.constant 0 : i32
        %dma_start3A_134 = arith.constant 0 : i32
        %dma_start3A_135 = tpu.memref_slice %arg3[%add3A_129, %dma_start3A_133, %dma_start3A_134] : memref<2500x1x128xi32, #tpu.memory_space<hbm>> -> memref<1x1x128xi32, #tpu.memory_space<hbm>>
        tpu.enqueue_dma source(%dma_start3A_135 : memref<1x1x128xi32, #tpu.memory_space<hbm>>) target(%arg9 : memref<1x1x128xi32, #tpu.memory_space<vmem>>) target_semaphore(%arg18 : memref<!tpu.dma_semaphore, #tpu.memory_space<semaphore_mem>>)
      } else {
      }
      %gt3A = arith.constant 0 : i32
      %gt3A_81 = arith.cmpi sgt, %add3A_66, %gt3A : i32
      %convert_element_type3A_82 = arith.extui %gt3A_81 : i1 to i32
      %cond3A_83 = arith.constant 0 : i32
      %cond3A_84 = arith.cmpi ne, %convert_element_type3A_82, %cond3A_83 : i32
      scf.if %cond3A_84 {
        %mul3A_116 = arith.constant 78 : i32
        %mul3A_117 = arith.muli %add3A, %mul3A_116 : i32
        %add3A_118 = arith.addi %mul3A_117, %add3A_66 : i32
        %dma_wait3A_119 = arith.constant 0 : i32
        %dma_wait3A_120 = arith.constant 0 : i32
        %dma_wait3A_121 = tpu.memref_slice %arg3[%add3A_118, %dma_wait3A_119, %dma_wait3A_120] : memref<2500x1x128xi32, #tpu.memory_space<hbm>> -> memref<1x1x128xi32, #tpu.memory_space<hbm>>
        %dma_wait3A_122 = arith.constant 0 : i32
        %dma_wait3A_123 = arith.constant 0 : i32
        %dma_wait3A_124 = tpu.memref_slice %arg3[%add3A_118, %dma_wait3A_122, %dma_wait3A_123] : memref<2500x1x128xi32, #tpu.memory_space<hbm>> -> memref<1x1x128xi32, #tpu.memory_space<hbm>>
        tpu.wait_dma2 semaphore(%arg17 : memref<!tpu.dma_semaphore, #tpu.memory_space<semaphore_mem>>) src(%dma_wait3A_124 : memref<1x1x128xi32, #tpu.memory_space<hbm>>) dst(%arg8 : memref<1x1x128xi32, #tpu.memory_space<vmem>>)
      } else {
      }
      %run_scoped3A = arith.constant 0 : i32
      %run_scoped3A_85 = arith.constant 0 : i32
      "tpu.region"() ({
        %run_scoped3A_116 = tpu.sem_alloc : memref<!tpu.dma_semaphore, #tpu.memory_space<semaphore_mem>>
        %dma_start3A_117 = arith.constant 0 : i32
        %dma_start3A_118 = tpu.memref_slice %arg8[%run_scoped3A, %run_scoped3A_85, %dma_start3A_117] : memref<1x1x128xi32, #tpu.memory_space<vmem>> -> memref<1x1x128xi32, #tpu.memory_space<vmem>>
        %dma_start3A_119 = tpu.memref_squeeze %dma_start3A_118 : memref<1x1x128xi32, #tpu.memory_space<vmem>> -> memref<128xi32, #tpu.memory_space<vmem>>
        %dma_start3A_120 = arith.constant 0 : i32
        %dma_start3A_121 = arith.constant 0 : i32
        %dma_start3A_122 = tpu.memref_slice %arg6[%dma_start3A_120, %dma_start3A_121] : memref<10000x128xf32, #tpu.memory_space<vmem_shared>> -> memref<10000x128xf32, #tpu.memory_space<vmem_shared>>
        tpu.enqueue_indirect_dma source(%arg10 : memref<128x128xf32, #tpu.memory_space<vmem>>) target(%dma_start3A_122 : memref<10000x128xf32, #tpu.memory_space<vmem_shared>>) offsets(%dma_start3A_119 : memref<128xi32, #tpu.memory_space<vmem>>) semaphore(%run_scoped3A_116 : memref<!tpu.dma_semaphore, #tpu.memory_space<semaphore_mem>>) {add = true}
        %dma_wait3A_123 = arith.constant 0 : i32
        %dma_wait3A_124 = tpu.memref_slice %arg8[%run_scoped3A, %run_scoped3A_85, %dma_wait3A_123] : memref<1x1x128xi32, #tpu.memory_space<vmem>> -> memref<1x1x128xi32, #tpu.memory_space<vmem>>
        %dma_wait3A_125 = tpu.memref_squeeze %dma_wait3A_124 : memref<1x1x128xi32, #tpu.memory_space<vmem>> -> memref<128xi32, #tpu.memory_space<vmem>>
        %dma_wait3A_126 = arith.constant 0 : i32
        %dma_wait3A_127 = arith.constant 0 : i32
        %dma_wait3A_128 = tpu.memref_slice %arg6[%dma_wait3A_126, %dma_wait3A_127] : memref<10000x128xf32, #tpu.memory_space<vmem_shared>> -> memref<10000x128xf32, #tpu.memory_space<vmem_shared>>
        tpu.wait_indirect_dma semaphore(%run_scoped3A_116 : memref<!tpu.dma_semaphore, #tpu.memory_space<semaphore_mem>>) src(%arg10 : memref<128x128xf32, #tpu.memory_space<vmem>>) dst(%dma_wait3A_128 : memref<10000x128xf32, #tpu.memory_space<vmem_shared>>)
        tpu.yield
      }) : () -> ()
      %mul3A_86 = arith.constant 2 : i32
      %mul3A_87 = arith.muli %mul3A_86, %scan3A_61 : i32
      %add3A_88 = arith.constant 1 : i32
      %add3A_89 = arith.addi %mul3A_87, %add3A_88 : i32
      %dma_wait3A_90 = arith.constant 0 : i32
      %dma_wait3A_91 = arith.constant 0 : i32
      %dma_wait3A_92 = tpu.memref_slice %arg7[%add3A_89, %dma_wait3A_90, %dma_wait3A_91] : memref<78x1x128xi32, #tpu.memory_space<vmem>> -> memref<1x1x128xi32, #tpu.memory_space<vmem>>
      %dma_wait3A_93 = tpu.memref_squeeze %dma_wait3A_92 : memref<1x1x128xi32, #tpu.memory_space<vmem>> -> memref<128xi32, #tpu.memory_space<vmem>>
      %dma_wait3A_94 = arith.constant 0 : i32
      %dma_wait3A_95 = arith.constant 0 : i32
      %dma_wait3A_96 = tpu.memref_slice %arg2[%dma_wait3A_94, %dma_wait3A_95] : memref<10000x128xf32, #tpu.memory_space<hbm>> -> memref<10000x128xf32, #tpu.memory_space<hbm>>
      tpu.wait_indirect_dma semaphore(%arg16 : memref<!tpu.dma_semaphore, #tpu.memory_space<semaphore_mem>>) src(%dma_wait3A_96 : memref<10000x128xf32, #tpu.memory_space<hbm>>) dst(%arg11 : memref<128x128xf32, #tpu.memory_space<vmem>>)
      %add3A_97 = arith.constant 1 : i32
      %add3A_98 = arith.addi %add3A_89, %add3A_97 : i32
      %lt3A_99 = arith.constant 78 : i32
      %lt3A_100 = arith.cmpi slt, %add3A_98, %lt3A_99 : i32
      %convert_element_type3A_101 = arith.extui %lt3A_100 : i1 to i32
      %cond3A_102 = arith.constant 0 : i32
      %cond3A_103 = arith.cmpi ne, %convert_element_type3A_101, %cond3A_102 : i32
      scf.if %cond3A_103 {
        %add3A_116 = arith.constant 1 : i32
        %add3A_117 = arith.addi %add3A_89, %add3A_116 : i32
        %dma_start3A_118 = arith.constant 0 : i32
        %dma_start3A_119 = arith.constant 0 : i32
        %dma_start3A_120 = tpu.memref_slice %arg7[%add3A_117, %dma_start3A_118, %dma_start3A_119] : memref<78x1x128xi32, #tpu.memory_space<vmem>> -> memref<1x1x128xi32, #tpu.memory_space<vmem>>
        %dma_start3A_121 = tpu.memref_squeeze %dma_start3A_120 : memref<1x1x128xi32, #tpu.memory_space<vmem>> -> memref<128xi32, #tpu.memory_space<vmem>>
        %dma_start3A_122 = arith.constant 0 : i32
        %dma_start3A_123 = arith.constant 0 : i32
        %dma_start3A_124 = tpu.memref_slice %arg2[%dma_start3A_122, %dma_start3A_123] : memref<10000x128xf32, #tpu.memory_space<hbm>> -> memref<10000x128xf32, #tpu.memory_space<hbm>>
        tpu.enqueue_indirect_dma source(%dma_start3A_124 : memref<10000x128xf32, #tpu.memory_space<hbm>>) target(%arg10 : memref<128x128xf32, #tpu.memory_space<vmem>>) offsets(%dma_start3A_121 : memref<128xi32, #tpu.memory_space<vmem>>) semaphore(%arg15 : memref<!tpu.dma_semaphore, #tpu.memory_space<semaphore_mem>>)
        %add3A_125 = arith.constant 1 : i32
        %add3A_126 = arith.addi %add3A_89, %add3A_125 : i32
        %mul3A_127 = arith.constant 78 : i32
        %mul3A_128 = arith.muli %add3A, %mul3A_127 : i32
        %add3A_129 = arith.addi %mul3A_128, %add3A_126 : i32
        %dma_start3A_130 = arith.constant 0 : i32
        %dma_start3A_131 = arith.constant 0 : i32
        %dma_start3A_132 = tpu.memref_slice %arg3[%add3A_129, %dma_start3A_130, %dma_start3A_131] : memref<2500x1x128xi32, #tpu.memory_space<hbm>> -> memref<1x1x128xi32, #tpu.memory_space<hbm>>
        %dma_start3A_133 = arith.constant 0 : i32
        %dma_start3A_134 = arith.constant 0 : i32
        %dma_start3A_135 = tpu.memref_slice %arg3[%add3A_129, %dma_start3A_133, %dma_start3A_134] : memref<2500x1x128xi32, #tpu.memory_space<hbm>> -> memref<1x1x128xi32, #tpu.memory_space<hbm>>
        tpu.enqueue_dma source(%dma_start3A_135 : memref<1x1x128xi32, #tpu.memory_space<hbm>>) target(%arg8 : memref<1x1x128xi32, #tpu.memory_space<vmem>>) target_semaphore(%arg17 : memref<!tpu.dma_semaphore, #tpu.memory_space<semaphore_mem>>)
      } else {
      }
      %mul3A_104 = arith.constant 78 : i32
      %mul3A_105 = arith.muli %add3A, %mul3A_104 : i32
      %add3A_106 = arith.addi %mul3A_105, %add3A_89 : i32
      %dma_wait3A_107 = arith.constant 0 : i32
      %dma_wait3A_108 = arith.constant 0 : i32
      %dma_wait3A_109 = tpu.memref_slice %arg3[%add3A_106, %dma_wait3A_107, %dma_wait3A_108] : memref<2500x1x128xi32, #tpu.memory_space<hbm>> -> memref<1x1x128xi32, #tpu.memory_space<hbm>>
      %dma_wait3A_110 = arith.constant 0 : i32
      %dma_wait3A_111 = arith.constant 0 : i32
      %dma_wait3A_112 = tpu.memref_slice %arg3[%add3A_106, %dma_wait3A_110, %dma_wait3A_111] : memref<2500x1x128xi32, #tpu.memory_space<hbm>> -> memref<1x1x128xi32, #tpu.memory_space<hbm>>
      tpu.wait_dma2 semaphore(%arg18 : memref<!tpu.dma_semaphore, #tpu.memory_space<semaphore_mem>>) src(%dma_wait3A_112 : memref<1x1x128xi32, #tpu.memory_space<hbm>>) dst(%arg9 : memref<1x1x128xi32, #tpu.memory_space<vmem>>)
      %run_scoped3A_113 = arith.constant 0 : i32
      %run_scoped3A_114 = arith.constant 0 : i32
      "tpu.region"() ({
        %run_scoped3A_116 = tpu.sem_alloc : memref<!tpu.dma_semaphore, #tpu.memory_space<semaphore_mem>>
        %dma_start3A_117 = arith.constant 0 : i32
        %dma_start3A_118 = tpu.memref_slice %arg9[%run_scoped3A_113, %run_scoped3A_114, %dma_start3A_117] : memref<1x1x128xi32, #tpu.memory_space<vmem>> -> memref<1x1x128xi32, #tpu.memory_space<vmem>>
        %dma_start3A_119 = tpu.memref_squeeze %dma_start3A_118 : memref<1x1x128xi32, #tpu.memory_space<vmem>> -> memref<128xi32, #tpu.memory_space<vmem>>
        %dma_start3A_120 = arith.constant 0 : i32
        %dma_start3A_121 = arith.constant 0 : i32
        %dma_start3A_122 = tpu.memref_slice %arg6[%dma_start3A_120, %dma_start3A_121] : memref<10000x128xf32, #tpu.memory_space<vmem_shared>> -> memref<10000x128xf32, #tpu.memory_space<vmem_shared>>
        tpu.enqueue_indirect_dma source(%arg11 : memref<128x128xf32, #tpu.memory_space<vmem>>) target(%dma_start3A_122 : memref<10000x128xf32, #tpu.memory_space<vmem_shared>>) offsets(%dma_start3A_119 : memref<128xi32, #tpu.memory_space<vmem>>) semaphore(%run_scoped3A_116 : memref<!tpu.dma_semaphore, #tpu.memory_space<semaphore_mem>>) {add = true}
        %dma_wait3A_123 = arith.constant 0 : i32
        %dma_wait3A_124 = tpu.memref_slice %arg9[%run_scoped3A_113, %run_scoped3A_114, %dma_wait3A_123] : memref<1x1x128xi32, #tpu.memory_space<vmem>> -> memref<1x1x128xi32, #tpu.memory_space<vmem>>
        %dma_wait3A_125 = tpu.memref_squeeze %dma_wait3A_124 : memref<1x1x128xi32, #tpu.memory_space<vmem>> -> memref<128xi32, #tpu.memory_space<vmem>>
        %dma_wait3A_126 = arith.constant 0 : i32
        %dma_wait3A_127 = arith.constant 0 : i32
        %dma_wait3A_128 = tpu.memref_slice %arg6[%dma_wait3A_126, %dma_wait3A_127] : memref<10000x128xf32, #tpu.memory_space<vmem_shared>> -> memref<10000x128xf32, #tpu.memory_space<vmem_shared>>
        tpu.wait_indirect_dma semaphore(%run_scoped3A_116 : memref<!tpu.dma_semaphore, #tpu.memory_space<semaphore_mem>>) src(%arg11 : memref<128x128xf32, #tpu.memory_space<vmem>>) dst(%dma_wait3A_128 : memref<10000x128xf32, #tpu.memory_space<vmem_shared>>)
        tpu.yield
      }) : () -> ()
      %scan3A_115 = arith.constant 0 : i32
      scf.yield %scan3A_115 : i32
    }
    %scan3A_50 = arith.constant 39 : i32
    %lt3A = arith.constant 4 : i32
    %lt3A_51 = arith.cmpi slt, %add3A, %lt3A : i32
    %convert_element_type3A_52 = arith.extui %lt3A_51 : i1 to i32
    %cond3A_53 = arith.constant 0 : i32
    %cond3A_54 = arith.cmpi ne, %convert_element_type3A_52, %cond3A_53 : i32
    scf.if %cond3A_54 {
      %add3A_61 = arith.constant 2496 : i32
      %add3A_62 = arith.addi %add3A_61, %add3A : i32
      "tpu.region"() ({
        %run_scoped3A_82 = tpu.sem_alloc : memref<!tpu.dma_semaphore, #tpu.memory_space<semaphore_mem>>
        %dma_start3A_83 = arith.constant 0 : i32
        %dma_start3A_84 = arith.constant 0 : i32
        %dma_start3A_85 = tpu.memref_slice %arg4[%add3A_62, %dma_start3A_83, %dma_start3A_84] : memref<2500x1x128xi32, #tpu.memory_space<hbm>> -> memref<1x1x128xi32, #tpu.memory_space<hbm>>
        %dma_start3A_86 = arith.constant 0 : i32
        %dma_start3A_87 = arith.constant 0 : i32
        %dma_start3A_88 = tpu.memref_slice %arg4[%add3A_62, %dma_start3A_86, %dma_start3A_87] : memref<2500x1x128xi32, #tpu.memory_space<hbm>> -> memref<1x1x128xi32, #tpu.memory_space<hbm>>
        tpu.enqueue_dma source(%dma_start3A_88 : memref<1x1x128xi32, #tpu.memory_space<hbm>>) target(%arg12 : memref<1x1x128xi32, #tpu.memory_space<vmem>>) target_semaphore(%run_scoped3A_82 : memref<!tpu.dma_semaphore, #tpu.memory_space<semaphore_mem>>)
        %dma_wait3A_89 = arith.constant 0 : i32
        %dma_wait3A_90 = arith.constant 0 : i32
        %dma_wait3A_91 = tpu.memref_slice %arg4[%add3A_62, %dma_wait3A_89, %dma_wait3A_90] : memref<2500x1x128xi32, #tpu.memory_space<hbm>> -> memref<1x1x128xi32, #tpu.memory_space<hbm>>
        %dma_wait3A_92 = arith.constant 0 : i32
        %dma_wait3A_93 = arith.constant 0 : i32
        %dma_wait3A_94 = tpu.memref_slice %arg4[%add3A_62, %dma_wait3A_92, %dma_wait3A_93] : memref<2500x1x128xi32, #tpu.memory_space<hbm>> -> memref<1x1x128xi32, #tpu.memory_space<hbm>>
        tpu.wait_dma2 semaphore(%run_scoped3A_82 : memref<!tpu.dma_semaphore, #tpu.memory_space<semaphore_mem>>) src(%dma_wait3A_94 : memref<1x1x128xi32, #tpu.memory_space<hbm>>) dst(%arg12 : memref<1x1x128xi32, #tpu.memory_space<vmem>>)
        tpu.yield
      }) : () -> ()
      %add3A_63 = arith.constant 2496 : i32
      %add3A_64 = arith.addi %add3A_63, %add3A : i32
      "tpu.region"() ({
        %run_scoped3A_82 = tpu.sem_alloc : memref<!tpu.dma_semaphore, #tpu.memory_space<semaphore_mem>>
        %dma_start3A_83 = arith.constant 0 : i32
        %dma_start3A_84 = arith.constant 0 : i32
        %dma_start3A_85 = tpu.memref_slice %arg3[%add3A_64, %dma_start3A_83, %dma_start3A_84] : memref<2500x1x128xi32, #tpu.memory_space<hbm>> -> memref<1x1x128xi32, #tpu.memory_space<hbm>>
        %dma_start3A_86 = arith.constant 0 : i32
        %dma_start3A_87 = arith.constant 0 : i32
        %dma_start3A_88 = tpu.memref_slice %arg3[%add3A_64, %dma_start3A_86, %dma_start3A_87] : memref<2500x1x128xi32, #tpu.memory_space<hbm>> -> memref<1x1x128xi32, #tpu.memory_space<hbm>>
        tpu.enqueue_dma source(%dma_start3A_88 : memref<1x1x128xi32, #tpu.memory_space<hbm>>) target(%arg13 : memref<1x1x128xi32, #tpu.memory_space<vmem>>) target_semaphore(%run_scoped3A_82 : memref<!tpu.dma_semaphore, #tpu.memory_space<semaphore_mem>>)
        %dma_wait3A_89 = arith.constant 0 : i32
        %dma_wait3A_90 = arith.constant 0 : i32
        %dma_wait3A_91 = tpu.memref_slice %arg3[%add3A_64, %dma_wait3A_89, %dma_wait3A_90] : memref<2500x1x128xi32, #tpu.memory_space<hbm>> -> memref<1x1x128xi32, #tpu.memory_space<hbm>>
        %dma_wait3A_92 = arith.constant 0 : i32
        %dma_wait3A_93 = arith.constant 0 : i32
        %dma_wait3A_94 = tpu.memref_slice %arg3[%add3A_64, %dma_wait3A_92, %dma_wait3A_93] : memref<2500x1x128xi32, #tpu.memory_space<hbm>> -> memref<1x1x128xi32, #tpu.memory_space<hbm>>
        tpu.wait_dma2 semaphore(%run_scoped3A_82 : memref<!tpu.dma_semaphore, #tpu.memory_space<semaphore_mem>>) src(%dma_wait3A_94 : memref<1x1x128xi32, #tpu.memory_space<hbm>>) dst(%arg13 : memref<1x1x128xi32, #tpu.memory_space<vmem>>)
        tpu.yield
      }) : () -> ()
      %dma_start3A_65 = arith.constant 0 : i32
      %dma_start3A_66 = arith.constant 0 : i32
      %dma_start3A_67 = arith.constant 0 : i32
      %dma_start3A_68 = tpu.memref_slice %arg12[%dma_start3A_65, %dma_start3A_66, %dma_start3A_67] : memref<1x1x128xi32, #tpu.memory_space<vmem>> -> memref<1x1x128xi32, #tpu.memory_space<vmem>>
      %dma_start3A_69 = tpu.memref_squeeze %dma_start3A_68 : memref<1x1x128xi32, #tpu.memory_space<vmem>> -> memref<128xi32, #tpu.memory_space<vmem>>
      %dma_start3A_70 = arith.constant 0 : i32
      %dma_start3A_71 = arith.constant 0 : i32
      %dma_start3A_72 = tpu.memref_slice %arg2[%dma_start3A_70, %dma_start3A_71] : memref<10000x128xf32, #tpu.memory_space<hbm>> -> memref<10000x128xf32, #tpu.memory_space<hbm>>
      tpu.enqueue_indirect_dma source(%dma_start3A_72 : memref<10000x128xf32, #tpu.memory_space<hbm>>) target(%arg10 : memref<128x128xf32, #tpu.memory_space<vmem>>) offsets(%dma_start3A_69 : memref<128xi32, #tpu.memory_space<vmem>>) semaphore(%arg15 : memref<!tpu.dma_semaphore, #tpu.memory_space<semaphore_mem>>)
      %dma_wait3A_73 = arith.constant 0 : i32
      %dma_wait3A_74 = arith.constant 0 : i32
      %dma_wait3A_75 = arith.constant 0 : i32
      %dma_wait3A_76 = tpu.memref_slice %arg12[%dma_wait3A_73, %dma_wait3A_74, %dma_wait3A_75] : memref<1x1x128xi32, #tpu.memory_space<vmem>> -> memref<1x1x128xi32, #tpu.memory_space<vmem>>
      %dma_wait3A_77 = tpu.memref_squeeze %dma_wait3A_76 : memref<1x1x128xi32, #tpu.memory_space<vmem>> -> memref<128xi32, #tpu.memory_space<vmem>>
      %dma_wait3A_78 = arith.constant 0 : i32
      %dma_wait3A_79 = arith.constant 0 : i32
      %dma_wait3A_80 = tpu.memref_slice %arg2[%dma_wait3A_78, %dma_wait3A_79] : memref<10000x128xf32, #tpu.memory_space<hbm>> -> memref<10000x128xf32, #tpu.memory_space<hbm>>
      tpu.wait_indirect_dma semaphore(%arg15 : memref<!tpu.dma_semaphore, #tpu.memory_space<semaphore_mem>>) src(%dma_wait3A_80 : memref<10000x128xf32, #tpu.memory_space<hbm>>) dst(%arg10 : memref<128x128xf32, #tpu.memory_space<vmem>>)
      %run_scoped3A = arith.constant 0 : i32
      %run_scoped3A_81 = arith.constant 0 : i32
      "tpu.region"() ({
        %run_scoped3A_82 = tpu.sem_alloc : memref<!tpu.dma_semaphore, #tpu.memory_space<semaphore_mem>>
        %dma_start3A_83 = arith.constant 0 : i32
        %dma_start3A_84 = tpu.memref_slice %arg13[%run_scoped3A, %run_scoped3A_81, %dma_start3A_83] : memref<1x1x128xi32, #tpu.memory_space<vmem>> -> memref<1x1x128xi32, #tpu.memory_space<vmem>>
        %dma_start3A_85 = tpu.memref_squeeze %dma_start3A_84 : memref<1x1x128xi32, #tpu.memory_space<vmem>> -> memref<128xi32, #tpu.memory_space<vmem>>
        %dma_start3A_86 = arith.constant 0 : i32
        %dma_start3A_87 = arith.constant 0 : i32
        %dma_start3A_88 = tpu.memref_slice %arg6[%dma_start3A_86, %dma_start3A_87] : memref<10000x128xf32, #tpu.memory_space<vmem_shared>> -> memref<10000x128xf32, #tpu.memory_space<vmem_shared>>
        tpu.enqueue_indirect_dma source(%arg10 : memref<128x128xf32, #tpu.memory_space<vmem>>) target(%dma_start3A_88 : memref<10000x128xf32, #tpu.memory_space<vmem_shared>>) offsets(%dma_start3A_85 : memref<128xi32, #tpu.memory_space<vmem>>) semaphore(%run_scoped3A_82 : memref<!tpu.dma_semaphore, #tpu.memory_space<semaphore_mem>>) {add = true}
        %dma_wait3A_89 = arith.constant 0 : i32
        %dma_wait3A_90 = tpu.memref_slice %arg13[%run_scoped3A, %run_scoped3A_81, %dma_wait3A_89] : memref<1x1x128xi32, #tpu.memory_space<vmem>> -> memref<1x1x128xi32, #tpu.memory_space<vmem>>
        %dma_wait3A_91 = tpu.memref_squeeze %dma_wait3A_90 : memref<1x1x128xi32, #tpu.memory_space<vmem>> -> memref<128xi32, #tpu.memory_space<vmem>>
        %dma_wait3A_92 = arith.constant 0 : i32
        %dma_wait3A_93 = arith.constant 0 : i32
        %dma_wait3A_94 = tpu.memref_slice %arg6[%dma_wait3A_92, %dma_wait3A_93] : memref<10000x128xf32, #tpu.memory_space<vmem_shared>> -> memref<10000x128xf32, #tpu.memory_space<vmem_shared>>
        tpu.wait_indirect_dma semaphore(%run_scoped3A_82 : memref<!tpu.dma_semaphore, #tpu.memory_space<semaphore_mem>>) src(%arg10 : memref<128x128xf32, #tpu.memory_space<vmem>>) dst(%dma_wait3A_94 : memref<10000x128xf32, #tpu.memory_space<vmem_shared>>)
        tpu.yield
      }) : () -> ()
    } else {
    }
    %barrier3A_55 = arith.constant 0 : index
    tpu.barrier barrier_id(%barrier3A_55)
    "tpu.region"() ({
      %run_scoped3A = tpu.sem_alloc : memref<!tpu.dma_semaphore, #tpu.memory_space<semaphore_mem>>
      %dma_start3A_61 = arith.constant 0 : i32
      %dma_start3A_62 = tpu.memref_slice %arg5[%arg0, %mul3A_2, %dma_start3A_61] : memref<2x10000x128xf32, #tpu.memory_space<hbm>> -> memref<1x624x128xf32, #tpu.memory_space<hbm>>
      %dma_start3A_63 = tpu.memref_squeeze %dma_start3A_62 : memref<1x624x128xf32, #tpu.memory_space<hbm>> -> memref<624x128xf32, #tpu.memory_space<hbm>>
      %dma_start3A_64 = arith.constant 0 : i32
      %dma_start3A_65 = tpu.memref_slice %arg6[%mul3A_2, %dma_start3A_64] : memref<10000x128xf32, #tpu.memory_space<vmem_shared>> -> memref<624x128xf32, #tpu.memory_space<vmem_shared>>
      tpu.enqueue_dma source(%dma_start3A_65 : memref<624x128xf32, #tpu.memory_space<vmem_shared>>) target(%dma_start3A_63 : memref<624x128xf32, #tpu.memory_space<hbm>>) target_semaphore(%run_scoped3A : memref<!tpu.dma_semaphore, #tpu.memory_space<semaphore_mem>>)
      %dma_wait3A_66 = arith.constant 0 : i32
      %dma_wait3A_67 = tpu.memref_slice %arg5[%arg0, %mul3A_2, %dma_wait3A_66] : memref<2x10000x128xf32, #tpu.memory_space<hbm>> -> memref<1x624x128xf32, #tpu.memory_space<hbm>>
      %dma_wait3A_68 = tpu.memref_squeeze %dma_wait3A_67 : memref<1x624x128xf32, #tpu.memory_space<hbm>> -> memref<624x128xf32, #tpu.memory_space<hbm>>
      %dma_wait3A_69 = arith.constant 0 : i32
      %dma_wait3A_70 = tpu.memref_slice %arg6[%mul3A_2, %dma_wait3A_69] : memref<10000x128xf32, #tpu.memory_space<vmem_shared>> -> memref<624x128xf32, #tpu.memory_space<vmem_shared>>
      tpu.wait_dma2 semaphore(%run_scoped3A : memref<!tpu.dma_semaphore, #tpu.memory_space<semaphore_mem>>) src(%dma_wait3A_70 : memref<624x128xf32, #tpu.memory_space<vmem_shared>>) dst(%dma_wait3A_68 : memref<624x128xf32, #tpu.memory_space<hbm>>)
      tpu.yield
    }) : () -> ()
    %eq3A_56 = arith.constant 15 : i32
    %eq3A_57 = arith.cmpi eq, %arg1, %eq3A_56 : i32
    %convert_element_type3A_58 = arith.extui %eq3A_57 : i1 to i32
    %cond3A_59 = arith.constant 0 : i32
    %cond3A_60 = arith.cmpi ne, %convert_element_type3A_58, %cond3A_59 : i32
    scf.if %cond3A_60 {
      "tpu.region"() ({
        %run_scoped3A = tpu.sem_alloc : memref<!tpu.dma_semaphore, #tpu.memory_space<semaphore_mem>>
        %dma_start3A_61 = arith.constant 9984 : i32
        %dma_start3A_62 = arith.constant 0 : i32
        %dma_start3A_63 = tpu.memref_slice %arg5[%arg0, %dma_start3A_61, %dma_start3A_62] : memref<2x10000x128xf32, #tpu.memory_space<hbm>> -> memref<1x16x128xf32, #tpu.memory_space<hbm>>
        %dma_start3A_64 = tpu.memref_squeeze %dma_start3A_63 : memref<1x16x128xf32, #tpu.memory_space<hbm>> -> memref<16x128xf32, #tpu.memory_space<hbm>>
        %dma_start3A_65 = arith.constant 9984 : i32
        %dma_start3A_66 = arith.constant 0 : i32
        %dma_start3A_67 = tpu.memref_slice %arg6[%dma_start3A_65, %dma_start3A_66] : memref<10000x128xf32, #tpu.memory_space<vmem_shared>> -> memref<16x128xf32, #tpu.memory_space<vmem_shared>>
        tpu.enqueue_dma source(%dma_start3A_67 : memref<16x128xf32, #tpu.memory_space<vmem_shared>>) target(%dma_start3A_64 : memref<16x128xf32, #tpu.memory_space<hbm>>) target_semaphore(%run_scoped3A : memref<!tpu.dma_semaphore, #tpu.memory_space<semaphore_mem>>)
        %dma_wait3A_68 = arith.constant 9984 : i32
        %dma_wait3A_69 = arith.constant 0 : i32
        %dma_wait3A_70 = tpu.memref_slice %arg5[%arg0, %dma_wait3A_68, %dma_wait3A_69] : memref<2x10000x128xf32, #tpu.memory_space<hbm>> -> memref<1x16x128xf32, #tpu.memory_space<hbm>>
        %dma_wait3A_71 = tpu.memref_squeeze %dma_wait3A_70 : memref<1x16x128xf32, #tpu.memory_space<hbm>> -> memref<16x128xf32, #tpu.memory_space<hbm>>
        %dma_wait3A_72 = arith.constant 9984 : i32
        %dma_wait3A_73 = arith.constant 0 : i32
        %dma_wait3A_74 = tpu.memref_slice %arg6[%dma_wait3A_72, %dma_wait3A_73] : memref<10000x128xf32, #tpu.memory_space<vmem_shared>> -> memref<16x128xf32, #tpu.memory_space<vmem_shared>>
        tpu.wait_dma2 semaphore(%run_scoped3A : memref<!tpu.dma_semaphore, #tpu.memory_space<semaphore_mem>>) src(%dma_wait3A_74 : memref<16x128xf32, #tpu.memory_space<vmem_shared>>) dst(%dma_wait3A_71 : memref<16x128xf32, #tpu.memory_space<hbm>>)
        tpu.yield
      }) : () -> ()
    } else {
    }
    return
  }
}

module attributes {stable_mosaic.version = 14 : i64} {
  func.func @body(%arg0: i32, %arg1: memref<32x2048xf32, #tpu.memory_space<vmem>>, %arg2: memref<2048x128xf32, #tpu.memory_space<vmem>>, %arg3: memref<2048x1xf32, #tpu.memory_space<vmem>>, %arg4: memref<2048x128xf32, #tpu.memory_space<vmem>>) attributes {dimension_semantics = [#tpu.dimension_semantics<arbitrary>], iteration_bounds = array<i64: 5>, scalar_prefetch = 0 : i64, scratch_operands = 0 : i64, tpu.core_type = #tpu.core_type<tc>, window_params = [{transform_indices = @transform_0, window_bounds = array<i64: 32, 2048>}, {transform_indices = @transform_1, window_bounds = array<i64: 2048, 128>}, {transform_indices = @transform_2, window_bounds = array<i64: 2048, 1>}, {transform_indices = @transform_3, window_bounds = array<i64: 2048, 128>}]} {
    %get3A = arith.constant 0 : index
    %get3A_0 = arith.constant 0 : index
    %get3A_1 = vector.load %arg1[%get3A, %get3A_0] : memref<32x2048xf32, #tpu.memory_space<vmem>>, vector<32x2048xf32>
    %reduce_sum3A = arith.constant dense<0.000000e+00> : vector<2048xf32>
    %reduce_sum3A_2 = vector.multi_reduction <add>, %get3A_1, %reduce_sum3A [0] : vector<32x2048xf32> to vector<2048xf32>
    %broadcast_in_dim3A = vector.shape_cast %reduce_sum3A_2 : vector<2048xf32> to vector<1x2048xf32>
    %gt3A = arith.constant 0.000000e+00 : f32
    %gt3A_3 = vector.broadcast %gt3A : f32 to vector<1x2048xf32>
    %gt3A_4 = arith.cmpf ogt, %broadcast_in_dim3A, %gt3A_3 : vector<1x2048xf32>
    %rsqrt3A = math.rsqrt %broadcast_in_dim3A : vector<1x2048xf32>
    %jit3A = arith.constant 0.000000e+00 : f32
    %broadcast_in_dim3A_5 = vector.broadcast %jit3A : f32 to vector<1x2048xf32>
    %select_n3A = arith.select %gt3A_4, %rsqrt3A, %broadcast_in_dim3A_5 : vector<1x2048xi1>, vector<1x2048xf32>
    %transpose3A = tpu.transpose %select_n3A, [1, 0] : vector<1x2048xf32> -> vector<2048x1xf32>
    %swap3A = arith.constant 0 : index
    %swap3A_6 = arith.constant 0 : index
    %swap3A_7 = vector.load %arg3[%swap3A, %swap3A_6] : memref<2048x1xf32, #tpu.memory_space<vmem>>, vector<2048x1xf32>
    tpu.vector_store %arg3[%swap3A, %swap3A_6], %transpose3A {strides = array<i32>} : memref<2048x1xf32, #tpu.memory_space<vmem>>, vector<2048x1xf32>,
    %get3A_8 = arith.constant 0 : index
    %get3A_9 = arith.constant 0 : index
    %get3A_10 = vector.load %arg2[%get3A_8, %get3A_9] : memref<2048x128xf32, #tpu.memory_space<vmem>>, vector<2048x128xf32>
    %mul3A = vector.broadcast %transpose3A : vector<2048x1xf32> to vector<2048x128xf32>
    %mul3A_11 = arith.mulf %mul3A, %get3A_10 : vector<2048x128xf32>
    %swap3A_12 = arith.constant 0 : index
    %swap3A_13 = arith.constant 0 : index
    %swap3A_14 = vector.load %arg4[%swap3A_12, %swap3A_13] : memref<2048x128xf32, #tpu.memory_space<vmem>>, vector<2048x128xf32>
    tpu.vector_store %arg4[%swap3A_12, %swap3A_13], %mul3A_11 {strides = array<i32>} : memref<2048x128xf32, #tpu.memory_space<vmem>>, vector<2048x128xf32>,
    return
  }
  func.func @transform_0(%arg0: i32) -> (i32, i32) {
    %c0_i32 = arith.constant 0 : i32
    %c0_i32_0 = arith.constant 0 : i32
    return %c0_i32, %arg0 : i32, i32
  }
  func.func @transform_1(%arg0: i32) -> (i32, i32) {
    %c0_i32 = arith.constant 0 : i32
    %c0_i32_0 = arith.constant 0 : i32
    return %arg0, %c0_i32 : i32, i32
  }
  func.func @transform_2(%arg0: i32) -> (i32, i32) {
    %c0_i32 = arith.constant 0 : i32
    %c0_i32_0 = arith.constant 0 : i32
    return %arg0, %c0_i32 : i32, i32
  }
  func.func @transform_3(%arg0: i32) -> (i32, i32) {
    %c0_i32 = arith.constant 0 : i32
    %c0_i32_0 = arith.constant 0 : i32
    return %arg0, %c0_i32 : i32, i32
  }
}

module attributes {stable_mosaic.version = 14 : i64} {
  func.func @body(%arg0: i32, %arg1: memref<2x2000x128xf32, #tpu.memory_space<vmem>>, %arg2: memref<2000x1xf32, #tpu.memory_space<vmem>>, %arg3: memref<1x128xf32, #tpu.memory_space<vmem>>, %arg4: memref<128x128xf32, #tpu.memory_space<vmem>>, %arg5: memref<2000x128xf32, #tpu.memory_space<vmem>>) attributes {dimension_semantics = [#tpu.dimension_semantics<arbitrary>], iteration_bounds = array<i64: 5>, scalar_prefetch = 0 : i64, scratch_operands = 0 : i64, tpu.core_type = #tpu.core_type<tc>, window_params = [{transform_indices = @transform_0, window_bounds = array<i64: 2, 2000, 128>}, {transform_indices = @transform_1, window_bounds = array<i64: 2000, 1>}, {pipeline_mode = #tpu.pipeline_mode<synchronous>, transform_indices = @transform_2, window_bounds = array<i64: 1, 128>}, {pipeline_mode = #tpu.pipeline_mode<synchronous>, transform_indices = @transform_3, window_bounds = array<i64: 128, 128>}, {transform_indices = @transform_4, window_bounds = array<i64: 2000, 128>}]} {
    %get3A = arith.constant 0 : index
    %get3A_0 = arith.constant 0 : index
    %get3A_1 = vector.load %arg2[%get3A, %get3A_0] : memref<2000x1xf32, #tpu.memory_space<vmem>>, vector<2000x1xf32>
    %get3A_2 = arith.constant 0 : index
    %get3A_3 = arith.constant 0 : index
    %get3A_4 = arith.constant 0 : index
    %get3A_5 = vector.load %arg1[%get3A_2, %get3A_3, %get3A_4] : memref<2x2000x128xf32, #tpu.memory_space<vmem>>, vector<1x2000x128xf32>
    %get3A_6 = vector.shape_cast %get3A_5 : vector<1x2000x128xf32> to vector<2000x128xf32>
    %get3A_7 = arith.constant 1 : index
    %get3A_8 = arith.constant 0 : index
    %get3A_9 = arith.constant 0 : index
    %get3A_10 = vector.load %arg1[%get3A_7, %get3A_8, %get3A_9] : memref<2x2000x128xf32, #tpu.memory_space<vmem>>, vector<1x2000x128xf32>
    %get3A_11 = vector.shape_cast %get3A_10 : vector<1x2000x128xf32> to vector<2000x128xf32>
    %add3A = arith.addf %get3A_6, %get3A_11 : vector<2000x128xf32>
    %mul3A = vector.broadcast %get3A_1 : vector<2000x1xf32> to vector<2000x128xf32>
    %mul3A_12 = arith.mulf %mul3A, %add3A : vector<2000x128xf32>
    %get3A_13 = arith.constant 0 : index
    %get3A_14 = arith.constant 0 : index
    %get3A_15 = vector.load %arg3[%get3A_13, %get3A_14] : memref<1x128xf32, #tpu.memory_space<vmem>>, vector<1x128xf32>
    %add3A_16 = vector.broadcast %get3A_15 : vector<1x128xf32> to vector<2000x128xf32>
    %add3A_17 = arith.addf %mul3A_12, %add3A_16 : vector<2000x128xf32>
    %max3A = arith.constant 0.000000e+00 : f32
    %max3A_18 = vector.broadcast %max3A : f32 to vector<2000x128xf32>
    %max3A_19 = arith.maximumf %add3A_17, %max3A_18 : vector<2000x128xf32>
    %get3A_20 = arith.constant 0 : index
    %get3A_21 = arith.constant 0 : index
    %get3A_22 = vector.load %arg4[%get3A_20, %get3A_21] : memref<128x128xf32, #tpu.memory_space<vmem>>, vector<128x128xf32>
    %dot_general3A = arith.constant dense<0.000000e+00> : vector<2000x128xf32>
    %dot_general3A_23 = tpu.matmul %max3A_19, %get3A_22, %dot_general3A {dimension_numbers = #tpu.dot_dimension_numbers<[1], [0], [0], [1], [0, 0, 1, 1], [], []>, transpose_lhs_hint = false} : vector<2000x128xf32>, vector<128x128xf32>, vector<2000x128xf32> -> vector<2000x128xf32>
    %mul3A_24 = vector.broadcast %get3A_1 : vector<2000x1xf32> to vector<2000x128xf32>
    %mul3A_25 = arith.mulf %mul3A_24, %dot_general3A_23 : vector<2000x128xf32>
    %swap3A = arith.constant 0 : index
    %swap3A_26 = arith.constant 0 : index
    %swap3A_27 = vector.load %arg5[%swap3A, %swap3A_26] : memref<2000x128xf32, #tpu.memory_space<vmem>>, vector<2000x128xf32>
    tpu.vector_store %arg5[%swap3A, %swap3A_26], %mul3A_25 {strides = array<i32>} : memref<2000x128xf32, #tpu.memory_space<vmem>>, vector<2000x128xf32>,
    return
  }
  func.func @transform_0(%arg0: i32) -> (i32, i32, i32) {
    %c0_i32 = arith.constant 0 : i32
    %c0_i32_0 = arith.constant 0 : i32
    %c0_i32_1 = arith.constant 0 : i32
    return %c0_i32, %arg0, %c0_i32_0 : i32, i32, i32
  }
  func.func @transform_1(%arg0: i32) -> (i32, i32) {
    %c0_i32 = arith.constant 0 : i32
    %c0_i32_0 = arith.constant 0 : i32
    return %arg0, %c0_i32 : i32, i32
  }
  func.func @transform_2(%arg0: i32) -> (i32, i32) {
    %c0_i32 = arith.constant 0 : i32
    %c0_i32_0 = arith.constant 0 : i32
    %c0_i32_1 = arith.constant 0 : i32
    return %c0_i32, %c0_i32_0 : i32, i32
  }
  func.func @transform_3(%arg0: i32) -> (i32, i32) {
    %c0_i32 = arith.constant 0 : i32
    %c0_i32_0 = arith.constant 0 : i32
    %c0_i32_1 = arith.constant 0 : i32
    return %c0_i32, %c0_i32_0 : i32, i32
  }
  func.func @transform_4(%arg0: i32) -> (i32, i32) {
    %c0_i32 = arith.constant 0 : i32
    %c0_i32_0 = arith.constant 0 : i32
    return %arg0, %c0_i32 : i32, i32
  }
}

module attributes {stable_mosaic.version = 14 : i64} {
  func.func @body(%arg0: i32, %arg1: memref<2x2000x128xf32, #tpu.memory_space<vmem>>, %arg2: memref<2000x1xf32, #tpu.memory_space<vmem>>, %arg3: memref<1x128xf32, #tpu.memory_space<vmem>>, %arg4: memref<128x1xf32, #tpu.memory_space<vmem>>, %arg5: memref<1x1xf32, #tpu.memory_space<vmem>>, %arg6: memref<2000x1xf32, #tpu.memory_space<vmem>>) attributes {dimension_semantics = [#tpu.dimension_semantics<arbitrary>], iteration_bounds = array<i64: 5>, scalar_prefetch = 0 : i64, scratch_operands = 0 : i64, tpu.core_type = #tpu.core_type<tc>, window_params = [{transform_indices = @transform_0, window_bounds = array<i64: 2, 2000, 128>}, {transform_indices = @transform_1, window_bounds = array<i64: 2000, 1>}, {pipeline_mode = #tpu.pipeline_mode<synchronous>, transform_indices = @transform_2, window_bounds = array<i64: 1, 128>}, {pipeline_mode = #tpu.pipeline_mode<synchronous>, transform_indices = @transform_3, window_bounds = array<i64: 128, 1>}, {pipeline_mode = #tpu.pipeline_mode<synchronous>, transform_indices = @transform_4, window_bounds = array<i64: 1, 1>}, {transform_indices = @transform_5, window_bounds = array<i64: 2000, 1>}]} {
    %get3A = arith.constant 0 : index
    %get3A_0 = arith.constant 0 : index
    %get3A_1 = vector.load %arg2[%get3A, %get3A_0] : memref<2000x1xf32, #tpu.memory_space<vmem>>, vector<2000x1xf32>
    %get3A_2 = arith.constant 0 : index
    %get3A_3 = arith.constant 0 : index
    %get3A_4 = arith.constant 0 : index
    %get3A_5 = vector.load %arg1[%get3A_2, %get3A_3, %get3A_4] : memref<2x2000x128xf32, #tpu.memory_space<vmem>>, vector<1x2000x128xf32>
    %get3A_6 = vector.shape_cast %get3A_5 : vector<1x2000x128xf32> to vector<2000x128xf32>
    %get3A_7 = arith.constant 1 : index
    %get3A_8 = arith.constant 0 : index
    %get3A_9 = arith.constant 0 : index
    %get3A_10 = vector.load %arg1[%get3A_7, %get3A_8, %get3A_9] : memref<2x2000x128xf32, #tpu.memory_space<vmem>>, vector<1x2000x128xf32>
    %get3A_11 = vector.shape_cast %get3A_10 : vector<1x2000x128xf32> to vector<2000x128xf32>
    %add3A = arith.addf %get3A_6, %get3A_11 : vector<2000x128xf32>
    %mul3A = vector.broadcast %get3A_1 : vector<2000x1xf32> to vector<2000x128xf32>
    %mul3A_12 = arith.mulf %mul3A, %add3A : vector<2000x128xf32>
    %get3A_13 = arith.constant 0 : index
    %get3A_14 = arith.constant 0 : index
    %get3A_15 = vector.load %arg3[%get3A_13, %get3A_14] : memref<1x128xf32, #tpu.memory_space<vmem>>, vector<1x128xf32>
    %add3A_16 = vector.broadcast %get3A_15 : vector<1x128xf32> to vector<2000x128xf32>
    %add3A_17 = arith.addf %mul3A_12, %add3A_16 : vector<2000x128xf32>
    %max3A = arith.constant 0.000000e+00 : f32
    %max3A_18 = vector.broadcast %max3A : f32 to vector<2000x128xf32>
    %max3A_19 = arith.maximumf %add3A_17, %max3A_18 : vector<2000x128xf32>
    %get3A_20 = arith.constant 0 : index
    %get3A_21 = arith.constant 0 : index
    %get3A_22 = vector.load %arg4[%get3A_20, %get3A_21] : memref<128x1xf32, #tpu.memory_space<vmem>>, vector<128x1xf32>
    %dot_general3A = arith.constant dense<0.000000e+00> : vector<2000x1xf32>
    %dot_general3A_23 = tpu.matmul %max3A_19, %get3A_22, %dot_general3A {dimension_numbers = #tpu.dot_dimension_numbers<[1], [0], [0], [1], [0, 0, 1, 1], [], []>, transpose_lhs_hint = false} : vector<2000x128xf32>, vector<128x1xf32>, vector<2000x1xf32> -> vector<2000x1xf32>
    %get3A_24 = arith.constant 0 : index
    %get3A_25 = arith.constant 0 : index
    %get3A_26 = vector.load %arg5[%get3A_24, %get3A_25] : memref<1x1xf32, #tpu.memory_space<vmem>>, vector<1x1xf32>
    %add3A_27 = vector.broadcast %get3A_26 : vector<1x1xf32> to vector<2000x1xf32>
    %add3A_28 = arith.addf %dot_general3A_23, %add3A_27 : vector<2000x1xf32>
    %swap3A = arith.constant 0 : index
    %swap3A_29 = arith.constant 0 : index
    %swap3A_30 = vector.load %arg6[%swap3A, %swap3A_29] : memref<2000x1xf32, #tpu.memory_space<vmem>>, vector<2000x1xf32>
    tpu.vector_store %arg6[%swap3A, %swap3A_29], %add3A_28 {strides = array<i32>} : memref<2000x1xf32, #tpu.memory_space<vmem>>, vector<2000x1xf32>,
    return
  }
  func.func @transform_0(%arg0: i32) -> (i32, i32, i32) {
    %c0_i32 = arith.constant 0 : i32
    %c0_i32_0 = arith.constant 0 : i32
    %c0_i32_1 = arith.constant 0 : i32
    return %c0_i32, %arg0, %c0_i32_0 : i32, i32, i32
  }
  func.func @transform_1(%arg0: i32) -> (i32, i32) {
    %c0_i32 = arith.constant 0 : i32
    %c0_i32_0 = arith.constant 0 : i32
    return %arg0, %c0_i32 : i32, i32
  }
  func.func @transform_2(%arg0: i32) -> (i32, i32) {
    %c0_i32 = arith.constant 0 : i32
    %c0_i32_0 = arith.constant 0 : i32
    %c0_i32_1 = arith.constant 0 : i32
    return %c0_i32, %c0_i32_0 : i32, i32
  }
  func.func @transform_3(%arg0: i32) -> (i32, i32) {
    %c0_i32 = arith.constant 0 : i32
    %c0_i32_0 = arith.constant 0 : i32
    %c0_i32_1 = arith.constant 0 : i32
    return %c0_i32, %c0_i32_0 : i32, i32
  }
  func.func @transform_4(%arg0: i32) -> (i32, i32) {
    %c0_i32 = arith.constant 0 : i32
    %c0_i32_0 = arith.constant 0 : i32
    %c0_i32_1 = arith.constant 0 : i32
    return %c0_i32, %c0_i32_0 : i32, i32
  }
  func.func @transform_5(%arg0: i32) -> (i32, i32) {
    %c0_i32 = arith.constant 0 : i32
    %c0_i32_0 = arith.constant 0 : i32
    return %arg0, %c0_i32 : i32, i32
  }
}

</mosaic_0001>

<sc_bundles>
// kernel: kernel.11.cloned.1.call-start
scs
__scs_entry_jumppad:
0x0: {  	(pc) =	sbr.rel $0x88, $3  }
0x1: {  	(tag) =	ssettag $0x0;
	lr =	simm.s32 $0x1  }
0x2: {  	[smem:$0x3F9A] =	sst lr;
	_ =	strace $0xD0000000  }
0x3: {  	_ = 	snop  }
0x4: {  	_ = 	snop  }
0x5: {  	_ = 	snop  }
0x6: {  	_ = 	snop  }
0x7: {  	_ = 	snop  }
__scs_overlays_trampoline_lowered:
0x8: {  	[smem:$0x3FA9] =	sst s0  }
0x9: {  	[smem:$0x3FAA] =	sst s1  }
0xa: {  	[smem:$0x3FAB] =	sst s2  }
0xb: {  	[smem:$0x3FAC] =	sst s3  }
0xc: {  	[smem:$0x3FAD] =	sst s4  }
0xd: {  	[smem:$0x3FAE] =	sst s5  }
0xe: {  	[smem:$0x3FAF] =	sst s6  }
0xf: {  	[smem:$0x3FB0] =	sst s7  }
0x10: {  	[smem:$0x3FB1] =	sst s8  }
0x11: {  	[smem:$0x3FB2] =	sst s9;
	s0 =	simm.s32 @!p0 $0x0  }
0x12: {  	s1 =	sld [smem:$0x3F98];
	s0 =	simm.s32 @p0 $0x1  }
0x13: {  	[smem:$0x3FB3] =	sst s0;
	s0 =	simm.s32 @!p1 $0x0  }
0x14: {  	s2 =	sld [smem:$0x3F97];
	s0 =	simm.s32 @p1 $0x1  }
0x15: {  	[smem:$0x3FB4] =	sst s0;
	s0 =	simm.s32 @!p2 $0x0  }
0x16: {  	s3 =	sld [smem:$0x3FDB];
	s0 =	simm.s32 @p2 $0x1  }
0x17: {  	s4 =	simm.s32 $0x1BF5;
	[smem:$0x3FB6] =	sst s0  }
0x18: {  	s0 =	sld [smem:$0x3F99];
	_ =	swait.ge [sflag:s4], $0x0  }
0x19: {  	s7 =	sld [smem:$0x3F9A]  }
0x1a: {  	s8 =	sadd.s32 $0xFFFFE003, lr  }
0x1b: {  	s9 =	sadd.s32 $0xFFFFFEF7, lr;
	s5 =	simm.s32 $0xFFFFFFFF;
	p2 =	slt.u32 s8, $0xFFFFF086  }
0x1c: {  	p1 =	slt.u32 s9, $0xF7A;
	s5 =	simm.s32 @!p2 $0x0  }
0x1d: {  	s5 =	simm.s32 @p1 $0x1;
	p0 =	seq.s32 s7, s2  }
0x1e: {  	s7 =	smul.u32 @!p0 $0xF7A, s2;
	p2 =	seq.s32 @!p0 s5, $0x0  }
0x1f: {  	s9 =	smul.u32 $0xF7A, s1;
	s8 =	simm.s32 @!p0 $0x1BF5;
	p2 =	por !p2, p0  }
0x20: {  	[sflag:s8] =	ssyncset.s32 @!p0 $0xFFFFF086;
	s6 =	sadd.s32 @!p0 s3, s7;
	s7 =	simm.s32 @!p0 $0x108  }
0x21: {  	s3 =	sadd.s32 s3, s9;
	s6 =	sadd.s32 @!p0 $0x88, s6;
	s7 =	simm.s32 @p2 $0x1082  }
0x22: {  	[simem:s7], [sflag:s8] =	dma.local @!p0 [hbm:s6], $0xF7A  }
0x23: {  	s9 =	sor.u32 $0xD0000000, s2;
	s6 =	simm.s32 $0x108;
	_ =	swait.ge @!p0 [sflag:s8], $0x0  }
0x24: {  	s3 =	sadd.s32 $0x88, s3;
	s6 =	simm.s32 @!p1 $0x1082;
	[sflag:s4] =	ssyncset.s32 $0xFFFFF086  }
0x25: {  	[simem:s6], [sflag:s4] =	dma.local [hbm:s3], $0xF7A  }
0x26: {  	[smem:$0x3F9A] =	sst s1;
	(tag) =	ssettag s2;
	_ =	strace s9  }
0x27: {  	s1 =	sld [smem:$0x3FAA]  }
0x28: {  	s2 =	sld [smem:$0x3FAB]  }
0x29: {  	s4 =	sld [smem:$0x3FAD]  }
0x2a: {  	p0 =	seq.s32 s5, $0x0;
	s5 =	sld [smem:$0x3FAE]  }
0x2b: {  	s6 =	sld [smem:$0x3FAF]  }
0x2c: {  	s7 =	sld [smem:$0x3FB0]  }
0x2d: {  	s3 =	simm.s32 $0x108;
	s8 =	sld [smem:$0x3FB1]  }
0x2e: {  	s3 =	simm.s32 @!p0 $0x1082;
	s9 =	sld [smem:$0x3FB2]  }
0x2f: {  	lr =	sadd.s32 s0, s3;
	s0 =	sld [smem:$0x3FA9]  }
0x30: {  	s3 =	sld [smem:$0x3FAC]  }
0x31: {  	[smem:$0x3FB5] =	sst s10  }
0x32: {  	s10 =	sld [smem:$0x3FB3];
	_ =	sdelay $0x3  }
0x33: {  	p0 =	seq.s32 s10, $0x1;
	s10 =	sld [smem:$0x3FB5];
	_ =	sdelay $0x3  }
0x34: {  	[smem:$0x3FB5] =	sst s10  }
0x35: {  	s10 =	sld [smem:$0x3FB4];
	_ =	sdelay $0x3  }
0x36: {  	p1 =	seq.s32 s10, $0x1;
	s10 =	sld [smem:$0x3FB5];
	_ =	sdelay $0x3  }
0x37: {  	[smem:$0x3FB5] =	sst s10  }
0x38: {  	s10 =	sld [smem:$0x3FB6]  }
0x39: {  	_ = 	snop;
	(pc) =	sbr.ind lr, $3  }
0x3a: {  	_ = 	snop  }
0x3b: {  	_ = 	snop  }
0x3c: {  	p2 =	seq.s32 s10, $0x1;
	s10 =	sld [smem:$0x3FB5]  }
0x3d: {  	_ =	shalt  }
0x3e: {  	_ =	shalt  }
0x3f: {  	_ =	shalt  }
0x40: {  	_ =	shalt  }
0x41: {  	_ =	shalt  }
0x42: {  	_ =	shalt  }
0x43: {  	_ =	shalt  }
0x44: {  	_ =	shalt  }
0x45: {  	_ =	shalt  }
0x46: {  	_ =	shalt  }
0x47: {  	_ =	shalt  }
0x48: {  	_ =	shalt  }
0x49: {  	_ =	shalt  }
0x4a: {  	_ =	shalt  }
0x4b: {  	_ =	shalt  }
0x4c: {  	_ =	shalt  }
0x4d: {  	_ =	shalt  }
0x4e: {  	_ =	shalt  }
0x4f: {  	_ =	shalt  }
0x50: {  	_ =	shalt  }
0x51: {  	_ =	shalt  }
0x52: {  	_ =	shalt  }
0x53: {  	_ =	shalt  }
0x54: {  	_ =	shalt  }
0x55: {  	_ =	shalt  }
0x56: {  	_ =	shalt  }
0x57: {  	_ =	shalt  }
0x58: {  	_ =	shalt  }
0x59: {  	_ =	shalt  }
0x5a: {  	_ =	shalt  }
0x5b: {  	_ =	shalt  }
0x5c: {  	_ =	shalt  }
0x5d: {  	_ =	shalt  }
0x5e: {  	_ =	shalt  }
0x5f: {  	_ =	shalt  }
0x60: {  	_ =	shalt  }
0x61: {  	_ =	shalt  }
0x62: {  	_ =	shalt  }
0x63: {  	_ =	shalt  }
0x64: {  	_ =	shalt  }
0x65: {  	_ =	shalt  }
0x66: {  	_ =	shalt  }
0x67: {  	_ =	shalt  }
0x68: {  	_ =	shalt  }
0x69: {  	_ =	shalt  }
0x6a: {  	_ =	shalt  }
0x6b: {  	_ =	shalt  }
0x6c: {  	_ =	shalt  }
0x6d: {  	_ =	shalt  }
0x6e: {  	_ =	shalt  }
0x6f: {  	_ =	shalt  }
0x70: {  	_ =	shalt  }
0x71: {  	_ =	shalt  }
0x72: {  	_ =	shalt  }
0x73: {  	_ =	shalt  }
0x74: {  	_ =	shalt  }
0x75: {  	_ =	shalt  }
0x76: {  	_ =	shalt  }
0x77: {  	_ =	shalt  }
0x78: {  	_ =	shalt  }
0x79: {  	_ =	shalt  }
0x7a: {  	_ =	shalt  }
0x7b: {  	_ =	shalt  }
0x7c: {  	_ =	shalt  }
0x7d: {  	_ =	shalt  }
0x7e: {  	_ =	shalt  }
0x7f: {  	_ =	shalt  }
0x80: {  	_ =	shalt  }
0x81: {  	_ =	shalt  }
0x82: {  	_ =	shalt  }
0x83: {  	_ =	shalt  }
0x84: {  	_ =	shalt  }
0x85: {  	_ =	shalt  }
0x86: {  	_ =	shalt  }
0x87: {  	_ =	shalt  }
.Lfunc_end0:
.L_simem_size_0:
called_computation.1_lowered:
.L_overlay_start_0:
0x88: {  	s2 =	sld [smem:$0x3FD9]  }
0x89: {  	s3 =	sld [smem:$0x3FFE];
	_ =	sdelay $0x1  }
0x8a: {  	s1 =	srdreg.scid  }
0x8b: {  	s0 =	sand.u32 $0x1, s1  }
0x8c: {  	s16 =	sshll.u32 s0, $0xA;
	s2 =	sadd.s32 s3, s2  }
0x8d: {  	s2 =	sadd.s32 s2, s16  }
0x8e: {  	[smem:$0x3FC1] =	sst s2  }
0x8f: {  	_ = 	snop  }
0x90: {  	(tm) =	ssettm $0x1  }
0x91: {  	s17 =	sld [smem:$0x3FFB];
	_ =	sdelay $0x3  }
0x92: {  	_ =	strace s17  }
0x93: {  	s2 =	sld [smem:$0x3FFC];
	_ =	sdelay $0x3  }
0x94: {  	_ =	strace s2  }
0x95: {  	s2 =	sld [smem:$0x3FFD];
	_ =	sdelay $0x3  }
0x96: {  	_ =	strace s2  }
0x97: {  	_ =	strace $0x8FFFFFFF  }
0x98: {  	s18 =	sld [smem:$0x3FDB];
	_ =	sdelay $0x1  }
0x99: {  	s19 =	simm.s32 $_scs_section_size  }
0x9a: {  	s4 =	simm.s32 $_size__tile_overlayer_lowered;
	s5 =	simm.s32 $_tile_overlayer_lowered  }
0x9b: {  	s22 =	simm.s32 $0x1BFF;
	s21 =	sshll.u32 s5, $0x1;
	s2 =	sadd.s32 s19, s18  }
0x9c: {  	s6 =	simm.s32 $0x0;
	s20 =	sshll.u32 s4, $0x1;
	s4 =	sadd.s32 s21, s2  }
0x9d: {  	[timem:s6], [sflag:s22] =	dma.local [hbm:s4], s20  }
0x9e: {  	_ =	swait.ge [sflag:s22], s20  }
0x9f: {  	s3 =	ssub.s32 $0x0, s20;
	[sflag:s22] =	ssyncset.done $0x0  }
0xa0: {  	[sflag:s22] =	ssyncadd.s32 s3;
	_ =	sdelay $0x1  }
0xa1: {  	s23 =	simm.s32 $0x1B8B  }
0xa2: {  	_ =	swait.ge [sflag:s23], $0x1  }
0xa3: {  	[sflag:s23] =	ssyncset.done $0x0  }
0xa4: {  	s25 =	simm.s32 $0x1B8E;
	s24 =	sld [smem:$0x3FFE];
	[sflag:s23] =	ssyncadd.s32 $0xFFFFFFFF  }
0xa5: {  	s26 =	simm.s32 $execute0_lowered;
	[smem:$0x3FD2] =	sst s25  }
0xa6: {  	s4 =	sshll.u32 s26, $0x1;
	_ =	strace $0x80000049;
	[dreg:$0x1] =	wrdreg $0xFFFFFFFF  }
0xa7: {  	s28 =	simm.s32 $_size_execute0_lowered;
	s2 =	sadd.s32 s2, s4;
	[dreg:$0x0] =	wrdreg $0x0  }
0xa8: {  	s4 =	sshll.u32 s28, $0x1;
	[dreg:$0x2] =	wrdreg s2  }
0xa9: {  	[dreg:$0x3] =	wrdreg s4  }
0xaa: {  	[dreg:$0x4] =	wrdreg $0xC0  }
0xab: {  	_ =	task [dreg:s6], $0x5FFFF  }
0xac: {  	[dreg:$0x1] =	wrdreg $0xFFFFFFFF  }
0xad: {  	[dreg:$0x0] =	wrdreg $0x60  }
0xae: {  	[dreg:$0x2] =	wrdreg s24  }
0xaf: {  	[dreg:$0x3] =	wrdreg $0x0  }
0xb0: {  	[dreg:$0x4] =	wrdreg $0x9  }
0xb1: {  	_ =	task.clear_ibuf [dreg:s6], $0x5FFFF;
	_ =	strace $0x90000049  }
0xb2: {  	s29 =	simm.s32 $0x9;
	_ =	strace $0x8000004B  }
0xb3: {  	_ =	swait.ge [sflag:s29], $0x1  }
0xb4: {  	[sflag:s29] =	ssyncadd.s32 $0xFFFFFFFF  }
0xb5: {  	_ =	strace $0x9000004B  }
0xb6: {  	_ =	sfence  }
0xb7: {  	s30 =	sld [smem:$0x0];
	_ =	sdelay $0x2  }
0xb8: {  	s31 =	sshll.u32 s1, $0xD;
	s1 =	sshrl.u32 s1, $0x2  }
0xb9: {  	s3 =	sand.u32 $0x4000, s31;
	s1 =	sadd.s32 s1, s30  }
0xba: {  	s0 =	sor.u32 s3, s0;
	s1 =	sshll.u32 s1, $0x11  }
0xbb: {  	s0 =	sor.u32 s1, s0  }
0xbc: {  	s0 =	sadd.s32 $0x8F2B, s0  }
0xbd: {  	[sflag:s0] =	ssyncadd.remote.s32 $0x1  }
0xbe: {  	_ =	sfence.sel $0xFFFF  }
0xbf: {  	[dreg:$0x0] =	wrdreg $0xFFFFFFFF;
	(pc) =	sbr.abs _section_cstart, $3  }
0xc0: {  	[dreg:$0x1] =	wrdreg $0xFFFFFFFF  }
0xc1: {  	_ =	task.clear_ibuf [dreg:s6], $0x2FFFF;
	_ =	strace $0x9FFFFFFF  }
0xc2: {  	(tm) =	ssettm $0x7FFFFFFF  }
0xc3: {  	_ =	shalt  }
tec
execute0_lowered:
.L_overlay_start_1:
0x0: {  	(tag) =	ssettag $0x1  }
0x1: {  	s0 =	rddreg [dreg:$0x0]  }
0x2: {  	s1 =	rddreg [dreg:$0x1];
	s2 =	srdreg.scid  }
0x3: {  	s3 =	simm.s32 $0x0;
	s14 =	stileid.u32;
	s28 =	simm.s32 $0x1  }
0x4: {  	s29 =	simm.s32 $0x80;
	s30 =	simm.s32 $0x2;
	s31 =	simm.s32 $0x3  }
0x5: {  	s2 =	sand.u32 $0x1, s2;
	[smem:$0x7FF] =	sst s3;
	s10 =	smul.u32 $0x4E000, s14  }
0x6: {  	s8 =	sadd.s32 $0x1F400, s0;
	s9 =	sadd.s32 $0x15600, s0;
	s13 =	smul.u32 $0x13800, s14  }
0x7: {  	s22 =	sshll.u32 s14, $0x4;
	s24 =	smul.u32 $0x4E, s14;
	p1 =	sne.s32 s14, $0xF  }
0x8: {  	s4 =	sshll.u32 s2, $0x4;
	_ =	strace $0x8000004A;
	s15 =	smul.u32 $0x138800, s2  }
0x9: {  	s7 =	ssub.s32 $0x2, s2;
	s2 =	smul.u32 $0x4E0, s2;
	s5 =	sor.u32 s14, s4  }
0xa: {  	s4 =	sadd.s32 $0x29200, s0;
	s0 =	sadd.s32 $0x50400, s0;
	s11 =	sshrl.u32 s7, $0x1  }
0xb: {  	s10 =	sshrl.u32 s10, $0x2;
	s6 =	smul.u32 $0x4E0, s5;
	s11 =	ssub.s32 s7, s11  }
0xc: {  	s7 =	sadd.s32 s13, s1;
	s10 =	sadd.s32 s10, s1;
	s23 =	sadd.s32 s13, s15  }
0xd: {  	s25 =	sshrl.u32 s15, $0x3;
	s2 =	sadd.s32 s24, s2;
	s24 =	simm.s32 $0x15F80  }
0xe: {  	p0 =	sgt.u32 s5, $0x3;
	s5 =	simm.s32 $0x5;
	s12 =	sadd.s32 $0x4000, s10  }
0xf: {  	s20 =	sadd.s32 $0x8000, s10;
	s21 =	sadd.s32 $0xC000, s10;
	[dreg:$0x4] =	wrdreg s12  }
0x10: {  	s10 =	sadd.s32 $0x10000, s10;
	s17 =	smax.u32 s11, $0x1;
	[dreg:$0x5] =	wrdreg s20  }
0x11: {  	s26 =	sshll.u32 s2, $0x4;
	s2 =	simm.s32 $0x16000;
	[dreg:$0x6] =	wrdreg s21  }
0x12: {  	s19 =	sadd.s32 s9, s6;
	s6 =	sadd.s32 s8, s6;
	[dreg:$0x7] =	wrdreg s10  }
0x13: {  	s12 =	sadd.s32 $0x138000, s1;
	s10 =	sor.u32 $0x9C00, s22;
	[dreg:$0x3] =	wrdreg s19  }
0x14: {  	s9 =	sadd.s32 s9, s10;
	s10 =	sadd.s32 s8, s10;
	s18 =	sadd.s32 $0x10, s6  }
0x15: {  	s19 =	sadd.s32 $0x20, s6;
	s20 =	sadd.s32 $0x4D0, s6;
	[dreg:$0x8] =	wrdreg s9  }
0x16: {  	[dreg:$0x9] =	wrdreg s10;
	s9 =	sshrl.u32 s23, $0x3;
	s23 =	simm.s32 $0x13880  }
0x17: {  	s9 =	sadd.s32 s0, s9;
	s0 =	sadd.s32 s0, s25;
	s25 =	simm.s32 $0x6  }
0x18: {  	[dreg:$0xa] =	wrdreg s9;
	s16 =	sadd.s32 $0x27000, s0;
	s0 =	sadd.s32 s8, s26  }
0x19: {  	s26 =	simm.s32 $0x16080;
	s8 =	simm.s32 $0x4;
	s9 =	simm.s32 $0x0  }
0x1a: {  	v0 =	vimm.f32 $0.0e+00;
	s21 =	sadd.s32 $0x30, s0;
	s22 =	sadd.s32 $0x40, s0;
	s0 =	simm.s32 $0x1A080  }
.LBB2_1:
0x1b: {  	s10 =	rddreg [dreg:$0x3]  }
0x1c: {  	[tilespmem:s23], [sflag:$0x1] =	stream.linear.gather [hbm4b:s10+s3], $0x2700, $0x38;
	[tilespmem:$0x1E180] =	vst v63  }
0x1d: {  	_ = 	snop  }
0x1e: {  	[tilespmem:s24], [sflag:$0x6] =	stream.linear.gather [hbm4b:s6+s3], $0x80, $0x38;
	[tilespmem:$0x1E180] =	vst v63  }
0x1f: {  	s15 =	sand.u32 $0xFE00, s3;
	s11 =	sand.u32 $0x70, s3;
	_ =	swait.ge [sflag:s25], $0x80  }
0x20: {  	s13 =	sshrl.u32 s15, $0x2;
	s10 =	simm.s32 $0x40;
	[sflag:s25] =	ssyncset.done $0x0  }
0x21: {  	s13 =	sor.u32 s11, s13;
	s11 =	simm.s32 $0x0;
	[sflag:s25] =	ssyncadd.s32 $0xFFFFFF80  }
.LBB2_2:
0x22: {  	p2 =	sne.s32 s10, $0xFFC0  }
0x23: {  	[tilespmem:s13+$0x16080] =	vst v0;
	s11 =	sadd.s32 $0x10, s11;
	s13 =	smov.u32 s10;
	s10 =	sadd.s32 $0x40, s10  }
.Ltmp0:
0x24: {  	(pc) =	sbr.rel @p2 .LBB2_2-.Ltmp0, $4  }
0x25: {  	_ = 	snop  }
0x26: {  	s13 =	sand.u32 $0xFE00, s13  }
0x27: {  	s14 =	sand.u32 $0x70, s11;
	s13 =	sshrl.u32 s13, $0x2  }
0x28: {  	s13 =	sor.u32 s14, s13  }
0x29: {  	[tilespmem:s13+$0x16080] =	vst v0  }
0x2a: {  	[spmem:s7] =	stream.linear.scatter [tilespmem:s26], [sflag:$0x6], $0x4000, $0x38;
	[tilespmem:$0x1E180] =	vst v63  }
0x2b: {  	_ =	swait.ge [sflag:s25], $0x4000  }
0x2c: {  	[sflag:s25] =	ssyncset.done $0x0  }
0x2d: {  	s10 =	rddreg [dreg:$0x4];
	[sflag:s25] =	ssyncadd.s32 $0xFFFFC000  }
0x2e: {  	[spmem:s10] =	stream.linear.scatter [tilespmem:s26], [sflag:$0x6], $0x4000, $0x38;
	[tilespmem:$0x1E180] =	vst v63  }
0x2f: {  	_ =	swait.ge [sflag:s25], $0x4000  }
0x30: {  	[sflag:s25] =	ssyncset.done $0x0  }
0x31: {  	s15 =	rddreg [dreg:$0x5];
	[sflag:s25] =	ssyncadd.s32 $0xFFFFC000  }
0x32: {  	[spmem:s15] =	stream.linear.scatter [tilespmem:s26], [sflag:$0x6], $0x4000, $0x38;
	[tilespmem:$0x1E180] =	vst v63  }
0x33: {  	_ =	swait.ge [sflag:s25], $0x4000  }
0x34: {  	[sflag:s25] =	ssyncset.done $0x0  }
0x35: {  	s11 =	rddreg [dreg:$0x6];
	[sflag:s25] =	ssyncadd.s32 $0xFFFFC000  }
0x36: {  	[spmem:s11] =	stream.linear.scatter [tilespmem:s26], [sflag:$0x6], $0x4000, $0x38;
	[tilespmem:$0x1E180] =	vst v63  }
0x37: {  	_ =	swait.ge [sflag:s25], $0x4000  }
0x38: {  	[sflag:s25] =	ssyncset.done $0x0  }
0x39: {  	s13 =	rddreg [dreg:$0x7];
	[sflag:s25] =	ssyncadd.s32 $0xFFFFC000  }
0x3a: {  	[spmem:s13] =	stream.linear.scatter [tilespmem:s26], [sflag:$0x6], $0x3800, $0x38;
	[tilespmem:$0x1E180] =	vst v63  }
0x3b: {  	_ =	swait.ge [sflag:s25], $0x3800  }
0x3c: {  	[sflag:s25] =	ssyncset.done $0x0  }
0x3d: {  	s10 =	simm.s32 @!p1 $0x16080;
	[sflag:s25] =	ssyncadd.s32 $0xFFFFC800  }
0x3e: {  	[spmem:s12] =	stream.linear.scatter @!p1 [tilespmem:s10], [sflag:$0x6], $0x800, $0x38;
	[tilespmem:$0x1E180] =	vst v63  }
0x3f: {  	s10 =	simm.s32 @!p1 $0x6  }
0x40: {  	_ =	swait.ge @!p1 [sflag:s10], $0x800  }
0x41: {  	[sflag:s10] =	ssyncset.done @!p1 $0x0  }
0x42: {  	[sflag:s10] =	ssyncadd.s32 @!p1 $0xFFFFF800  }
0x43: {  	_ =	swait.ge [sflag:s28], $0x2700  }
0x44: {  	[sflag:s28] =	ssyncset.done $0x0  }
0x45: {  	[sflag:s28] =	ssyncadd.s32 $0xFFFFD900  }
0x46: {  	[bflag:$0x0] =	sbarrier.arrive $0xFFFF  }
0x47: {  	[tilespmem:s26], [sflag:$0x2] =	stream.indirect.gather [hbm4b:s4+s29], $0x80, s23, s29, $0xb8;
	[tilespmem:$0x1E180] =	vst v63  }
0x48: {  	_ =	swait.ge [sflag:s30], $0x4000  }
0x49: {  	[sflag:s30] =	ssyncset.done $0x0  }
0x4a: {  	s14 =	simm.s32 $0x13900;
	[sflag:s30] =	ssyncadd.s32 $0xFFFFC000  }
0x4b: {  	[tilespmem:s0], [sflag:$0x3] =	stream.indirect.gather [hbm4b:s4+s29], $0x80, s14, s29, $0xb8;
	[tilespmem:$0x1E180] =	vst v63  }
0x4c: {  	s15 =	simm.s32 $0x0  }
0x4d: {  	[tilespmem:s2], [sflag:$0x5] =	stream.linear.gather [hbm4b:s18+s15], $0x80, $0x38;
	[tilespmem:$0x1E180] =	vst v63  }
0x4e: {  	_ = 	snop  }
0x4f: {  	[spmem:s1] =	stream.indirect.scatter.add.f32 [tilespmem:s26], [sflag:$0x6], $0x80, s24, s29, $0xb8;
	[tilespmem:$0x1E180] =	vst v63  }
0x50: {  	_ =	swait.ge [sflag:s25], $0x4000  }
0x51: {  	[sflag:s25] =	ssyncset.done $0x0  }
0x52: {  	[sflag:s25] =	ssyncadd.s32 $0xFFFFC000  }
0x53: {  	_ =	swait.ge [sflag:s31], $0x4000  }
0x54: {  	[sflag:s31] =	ssyncset.done $0x0  }
0x55: {  	s11 =	simm.s32 $0x13980;
	[sflag:s31] =	ssyncadd.s32 $0xFFFFC000  }
0x56: {  	[tilespmem:s26], [sflag:$0x2] =	stream.indirect.gather [hbm4b:s4+s29], $0x80, s11, s29, $0xb8;
	[tilespmem:$0x1E180] =	vst v63  }
0x57: {  	_ = 	snop  }
0x58: {  	[tilespmem:s24], [sflag:$0x4] =	stream.linear.gather [hbm4b:s19+s15], $0x80, $0x38;
	[tilespmem:$0x1E180] =	vst v63  }
0x59: {  	_ =	swait.ge [sflag:s5], $0x80  }
0x5a: {  	[sflag:s5] =	ssyncset.done $0x0  }
0x5b: {  	[sflag:s5] =	ssyncadd.s32 $0xFFFFFF80  }
0x5c: {  	[spmem:s1] =	stream.indirect.scatter.add.f32 [tilespmem:s0], [sflag:$0x6], $0x80, s2, s29, $0xb8;
	[tilespmem:$0x1E180] =	vst v63  }
0x5d: {  	_ =	swait.ge [sflag:s25], $0x4000  }
0x5e: {  	[sflag:s25] =	ssyncset.done $0x0  }
0x5f: {  	[sflag:s25] =	ssyncadd.s32 $0xFFFFC000  }
0x60: {  	_ =	swait.ge [sflag:s30], $0x4000  }
0x61: {  	[sflag:s30] =	ssyncset.done $0x0  }
0x62: {  	s10 =	simm.s32 $0x13A00;
	[sflag:s30] =	ssyncadd.s32 $0xFFFFC000  }
0x63: {  	[tilespmem:s0], [sflag:$0x3] =	stream.indirect.gather [hbm4b:s4+s29], $0x80, s10, s29, $0xb8;
	[tilespmem:$0x1E180] =	vst v63  }
0x64: {  	s13 =	sadd.s32 $0x0, s21  }
0x65: {  	[tilespmem:s2], [sflag:$0x5] =	stream.linear.gather [hbm4b:s13+s3], $0x80, $0x38;
	[tilespmem:$0x1E180] =	vst v63  }
0x66: {  	_ =	swait.ge [sflag:s8], $0x80  }
0x67: {  	[sflag:s8] =	ssyncset.done $0x0  }
0x68: {  	[sflag:s8] =	ssyncadd.s32 $0xFFFFFF80  }
0x69: {  	[spmem:s1] =	stream.indirect.scatter.add.f32 [tilespmem:s26], [sflag:$0x6], $0x80, s24, s29, $0xb8;
	[tilespmem:$0x1E180] =	vst v63  }
0x6a: {  	_ =	swait.ge [sflag:s25], $0x4000  }
0x6b: {  	[sflag:s25] =	ssyncset.done $0x0  }
0x6c: {  	[sflag:s25] =	ssyncadd.s32 $0xFFFFC000  }
0x6d: {  	_ =	swait.ge [sflag:s31], $0x4000  }
0x6e: {  	[sflag:s31] =	ssyncset.done $0x0  }
0x6f: {  	s14 =	simm.s32 $0x13A80;
	[sflag:s31] =	ssyncadd.s32 $0xFFFFC000  }
0x70: {  	[tilespmem:s26], [sflag:$0x2] =	stream.indirect.gather [hbm4b:s4+s29], $0x80, s14, s29, $0xb8;
	[tilespmem:$0x1E180] =	vst v63  }
0x71: {  	s15 =	sadd.s32 $0x0, s22  }
0x72: {  	[tilespmem:s24], [sflag:$0x4] =	stream.linear.gather [hbm4b:s15+s3], $0x80, $0x38;
	[tilespmem:$0x1E180] =	vst v63  }
0x73: {  	_ =	swait.ge [sflag:s5], $0x80  }
0x74: {  	[sflag:s5] =	ssyncset.done $0x0  }
0x75: {  	[sflag:s5] =	ssyncadd.s32 $0xFFFFFF80  }
0x76: {  	[spmem:s1] =	stream.indirect.scatter.add.f32 [tilespmem:s0], [sflag:$0x6], $0x80, s2, s29, $0xb8;
	[tilespmem:$0x1E180] =	vst v63  }
0x77: {  	_ =	swait.ge [sflag:s25], $0x4000  }
0x78: {  	s11 =	simm.s32 $0x20;
	[sflag:s25] =	ssyncset.done $0x0  }
.LBB2_4:
0x79: {  	p2 =	sne.s32 s11, $0x480;
	[sflag:s25] =	ssyncadd.s32 $0xFFFFC000;
	s10 =	sadd.s32 $0x100, s10  }
0x7a: {  	s13 =	smov.u32 s11;
	s11 =	sadd.s32 $0x20, s11;
	_ =	swait.ge [sflag:s30], $0x4000  }
0x7b: {  	[sflag:s30] =	ssyncset.done $0x0  }
0x7c: {  	[sflag:s30] =	ssyncadd.s32 $0xFFFFC000  }
0x7d: {  	[tilespmem:s0], [sflag:$0x3] =	stream.indirect.gather [hbm4b:s4+s29], $0x80, s10, s29, $0xb8;
	[tilespmem:$0x1E180] =	vst v63  }
0x7e: {  	s14 =	sadd.s32 s13, s21  }
0x7f: {  	[tilespmem:s2], [sflag:$0x5] =	stream.linear.gather [hbm4b:s14+s3], $0x80, $0x38;
	[tilespmem:$0x1E180] =	vst v63  }
0x80: {  	_ =	swait.ge [sflag:s8], $0x80  }
0x81: {  	[sflag:s8] =	ssyncset.done $0x0  }
0x82: {  	[sflag:s8] =	ssyncadd.s32 $0xFFFFFF80  }
0x83: {  	[spmem:s1] =	stream.indirect.scatter.add.f32 [tilespmem:s26], [sflag:$0x6], $0x80, s24, s29, $0xb8;
	[tilespmem:$0x1E180] =	vst v63  }
0x84: {  	_ =	swait.ge [sflag:s25], $0x4000  }
0x85: {  	[sflag:s25] =	ssyncset.done $0x0  }
0x86: {  	[sflag:s25] =	ssyncadd.s32 $0xFFFFC000  }
0x87: {  	_ =	swait.ge [sflag:s31], $0x4000  }
0x88: {  	[sflag:s31] =	ssyncset.done $0x0  }
0x89: {  	s14 =	sadd.s32 $0x80, s10;
	[sflag:s31] =	ssyncadd.s32 $0xFFFFC000  }
0x8a: {  	[tilespmem:s26], [sflag:$0x2] =	stream.indirect.gather [hbm4b:s4+s29], $0x80, s14, s29, $0xb8;
	[tilespmem:$0x1E180] =	vst v63  }
0x8b: {  	s13 =	sadd.s32 s13, s22  }
0x8c: {  	[tilespmem:s24], [sflag:$0x4] =	stream.linear.gather [hbm4b:s13+s3], $0x80, $0x38;
	[tilespmem:$0x1E180] =	vst v63  }
0x8d: {  	_ =	swait.ge [sflag:s5], $0x80  }
.Ltmp1:
0x8e: {  	[sflag:s5] =	ssyncset.done $0x0;
	(pc) =	sbr.rel @p2 .LBB2_4-.Ltmp1, $4  }
0x8f: {  	[sflag:s5] =	ssyncadd.s32 $0xFFFFFF80  }
0x90: {  	[spmem:s1] =	stream.indirect.scatter.add.f32 [tilespmem:s0], [sflag:$0x6], $0x80, s2, s29, $0xb8;
	[tilespmem:$0x1E180] =	vst v63  }
0x91: {  	_ =	swait.ge [sflag:s25], $0x4000  }
0x92: {  	[sflag:s25] =	ssyncset.done $0x0  }
0x93: {  	[sflag:s25] =	ssyncadd.s32 $0xFFFFC000  }
0x94: {  	_ =	swait.ge [sflag:s30], $0x4000  }
0x95: {  	[sflag:s30] =	ssyncset.done $0x0  }
0x96: {  	s10 =	simm.s32 $0x15F00;
	[sflag:s30] =	ssyncadd.s32 $0xFFFFC000  }
0x97: {  	[tilespmem:s0], [sflag:$0x3] =	stream.indirect.gather [hbm4b:s4+s29], $0x80, s10, s29, $0xb8;
	[tilespmem:$0x1E180] =	vst v63  }
0x98: {  	_ = 	snop  }
0x99: {  	[tilespmem:s2], [sflag:$0x5] =	stream.linear.gather [hbm4b:s20+s3], $0x80, $0x38;
	[tilespmem:$0x1E180] =	vst v63  }
0x9a: {  	_ =	swait.ge [sflag:s8], $0x80  }
0x9b: {  	[sflag:s8] =	ssyncset.done $0x0  }
0x9c: {  	[sflag:s8] =	ssyncadd.s32 $0xFFFFFF80  }
0x9d: {  	[spmem:s1] =	stream.indirect.scatter.add.f32 [tilespmem:s26], [sflag:$0x6], $0x80, s24, s29, $0xb8;
	[tilespmem:$0x1E180] =	vst v63  }
0x9e: {  	_ =	swait.ge [sflag:s25], $0x4000  }
0x9f: {  	[sflag:s25] =	ssyncset.done $0x0  }
0xa0: {  	[sflag:s25] =	ssyncadd.s32 $0xFFFFC000  }
0xa1: {  	_ =	swait.ge [sflag:s31], $0x4000  }
0xa2: {  	[sflag:s31] =	ssyncset.done $0x0  }
0xa3: {  	[sflag:s31] =	ssyncadd.s32 $0xFFFFC000  }
0xa4: {  	_ =	swait.ge [sflag:s5], $0x80  }
0xa5: {  	[sflag:s5] =	ssyncset.done $0x0  }
0xa6: {  	[sflag:s5] =	ssyncadd.s32 $0xFFFFFF80  }
0xa7: {  	[spmem:s1] =	stream.indirect.scatter.add.f32 [tilespmem:s0], [sflag:$0x6], $0x80, s2, s29, $0xb8;
	[tilespmem:$0x1E180] =	vst v63  }
0xa8: {  	_ =	swait.ge [sflag:s25], $0x4000  }
0xa9: {  	s11 =	simm.s32 @!p0 $0x1E080;
	[sflag:s25] =	ssyncset.done $0x0  }
0xaa: {  	s10 =	simm.s32 @!p0 $0x0;
	s13 =	rddreg [dreg:$0x8];
	[sflag:s25] =	ssyncadd.s32 $0xFFFFC000  }
0xab: {  	[tilespmem:s11], [sflag:$0x6] =	stream.linear.gather @!p0 [hbm4b:s13+s10], $0x80, $0x38;
	[tilespmem:$0x1E180] =	vst v63  }
0xac: {  	s13 =	simm.s32 @!p0 $0x6  }
0xad: {  	_ =	swait.ge @!p0 [sflag:s13], $0x80  }
0xae: {  	[sflag:s13] =	ssyncset.done @!p0 $0x0  }
0xaf: {  	s14 =	simm.s32 @!p0 $0x1E100;
	s15 =	rddreg [dreg:$0x9];
	[sflag:s13] =	ssyncadd.s32 @!p0 $0xFFFFFF80  }
0xb0: {  	[tilespmem:s14], [sflag:$0x6] =	stream.linear.gather @!p0 [hbm4b:s15+s10], $0x80, $0x38;
	[tilespmem:$0x1E180] =	vst v63  }
0xb1: {  	_ =	swait.ge @!p0 [sflag:s13], $0x80  }
0xb2: {  	[sflag:s13] =	ssyncset.done @!p0 $0x0  }
0xb3: {  	s10 =	simm.s32 @!p0 $0x80;
	s15 =	simm.s32 @!p0 $0x16080;
	[sflag:s13] =	ssyncadd.s32 @!p0 $0xFFFFFF80  }
0xb4: {  	[tilespmem:s15], [sflag:$0x2] =	stream.indirect.gather @!p0 [hbm4b:s4+s10], $0x80, s11, s10, $0xb8;
	[tilespmem:$0x1E180] =	vst v63  }
0xb5: {  	s11 =	simm.s32 @!p0 $0x2  }
0xb6: {  	_ =	swait.ge @!p0 [sflag:s11], $0x4000  }
0xb7: {  	[sflag:s11] =	ssyncset.done @!p0 $0x0  }
0xb8: {  	[sflag:s11] =	ssyncadd.s32 @!p0 $0xFFFFC000  }
0xb9: {  	[spmem:s1] =	stream.indirect.scatter.add.f32 @!p0 [tilespmem:s15], [sflag:$0x6], $0x80, s14, s10, $0xb8;
	[tilespmem:$0x1E180] =	vst v63  }
0xba: {  	_ =	swait.ge @!p0 [sflag:s13], $0x4000  }
0xbb: {  	[sflag:s13] =	ssyncset.done @!p0 $0x0  }
0xbc: {  	[sflag:s13] =	ssyncadd.s32 @!p0 $0xFFFFC000;
	s13 =	stileid.u32  }
0xbd: {  	s10 =	sshll.u32 s13, $0x6;
	[bflag:$0x0] =	sbarrier.arrive $0xFFFF  }
0xbe: {  	s14 =	sshrl.u32 s7, $0x3;
	s10 =	sor.u32 $0x1C06, s10;
	s15 =	rddreg [dreg:$0xa]  }
0xbf: {  	[hbm:s15], [sflag:s10] =	dma.local [spmem:s14], $0x2700  }
0xc0: {  	_ =	swait.ge [sflag:s25], $0x2700  }
0xc1: {  	s9 =	sadd.s32 $0x1, s9;
	[sflag:s25] =	ssyncset.done $0x0  }
0xc2: {  	p2 =	sne.s32 s9, s17;
	s11 =	sshrl.u32 @!p1 s12, $0x3;
	[sflag:s25] =	ssyncadd.s32 $0xFFFFD900  }
0xc3: {  	[hbm:s16], [sflag:s10] =	dma.local @!p1 [spmem:s11], $0x100  }
.Ltmp2:
0xc4: {  	_ = 	snop;
	(pc) =	sbr.rel @p2 .LBB2_1-.Ltmp2, $4  }
0xc5: {  	s10 =	simm.s32 @!p1 $0x6  }
0xc6: {  	_ =	swait.ge @!p1 [sflag:s10], $0x100  }
0xc7: {  	[sflag:s10] =	ssyncset.done @!p1 $0x0  }
0xc8: {  	[sflag:s10] =	ssyncadd.s32 @!p1 $0xFFFFFF00  }
0xc9: {  	_ =	sfence.sel $0x180000  }
0xca: {  	[bflag:$0x0] =	sbarrier.arrive $0xFFFF  }
0xcb: {  	_ =	strace $0x9000004A  }
0xcc: {  	s0 =	stileid.u32;
	[bflag:$0x2] =	sbarrier.arrive $0xFFFF  }
0xcd: {  	p0 =	sne.s32 s0, $0x0;
	s0 =	rddreg [dreg:$0x2]  }
0xce: {  	s0 =	sadd.s32 @!p0 $0x100000, s0  }
0xcf: {  	[sflag:s0] =	ssyncadd.tile.s32 @!p0 $0x1;
	_ =	shalt  }
.Lfunc_end2:
_tile_overlayer_lowered:
.L_overlay_start_2:
0xd0: {  	(tag) =	ssettag $0x2  }
0xd1: {  	s0 =	rddreg [dreg:$0x0];
	s2 =	stileid.u32  }
0xd2: {  	s1 =	rddreg [dreg:$0x1];
	p0 =	sne.s32 s2, $0x0  }
0xd3: {  	s3 =	rddreg [dreg:$0x2];
	[bflag:$0x3] =	sbarrier.arrive $0xFFFF;
	s2 =	simm.s32 @!p0 $0x1C06  }
0xd4: {  	[timem:s3], [sflag:s2] =	dma.local @!p0 [hbm:s0], s1  }
0xd5: {  	s0 =	simm.s32 @!p0 $0x6  }
0xd6: {  	_ =	swait.ge @!p0 [sflag:s0], s1  }
0xd7: {  	s1 =	ssub.s32 @!p0 $0x0, s1;
	[sflag:s0] =	ssyncset.done @!p0 $0x0  }
0xd8: {  	[sflag:s0] =	ssyncadd.s32 @!p0 s1  }
0xd9: {  	[bflag:$0x3] =	sbarrier.arrive $0xFFFF  }
0xda: {  	_ =	shalt  }

// kernel: kernel.14.cloned.1.call-start
scs
__scs_entry_jumppad:
0x0: {  	(pc) =	sbr.rel $0x88, $3  }
0x1: {  	(tag) =	ssettag $0x0;
	lr =	simm.s32 $0x1  }
0x2: {  	[smem:$0x3F9A] =	sst lr;
	_ =	strace $0xD0000000  }
0x3: {  	_ = 	snop  }
0x4: {  	_ = 	snop  }
0x5: {  	_ = 	snop  }
0x6: {  	_ = 	snop  }
0x7: {  	_ = 	snop  }
__scs_overlays_trampoline_lowered:
0x8: {  	[smem:$0x3FA9] =	sst s0  }
0x9: {  	[smem:$0x3FAA] =	sst s1  }
0xa: {  	[smem:$0x3FAB] =	sst s2  }
0xb: {  	[smem:$0x3FAC] =	sst s3  }
0xc: {  	[smem:$0x3FAD] =	sst s4  }
0xd: {  	[smem:$0x3FAE] =	sst s5  }
0xe: {  	[smem:$0x3FAF] =	sst s6  }
0xf: {  	[smem:$0x3FB0] =	sst s7  }
0x10: {  	[smem:$0x3FB1] =	sst s8  }
0x11: {  	[smem:$0x3FB2] =	sst s9;
	s0 =	simm.s32 @!p0 $0x0  }
0x12: {  	s1 =	sld [smem:$0x3F98];
	s0 =	simm.s32 @p0 $0x1  }
0x13: {  	[smem:$0x3FB3] =	sst s0;
	s0 =	simm.s32 @!p1 $0x0  }
0x14: {  	s2 =	sld [smem:$0x3F97];
	s0 =	simm.s32 @p1 $0x1  }
0x15: {  	[smem:$0x3FB4] =	sst s0;
	s0 =	simm.s32 @!p2 $0x0  }
0x16: {  	s3 =	sld [smem:$0x3FDB];
	s0 =	simm.s32 @p2 $0x1  }
0x17: {  	s4 =	simm.s32 $0x1BF5;
	[smem:$0x3FB6] =	sst s0  }
0x18: {  	s0 =	sld [smem:$0x3F99];
	_ =	swait.ge [sflag:s4], $0x0  }
0x19: {  	s7 =	sld [smem:$0x3F9A]  }
0x1a: {  	s8 =	sadd.s32 $0xFFFFE003, lr  }
0x1b: {  	s9 =	sadd.s32 $0xFFFFFEF7, lr;
	s5 =	simm.s32 $0xFFFFFFFF;
	p2 =	slt.u32 s8, $0xFFFFF086  }
0x1c: {  	p1 =	slt.u32 s9, $0xF7A;
	s5 =	simm.s32 @!p2 $0x0  }
0x1d: {  	s5 =	simm.s32 @p1 $0x1;
	p0 =	seq.s32 s7, s2  }
0x1e: {  	s7 =	smul.u32 @!p0 $0xF7A, s2;
	p2 =	seq.s32 @!p0 s5, $0x0  }
0x1f: {  	s9 =	smul.u32 $0xF7A, s1;
	s8 =	simm.s32 @!p0 $0x1BF5;
	p2 =	por !p2, p0  }
0x20: {  	[sflag:s8] =	ssyncset.s32 @!p0 $0xFFFFF086;
	s6 =	sadd.s32 @!p0 s3, s7;
	s7 =	simm.s32 @!p0 $0x108  }
0x21: {  	s3 =	sadd.s32 s3, s9;
	s6 =	sadd.s32 @!p0 $0x88, s6;
	s7 =	simm.s32 @p2 $0x1082  }
0x22: {  	[simem:s7], [sflag:s8] =	dma.local @!p0 [hbm:s6], $0xF7A  }
0x23: {  	s9 =	sor.u32 $0xD0000000, s2;
	s6 =	simm.s32 $0x108;
	_ =	swait.ge @!p0 [sflag:s8], $0x0  }
0x24: {  	s3 =	sadd.s32 $0x88, s3;
	s6 =	simm.s32 @!p1 $0x1082;
	[sflag:s4] =	ssyncset.s32 $0xFFFFF086  }
0x25: {  	[simem:s6], [sflag:s4] =	dma.local [hbm:s3], $0xF7A  }
0x26: {  	[smem:$0x3F9A] =	sst s1;
	(tag) =	ssettag s2;
	_ =	strace s9  }
0x27: {  	s1 =	sld [smem:$0x3FAA]  }
0x28: {  	s2 =	sld [smem:$0x3FAB]  }
0x29: {  	s4 =	sld [smem:$0x3FAD]  }
0x2a: {  	p0 =	seq.s32 s5, $0x0;
	s5 =	sld [smem:$0x3FAE]  }
0x2b: {  	s6 =	sld [smem:$0x3FAF]  }
0x2c: {  	s7 =	sld [smem:$0x3FB0]  }
0x2d: {  	s3 =	simm.s32 $0x108;
	s8 =	sld [smem:$0x3FB1]  }
0x2e: {  	s3 =	simm.s32 @!p0 $0x1082;
	s9 =	sld [smem:$0x3FB2]  }
0x2f: {  	lr =	sadd.s32 s0, s3;
	s0 =	sld [smem:$0x3FA9]  }
0x30: {  	s3 =	sld [smem:$0x3FAC]  }
0x31: {  	[smem:$0x3FB5] =	sst s10  }
0x32: {  	s10 =	sld [smem:$0x3FB3];
	_ =	sdelay $0x3  }
0x33: {  	p0 =	seq.s32 s10, $0x1;
	s10 =	sld [smem:$0x3FB5];
	_ =	sdelay $0x3  }
0x34: {  	[smem:$0x3FB5] =	sst s10  }
0x35: {  	s10 =	sld [smem:$0x3FB4];
	_ =	sdelay $0x3  }
0x36: {  	p1 =	seq.s32 s10, $0x1;
	s10 =	sld [smem:$0x3FB5];
	_ =	sdelay $0x3  }
0x37: {  	[smem:$0x3FB5] =	sst s10  }
0x38: {  	s10 =	sld [smem:$0x3FB6]  }
0x39: {  	_ = 	snop;
	(pc) =	sbr.ind lr, $3  }
0x3a: {  	_ = 	snop  }
0x3b: {  	_ = 	snop  }
0x3c: {  	p2 =	seq.s32 s10, $0x1;
	s10 =	sld [smem:$0x3FB5]  }
0x3d: {  	_ =	shalt  }
0x3e: {  	_ =	shalt  }
0x3f: {  	_ =	shalt  }
0x40: {  	_ =	shalt  }
0x41: {  	_ =	shalt  }
0x42: {  	_ =	shalt  }
0x43: {  	_ =	shalt  }
0x44: {  	_ =	shalt  }
0x45: {  	_ =	shalt  }
0x46: {  	_ =	shalt  }
0x47: {  	_ =	shalt  }
0x48: {  	_ =	shalt  }
0x49: {  	_ =	shalt  }
0x4a: {  	_ =	shalt  }
0x4b: {  	_ =	shalt  }
0x4c: {  	_ =	shalt  }
0x4d: {  	_ =	shalt  }
0x4e: {  	_ =	shalt  }
0x4f: {  	_ =	shalt  }
0x50: {  	_ =	shalt  }
0x51: {  	_ =	shalt  }
0x52: {  	_ =	shalt  }
0x53: {  	_ =	shalt  }
0x54: {  	_ =	shalt  }
0x55: {  	_ =	shalt  }
0x56: {  	_ =	shalt  }
0x57: {  	_ =	shalt  }
0x58: {  	_ =	shalt  }
0x59: {  	_ =	shalt  }
0x5a: {  	_ =	shalt  }
0x5b: {  	_ =	shalt  }
0x5c: {  	_ =	shalt  }
0x5d: {  	_ =	shalt  }
0x5e: {  	_ =	shalt  }
0x5f: {  	_ =	shalt  }
0x60: {  	_ =	shalt  }
0x61: {  	_ =	shalt  }
0x62: {  	_ =	shalt  }
0x63: {  	_ =	shalt  }
0x64: {  	_ =	shalt  }
0x65: {  	_ =	shalt  }
0x66: {  	_ =	shalt  }
0x67: {  	_ =	shalt  }
0x68: {  	_ =	shalt  }
0x69: {  	_ =	shalt  }
0x6a: {  	_ =	shalt  }
0x6b: {  	_ =	shalt  }
0x6c: {  	_ =	shalt  }
0x6d: {  	_ =	shalt  }
0x6e: {  	_ =	shalt  }
0x6f: {  	_ =	shalt  }
0x70: {  	_ =	shalt  }
0x71: {  	_ =	shalt  }
0x72: {  	_ =	shalt  }
0x73: {  	_ =	shalt  }
0x74: {  	_ =	shalt  }
0x75: {  	_ =	shalt  }
0x76: {  	_ =	shalt  }
0x77: {  	_ =	shalt  }
0x78: {  	_ =	shalt  }
0x79: {  	_ =	shalt  }
0x7a: {  	_ =	shalt  }
0x7b: {  	_ =	shalt  }
0x7c: {  	_ =	shalt  }
0x7d: {  	_ =	shalt  }
0x7e: {  	_ =	shalt  }
0x7f: {  	_ =	shalt  }
0x80: {  	_ =	shalt  }
0x81: {  	_ =	shalt  }
0x82: {  	_ =	shalt  }
0x83: {  	_ =	shalt  }
0x84: {  	_ =	shalt  }
0x85: {  	_ =	shalt  }
0x86: {  	_ =	shalt  }
0x87: {  	_ =	shalt  }
.Lfunc_end0:
.L_simem_size_0:
called_computation.2_lowered:
.L_overlay_start_0:
0x88: {  	s2 =	sld [smem:$0x3FD9]  }
0x89: {  	s3 =	sld [smem:$0x3FFE];
	_ =	sdelay $0x1  }
0x8a: {  	s1 =	srdreg.scid  }
0x8b: {  	s0 =	sand.u32 $0x1, s1  }
0x8c: {  	s16 =	sshll.u32 s0, $0xA;
	s2 =	sadd.s32 s3, s2  }
0x8d: {  	s2 =	sadd.s32 s2, s16  }
0x8e: {  	[smem:$0x3FC1] =	sst s2  }
0x8f: {  	_ = 	snop  }
0x90: {  	(tm) =	ssettm $0x1  }
0x91: {  	s17 =	sld [smem:$0x3FFB];
	_ =	sdelay $0x3  }
0x92: {  	_ =	strace s17  }
0x93: {  	s2 =	sld [smem:$0x3FFC];
	_ =	sdelay $0x3  }
0x94: {  	_ =	strace s2  }
0x95: {  	s2 =	sld [smem:$0x3FFD];
	_ =	sdelay $0x3  }
0x96: {  	_ =	strace s2  }
0x97: {  	_ =	strace $0x8FFFFFFF  }
0x98: {  	s18 =	sld [smem:$0x3FDB];
	_ =	sdelay $0x1  }
0x99: {  	s19 =	simm.s32 $_scs_section_size  }
0x9a: {  	s4 =	simm.s32 $_size__tile_overlayer_lowered;
	s5 =	simm.s32 $_tile_overlayer_lowered  }
0x9b: {  	s22 =	simm.s32 $0x1BFF;
	s21 =	sshll.u32 s5, $0x1;
	s2 =	sadd.s32 s19, s18  }
0x9c: {  	s6 =	simm.s32 $0x0;
	s20 =	sshll.u32 s4, $0x1;
	s4 =	sadd.s32 s21, s2  }
0x9d: {  	[timem:s6], [sflag:s22] =	dma.local [hbm:s4], s20  }
0x9e: {  	_ =	swait.ge [sflag:s22], s20  }
0x9f: {  	s3 =	ssub.s32 $0x0, s20;
	[sflag:s22] =	ssyncset.done $0x0  }
0xa0: {  	[sflag:s22] =	ssyncadd.s32 s3;
	_ =	sdelay $0x1  }
0xa1: {  	s23 =	simm.s32 $0x1B8B  }
0xa2: {  	_ =	swait.ge [sflag:s23], $0x1  }
0xa3: {  	[sflag:s23] =	ssyncset.done $0x0  }
0xa4: {  	s25 =	simm.s32 $0x1B8E;
	s24 =	sld [smem:$0x3FFE];
	[sflag:s23] =	ssyncadd.s32 $0xFFFFFFFF  }
0xa5: {  	s26 =	simm.s32 $execute0_lowered;
	[smem:$0x3FD2] =	sst s25  }
0xa6: {  	s4 =	sshll.u32 s26, $0x1;
	_ =	strace $0x8000004C;
	[dreg:$0x1] =	wrdreg $0xFFFFFFFF  }
0xa7: {  	s28 =	simm.s32 $_size_execute0_lowered;
	s2 =	sadd.s32 s2, s4;
	[dreg:$0x0] =	wrdreg $0x0  }
0xa8: {  	s4 =	sshll.u32 s28, $0x1;
	[dreg:$0x2] =	wrdreg s2  }
0xa9: {  	[dreg:$0x3] =	wrdreg s4  }
0xaa: {  	[dreg:$0x4] =	wrdreg $0xC0  }
0xab: {  	_ =	task [dreg:s6], $0x5FFFF  }
0xac: {  	[dreg:$0x1] =	wrdreg $0xFFFFFFFF  }
0xad: {  	[dreg:$0x0] =	wrdreg $0x60  }
0xae: {  	[dreg:$0x2] =	wrdreg s24  }
0xaf: {  	[dreg:$0x3] =	wrdreg $0x0  }
0xb0: {  	[dreg:$0x4] =	wrdreg $0x9  }
0xb1: {  	_ =	task.clear_ibuf [dreg:s6], $0x5FFFF;
	_ =	strace $0x9000004C  }
0xb2: {  	s29 =	simm.s32 $0x9;
	_ =	strace $0x8000004E  }
0xb3: {  	_ =	swait.ge [sflag:s29], $0x1  }
0xb4: {  	[sflag:s29] =	ssyncadd.s32 $0xFFFFFFFF  }
0xb5: {  	_ =	strace $0x9000004E  }
0xb6: {  	_ =	sfence  }
0xb7: {  	s30 =	sld [smem:$0x0];
	_ =	sdelay $0x2  }
0xb8: {  	s31 =	sshll.u32 s1, $0xD;
	s1 =	sshrl.u32 s1, $0x2  }
0xb9: {  	s3 =	sand.u32 $0x4000, s31;
	s1 =	sadd.s32 s1, s30  }
0xba: {  	s0 =	sor.u32 s3, s0;
	s1 =	sshll.u32 s1, $0x11  }
0xbb: {  	s0 =	sor.u32 s1, s0  }
0xbc: {  	s0 =	sadd.s32 $0x8F2B, s0  }
0xbd: {  	[sflag:s0] =	ssyncadd.remote.s32 $0x1  }
0xbe: {  	_ =	sfence.sel $0xFFFF  }
0xbf: {  	[dreg:$0x0] =	wrdreg $0xFFFFFFFF;
	(pc) =	sbr.abs _section_cstart, $3  }
0xc0: {  	[dreg:$0x1] =	wrdreg $0xFFFFFFFF  }
0xc1: {  	_ =	task.clear_ibuf [dreg:s6], $0x2FFFF;
	_ =	strace $0x9FFFFFFF  }
0xc2: {  	(tm) =	ssettm $0x7FFFFFFF  }
0xc3: {  	_ =	shalt  }
tec
execute0_lowered:
.L_overlay_start_1:
0x0: {  	(tag) =	ssettag $0x1  }
0x1: {  	s0 =	rddreg [dreg:$0x0]  }
0x2: {  	s1 =	rddreg [dreg:$0x1];
	s2 =	srdreg.scid  }
0x3: {  	s3 =	simm.s32 $0x0;
	s14 =	stileid.u32;
	s28 =	simm.s32 $0x1  }
0x4: {  	s29 =	simm.s32 $0x80;
	s30 =	simm.s32 $0x2;
	s31 =	simm.s32 $0x3  }
0x5: {  	s2 =	sand.u32 $0x1, s2;
	[smem:$0x7FF] =	sst s3;
	s10 =	smul.u32 $0x4E000, s14  }
0x6: {  	s8 =	sadd.s32 $0x1F400, s0;
	s9 =	sadd.s32 $0x15600, s0;
	s13 =	smul.u32 $0x13800, s14  }
0x7: {  	s22 =	sshll.u32 s14, $0x4;
	s24 =	smul.u32 $0x4E, s14;
	p1 =	sne.s32 s14, $0xF  }
0x8: {  	s4 =	sshll.u32 s2, $0x4;
	_ =	strace $0x8000004D;
	s15 =	smul.u32 $0x138800, s2  }
0x9: {  	s7 =	ssub.s32 $0x2, s2;
	s2 =	smul.u32 $0x4E0, s2;
	s5 =	sor.u32 s14, s4  }
0xa: {  	s4 =	sadd.s32 $0x29200, s0;
	s0 =	sadd.s32 $0x50400, s0;
	s11 =	sshrl.u32 s7, $0x1  }
0xb: {  	s10 =	sshrl.u32 s10, $0x2;
	s6 =	smul.u32 $0x4E0, s5;
	s11 =	ssub.s32 s7, s11  }
0xc: {  	s7 =	sadd.s32 s13, s1;
	s10 =	sadd.s32 s10, s1;
	s23 =	sadd.s32 s13, s15  }
0xd: {  	s25 =	sshrl.u32 s15, $0x3;
	s2 =	sadd.s32 s24, s2;
	s24 =	simm.s32 $0x15F80  }
0xe: {  	p0 =	sgt.u32 s5, $0x3;
	s5 =	simm.s32 $0x5;
	s12 =	sadd.s32 $0x4000, s10  }
0xf: {  	s20 =	sadd.s32 $0x8000, s10;
	s21 =	sadd.s32 $0xC000, s10;
	[dreg:$0x4] =	wrdreg s12  }
0x10: {  	s10 =	sadd.s32 $0x10000, s10;
	s17 =	smax.u32 s11, $0x1;
	[dreg:$0x5] =	wrdreg s20  }
0x11: {  	s26 =	sshll.u32 s2, $0x4;
	s2 =	simm.s32 $0x16000;
	[dreg:$0x6] =	wrdreg s21  }
0x12: {  	s19 =	sadd.s32 s9, s6;
	s6 =	sadd.s32 s8, s6;
	[dreg:$0x7] =	wrdreg s10  }
0x13: {  	s12 =	sadd.s32 $0x138000, s1;
	s10 =	sor.u32 $0x9C00, s22;
	[dreg:$0x3] =	wrdreg s19  }
0x14: {  	s9 =	sadd.s32 s9, s10;
	s10 =	sadd.s32 s8, s10;
	s18 =	sadd.s32 $0x10, s6  }
0x15: {  	s19 =	sadd.s32 $0x20, s6;
	s20 =	sadd.s32 $0x4D0, s6;
	[dreg:$0x8] =	wrdreg s9  }
0x16: {  	[dreg:$0x9] =	wrdreg s10;
	s9 =	sshrl.u32 s23, $0x3;
	s23 =	simm.s32 $0x13880  }
0x17: {  	s9 =	sadd.s32 s0, s9;
	s0 =	sadd.s32 s0, s25;
	s25 =	simm.s32 $0x6  }
0x18: {  	[dreg:$0xa] =	wrdreg s9;
	s16 =	sadd.s32 $0x27000, s0;
	s0 =	sadd.s32 s8, s26  }
0x19: {  	s26 =	simm.s32 $0x16080;
	s8 =	simm.s32 $0x4;
	s9 =	simm.s32 $0x0  }
0x1a: {  	v0 =	vimm.f32 $0.0e+00;
	s21 =	sadd.s32 $0x30, s0;
	s22 =	sadd.s32 $0x40, s0;
	s0 =	simm.s32 $0x1A080  }
.LBB2_1:
0x1b: {  	s10 =	rddreg [dreg:$0x3]  }
0x1c: {  	[tilespmem:s23], [sflag:$0x1] =	stream.linear.gather [hbm4b:s10+s3], $0x2700, $0x38;
	[tilespmem:$0x1E180] =	vst v63  }
0x1d: {  	_ = 	snop  }
0x1e: {  	[tilespmem:s24], [sflag:$0x6] =	stream.linear.gather [hbm4b:s6+s3], $0x80, $0x38;
	[tilespmem:$0x1E180] =	vst v63  }
0x1f: {  	s15 =	sand.u32 $0xFE00, s3;
	s11 =	sand.u32 $0x70, s3;
	_ =	swait.ge [sflag:s25], $0x80  }
0x20: {  	s13 =	sshrl.u32 s15, $0x2;
	s10 =	simm.s32 $0x40;
	[sflag:s25] =	ssyncset.done $0x0  }
0x21: {  	s13 =	sor.u32 s11, s13;
	s11 =	simm.s32 $0x0;
	[sflag:s25] =	ssyncadd.s32 $0xFFFFFF80  }
.LBB2_2:
0x22: {  	p2 =	sne.s32 s10, $0xFFC0  }
0x23: {  	[tilespmem:s13+$0x16080] =	vst v0;
	s11 =	sadd.s32 $0x10, s11;
	s13 =	smov.u32 s10;
	s10 =	sadd.s32 $0x40, s10  }
.Ltmp0:
0x24: {  	(pc) =	sbr.rel @p2 .LBB2_2-.Ltmp0, $4  }
0x25: {  	_ = 	snop  }
0x26: {  	s13 =	sand.u32 $0xFE00, s13  }
0x27: {  	s14 =	sand.u32 $0x70, s11;
	s13 =	sshrl.u32 s13, $0x2  }
0x28: {  	s13 =	sor.u32 s14, s13  }
0x29: {  	[tilespmem:s13+$0x16080] =	vst v0  }
0x2a: {  	[spmem:s7] =	stream.linear.scatter [tilespmem:s26], [sflag:$0x6], $0x4000, $0x38;
	[tilespmem:$0x1E180] =	vst v63  }
0x2b: {  	_ =	swait.ge [sflag:s25], $0x4000  }
0x2c: {  	[sflag:s25] =	ssyncset.done $0x0  }
0x2d: {  	s10 =	rddreg [dreg:$0x4];
	[sflag:s25] =	ssyncadd.s32 $0xFFFFC000  }
0x2e: {  	[spmem:s10] =	stream.linear.scatter [tilespmem:s26], [sflag:$0x6], $0x4000, $0x38;
	[tilespmem:$0x1E180] =	vst v63  }
0x2f: {  	_ =	swait.ge [sflag:s25], $0x4000  }
0x30: {  	[sflag:s25] =	ssyncset.done $0x0  }
0x31: {  	s15 =	rddreg [dreg:$0x5];
	[sflag:s25] =	ssyncadd.s32 $0xFFFFC000  }
0x32: {  	[spmem:s15] =	stream.linear.scatter [tilespmem:s26], [sflag:$0x6], $0x4000, $0x38;
	[tilespmem:$0x1E180] =	vst v63  }
0x33: {  	_ =	swait.ge [sflag:s25], $0x4000  }
0x34: {  	[sflag:s25] =	ssyncset.done $0x0  }
0x35: {  	s11 =	rddreg [dreg:$0x6];
	[sflag:s25] =	ssyncadd.s32 $0xFFFFC000  }
0x36: {  	[spmem:s11] =	stream.linear.scatter [tilespmem:s26], [sflag:$0x6], $0x4000, $0x38;
	[tilespmem:$0x1E180] =	vst v63  }
0x37: {  	_ =	swait.ge [sflag:s25], $0x4000  }
0x38: {  	[sflag:s25] =	ssyncset.done $0x0  }
0x39: {  	s13 =	rddreg [dreg:$0x7];
	[sflag:s25] =	ssyncadd.s32 $0xFFFFC000  }
0x3a: {  	[spmem:s13] =	stream.linear.scatter [tilespmem:s26], [sflag:$0x6], $0x3800, $0x38;
	[tilespmem:$0x1E180] =	vst v63  }
0x3b: {  	_ =	swait.ge [sflag:s25], $0x3800  }
0x3c: {  	[sflag:s25] =	ssyncset.done $0x0  }
0x3d: {  	s10 =	simm.s32 @!p1 $0x16080;
	[sflag:s25] =	ssyncadd.s32 $0xFFFFC800  }
0x3e: {  	[spmem:s12] =	stream.linear.scatter @!p1 [tilespmem:s10], [sflag:$0x6], $0x800, $0x38;
	[tilespmem:$0x1E180] =	vst v63  }
0x3f: {  	s10 =	simm.s32 @!p1 $0x6  }
0x40: {  	_ =	swait.ge @!p1 [sflag:s10], $0x800  }
0x41: {  	[sflag:s10] =	ssyncset.done @!p1 $0x0  }
0x42: {  	[sflag:s10] =	ssyncadd.s32 @!p1 $0xFFFFF800  }
0x43: {  	_ =	swait.ge [sflag:s28], $0x2700  }
0x44: {  	[sflag:s28] =	ssyncset.done $0x0  }
0x45: {  	[sflag:s28] =	ssyncadd.s32 $0xFFFFD900  }
0x46: {  	[bflag:$0x0] =	sbarrier.arrive $0xFFFF  }
0x47: {  	[tilespmem:s26], [sflag:$0x2] =	stream.indirect.gather [hbm4b:s4+s29], $0x80, s23, s29, $0xb8;
	[tilespmem:$0x1E180] =	vst v63  }
0x48: {  	_ =	swait.ge [sflag:s30], $0x4000  }
0x49: {  	[sflag:s30] =	ssyncset.done $0x0  }
0x4a: {  	s14 =	simm.s32 $0x13900;
	[sflag:s30] =	ssyncadd.s32 $0xFFFFC000  }
0x4b: {  	[tilespmem:s0], [sflag:$0x3] =	stream.indirect.gather [hbm4b:s4+s29], $0x80, s14, s29, $0xb8;
	[tilespmem:$0x1E180] =	vst v63  }
0x4c: {  	s15 =	simm.s32 $0x0  }
0x4d: {  	[tilespmem:s2], [sflag:$0x5] =	stream.linear.gather [hbm4b:s18+s15], $0x80, $0x38;
	[tilespmem:$0x1E180] =	vst v63  }
0x4e: {  	_ = 	snop  }
0x4f: {  	[spmem:s1] =	stream.indirect.scatter.add.f32 [tilespmem:s26], [sflag:$0x6], $0x80, s24, s29, $0xb8;
	[tilespmem:$0x1E180] =	vst v63  }
0x50: {  	_ =	swait.ge [sflag:s25], $0x4000  }
0x51: {  	[sflag:s25] =	ssyncset.done $0x0  }
0x52: {  	[sflag:s25] =	ssyncadd.s32 $0xFFFFC000  }
0x53: {  	_ =	swait.ge [sflag:s31], $0x4000  }
0x54: {  	[sflag:s31] =	ssyncset.done $0x0  }
0x55: {  	s11 =	simm.s32 $0x13980;
	[sflag:s31] =	ssyncadd.s32 $0xFFFFC000  }
0x56: {  	[tilespmem:s26], [sflag:$0x2] =	stream.indirect.gather [hbm4b:s4+s29], $0x80, s11, s29, $0xb8;
	[tilespmem:$0x1E180] =	vst v63  }
0x57: {  	_ = 	snop  }
0x58: {  	[tilespmem:s24], [sflag:$0x4] =	stream.linear.gather [hbm4b:s19+s15], $0x80, $0x38;
	[tilespmem:$0x1E180] =	vst v63  }
0x59: {  	_ =	swait.ge [sflag:s5], $0x80  }
0x5a: {  	[sflag:s5] =	ssyncset.done $0x0  }
0x5b: {  	[sflag:s5] =	ssyncadd.s32 $0xFFFFFF80  }
0x5c: {  	[spmem:s1] =	stream.indirect.scatter.add.f32 [tilespmem:s0], [sflag:$0x6], $0x80, s2, s29, $0xb8;
	[tilespmem:$0x1E180] =	vst v63  }
0x5d: {  	_ =	swait.ge [sflag:s25], $0x4000  }
0x5e: {  	[sflag:s25] =	ssyncset.done $0x0  }
0x5f: {  	[sflag:s25] =	ssyncadd.s32 $0xFFFFC000  }
0x60: {  	_ =	swait.ge [sflag:s30], $0x4000  }
0x61: {  	[sflag:s30] =	ssyncset.done $0x0  }
0x62: {  	s10 =	simm.s32 $0x13A00;
	[sflag:s30] =	ssyncadd.s32 $0xFFFFC000  }
0x63: {  	[tilespmem:s0], [sflag:$0x3] =	stream.indirect.gather [hbm4b:s4+s29], $0x80, s10, s29, $0xb8;
	[tilespmem:$0x1E180] =	vst v63  }
0x64: {  	s13 =	sadd.s32 $0x0, s21  }
0x65: {  	[tilespmem:s2], [sflag:$0x5] =	stream.linear.gather [hbm4b:s13+s3], $0x80, $0x38;
	[tilespmem:$0x1E180] =	vst v63  }
0x66: {  	_ =	swait.ge [sflag:s8], $0x80  }
0x67: {  	[sflag:s8] =	ssyncset.done $0x0  }
0x68: {  	[sflag:s8] =	ssyncadd.s32 $0xFFFFFF80  }
0x69: {  	[spmem:s1] =	stream.indirect.scatter.add.f32 [tilespmem:s26], [sflag:$0x6], $0x80, s24, s29, $0xb8;
	[tilespmem:$0x1E180] =	vst v63  }
0x6a: {  	_ =	swait.ge [sflag:s25], $0x4000  }
0x6b: {  	[sflag:s25] =	ssyncset.done $0x0  }
0x6c: {  	[sflag:s25] =	ssyncadd.s32 $0xFFFFC000  }
0x6d: {  	_ =	swait.ge [sflag:s31], $0x4000  }
0x6e: {  	[sflag:s31] =	ssyncset.done $0x0  }
0x6f: {  	s14 =	simm.s32 $0x13A80;
	[sflag:s31] =	ssyncadd.s32 $0xFFFFC000  }
0x70: {  	[tilespmem:s26], [sflag:$0x2] =	stream.indirect.gather [hbm4b:s4+s29], $0x80, s14, s29, $0xb8;
	[tilespmem:$0x1E180] =	vst v63  }
0x71: {  	s15 =	sadd.s32 $0x0, s22  }
0x72: {  	[tilespmem:s24], [sflag:$0x4] =	stream.linear.gather [hbm4b:s15+s3], $0x80, $0x38;
	[tilespmem:$0x1E180] =	vst v63  }
0x73: {  	_ =	swait.ge [sflag:s5], $0x80  }
0x74: {  	[sflag:s5] =	ssyncset.done $0x0  }
0x75: {  	[sflag:s5] =	ssyncadd.s32 $0xFFFFFF80  }
0x76: {  	[spmem:s1] =	stream.indirect.scatter.add.f32 [tilespmem:s0], [sflag:$0x6], $0x80, s2, s29, $0xb8;
	[tilespmem:$0x1E180] =	vst v63  }
0x77: {  	_ =	swait.ge [sflag:s25], $0x4000  }
0x78: {  	s11 =	simm.s32 $0x20;
	[sflag:s25] =	ssyncset.done $0x0  }
.LBB2_4:
0x79: {  	p2 =	sne.s32 s11, $0x480;
	[sflag:s25] =	ssyncadd.s32 $0xFFFFC000;
	s10 =	sadd.s32 $0x100, s10  }
0x7a: {  	s13 =	smov.u32 s11;
	s11 =	sadd.s32 $0x20, s11;
	_ =	swait.ge [sflag:s30], $0x4000  }
0x7b: {  	[sflag:s30] =	ssyncset.done $0x0  }
0x7c: {  	[sflag:s30] =	ssyncadd.s32 $0xFFFFC000  }
0x7d: {  	[tilespmem:s0], [sflag:$0x3] =	stream.indirect.gather [hbm4b:s4+s29], $0x80, s10, s29, $0xb8;
	[tilespmem:$0x1E180] =	vst v63  }
0x7e: {  	s14 =	sadd.s32 s13, s21  }
0x7f: {  	[tilespmem:s2], [sflag:$0x5] =	stream.linear.gather [hbm4b:s14+s3], $0x80, $0x38;
	[tilespmem:$0x1E180] =	vst v63  }
0x80: {  	_ =	swait.ge [sflag:s8], $0x80  }
0x81: {  	[sflag:s8] =	ssyncset.done $0x0  }
0x82: {  	[sflag:s8] =	ssyncadd.s32 $0xFFFFFF80  }
0x83: {  	[spmem:s1] =	stream.indirect.scatter.add.f32 [tilespmem:s26], [sflag:$0x6], $0x80, s24, s29, $0xb8;
	[tilespmem:$0x1E180] =	vst v63  }
0x84: {  	_ =	swait.ge [sflag:s25], $0x4000  }
0x85: {  	[sflag:s25] =	ssyncset.done $0x0  }
0x86: {  	[sflag:s25] =	ssyncadd.s32 $0xFFFFC000  }
0x87: {  	_ =	swait.ge [sflag:s31], $0x4000  }
0x88: {  	[sflag:s31] =	ssyncset.done $0x0  }
0x89: {  	s14 =	sadd.s32 $0x80, s10;
	[sflag:s31] =	ssyncadd.s32 $0xFFFFC000  }
0x8a: {  	[tilespmem:s26], [sflag:$0x2] =	stream.indirect.gather [hbm4b:s4+s29], $0x80, s14, s29, $0xb8;
	[tilespmem:$0x1E180] =	vst v63  }
0x8b: {  	s13 =	sadd.s32 s13, s22  }
0x8c: {  	[tilespmem:s24], [sflag:$0x4] =	stream.linear.gather [hbm4b:s13+s3], $0x80, $0x38;
	[tilespmem:$0x1E180] =	vst v63  }
0x8d: {  	_ =	swait.ge [sflag:s5], $0x80  }
.Ltmp1:
0x8e: {  	[sflag:s5] =	ssyncset.done $0x0;
	(pc) =	sbr.rel @p2 .LBB2_4-.Ltmp1, $4  }
0x8f: {  	[sflag:s5] =	ssyncadd.s32 $0xFFFFFF80  }
0x90: {  	[spmem:s1] =	stream.indirect.scatter.add.f32 [tilespmem:s0], [sflag:$0x6], $0x80, s2, s29, $0xb8;
	[tilespmem:$0x1E180] =	vst v63  }
0x91: {  	_ =	swait.ge [sflag:s25], $0x4000  }
0x92: {  	[sflag:s25] =	ssyncset.done $0x0  }
0x93: {  	[sflag:s25] =	ssyncadd.s32 $0xFFFFC000  }
0x94: {  	_ =	swait.ge [sflag:s30], $0x4000  }
0x95: {  	[sflag:s30] =	ssyncset.done $0x0  }
0x96: {  	s10 =	simm.s32 $0x15F00;
	[sflag:s30] =	ssyncadd.s32 $0xFFFFC000  }
0x97: {  	[tilespmem:s0], [sflag:$0x3] =	stream.indirect.gather [hbm4b:s4+s29], $0x80, s10, s29, $0xb8;
	[tilespmem:$0x1E180] =	vst v63  }
0x98: {  	_ = 	snop  }
0x99: {  	[tilespmem:s2], [sflag:$0x5] =	stream.linear.gather [hbm4b:s20+s3], $0x80, $0x38;
	[tilespmem:$0x1E180] =	vst v63  }
0x9a: {  	_ =	swait.ge [sflag:s8], $0x80  }
0x9b: {  	[sflag:s8] =	ssyncset.done $0x0  }
0x9c: {  	[sflag:s8] =	ssyncadd.s32 $0xFFFFFF80  }
0x9d: {  	[spmem:s1] =	stream.indirect.scatter.add.f32 [tilespmem:s26], [sflag:$0x6], $0x80, s24, s29, $0xb8;
	[tilespmem:$0x1E180] =	vst v63  }
0x9e: {  	_ =	swait.ge [sflag:s25], $0x4000  }
0x9f: {  	[sflag:s25] =	ssyncset.done $0x0  }
0xa0: {  	[sflag:s25] =	ssyncadd.s32 $0xFFFFC000  }
0xa1: {  	_ =	swait.ge [sflag:s31], $0x4000  }
0xa2: {  	[sflag:s31] =	ssyncset.done $0x0  }
0xa3: {  	[sflag:s31] =	ssyncadd.s32 $0xFFFFC000  }
0xa4: {  	_ =	swait.ge [sflag:s5], $0x80  }
0xa5: {  	[sflag:s5] =	ssyncset.done $0x0  }
0xa6: {  	[sflag:s5] =	ssyncadd.s32 $0xFFFFFF80  }
0xa7: {  	[spmem:s1] =	stream.indirect.scatter.add.f32 [tilespmem:s0], [sflag:$0x6], $0x80, s2, s29, $0xb8;
	[tilespmem:$0x1E180] =	vst v63  }
0xa8: {  	_ =	swait.ge [sflag:s25], $0x4000  }
0xa9: {  	s11 =	simm.s32 @!p0 $0x1E080;
	[sflag:s25] =	ssyncset.done $0x0  }
0xaa: {  	s10 =	simm.s32 @!p0 $0x0;
	s13 =	rddreg [dreg:$0x8];
	[sflag:s25] =	ssyncadd.s32 $0xFFFFC000  }
0xab: {  	[tilespmem:s11], [sflag:$0x6] =	stream.linear.gather @!p0 [hbm4b:s13+s10], $0x80, $0x38;
	[tilespmem:$0x1E180] =	vst v63  }
0xac: {  	s13 =	simm.s32 @!p0 $0x6  }
0xad: {  	_ =	swait.ge @!p0 [sflag:s13], $0x80  }
0xae: {  	[sflag:s13] =	ssyncset.done @!p0 $0x0  }
0xaf: {  	s14 =	simm.s32 @!p0 $0x1E100;
	s15 =	rddreg [dreg:$0x9];
	[sflag:s13] =	ssyncadd.s32 @!p0 $0xFFFFFF80  }
0xb0: {  	[tilespmem:s14], [sflag:$0x6] =	stream.linear.gather @!p0 [hbm4b:s15+s10], $0x80, $0x38;
	[tilespmem:$0x1E180] =	vst v63  }
0xb1: {  	_ =	swait.ge @!p0 [sflag:s13], $0x80  }
0xb2: {  	[sflag:s13] =	ssyncset.done @!p0 $0x0  }
0xb3: {  	s10 =	simm.s32 @!p0 $0x80;
	s15 =	simm.s32 @!p0 $0x16080;
	[sflag:s13] =	ssyncadd.s32 @!p0 $0xFFFFFF80  }
0xb4: {  	[tilespmem:s15], [sflag:$0x2] =	stream.indirect.gather @!p0 [hbm4b:s4+s10], $0x80, s11, s10, $0xb8;
	[tilespmem:$0x1E180] =	vst v63  }
0xb5: {  	s11 =	simm.s32 @!p0 $0x2  }
0xb6: {  	_ =	swait.ge @!p0 [sflag:s11], $0x4000  }
0xb7: {  	[sflag:s11] =	ssyncset.done @!p0 $0x0  }
0xb8: {  	[sflag:s11] =	ssyncadd.s32 @!p0 $0xFFFFC000  }
0xb9: {  	[spmem:s1] =	stream.indirect.scatter.add.f32 @!p0 [tilespmem:s15], [sflag:$0x6], $0x80, s14, s10, $0xb8;
	[tilespmem:$0x1E180] =	vst v63  }
0xba: {  	_ =	swait.ge @!p0 [sflag:s13], $0x4000  }
0xbb: {  	[sflag:s13] =	ssyncset.done @!p0 $0x0  }
0xbc: {  	[sflag:s13] =	ssyncadd.s32 @!p0 $0xFFFFC000;
	s13 =	stileid.u32  }
0xbd: {  	s10 =	sshll.u32 s13, $0x6;
	[bflag:$0x0] =	sbarrier.arrive $0xFFFF  }
0xbe: {  	s14 =	sshrl.u32 s7, $0x3;
	s10 =	sor.u32 $0x1C06, s10;
	s15 =	rddreg [dreg:$0xa]  }
0xbf: {  	[hbm:s15], [sflag:s10] =	dma.local [spmem:s14], $0x2700  }
0xc0: {  	_ =	swait.ge [sflag:s25], $0x2700  }
0xc1: {  	s9 =	sadd.s32 $0x1, s9;
	[sflag:s25] =	ssyncset.done $0x0  }
0xc2: {  	p2 =	sne.s32 s9, s17;
	s11 =	sshrl.u32 @!p1 s12, $0x3;
	[sflag:s25] =	ssyncadd.s32 $0xFFFFD900  }
0xc3: {  	[hbm:s16], [sflag:s10] =	dma.local @!p1 [spmem:s11], $0x100  }
.Ltmp2:
0xc4: {  	_ = 	snop;
	(pc) =	sbr.rel @p2 .LBB2_1-.Ltmp2, $4  }
0xc5: {  	s10 =	simm.s32 @!p1 $0x6  }
0xc6: {  	_ =	swait.ge @!p1 [sflag:s10], $0x100  }
0xc7: {  	[sflag:s10] =	ssyncset.done @!p1 $0x0  }
0xc8: {  	[sflag:s10] =	ssyncadd.s32 @!p1 $0xFFFFFF00  }
0xc9: {  	_ =	sfence.sel $0x180000  }
0xca: {  	[bflag:$0x0] =	sbarrier.arrive $0xFFFF  }
0xcb: {  	_ =	strace $0x9000004D  }
0xcc: {  	s0 =	stileid.u32;
	[bflag:$0x2] =	sbarrier.arrive $0xFFFF  }
0xcd: {  	p0 =	sne.s32 s0, $0x0;
	s0 =	rddreg [dreg:$0x2]  }
0xce: {  	s0 =	sadd.s32 @!p0 $0x100000, s0  }
0xcf: {  	[sflag:s0] =	ssyncadd.tile.s32 @!p0 $0x1;
	_ =	shalt  }
.Lfunc_end2:
_tile_overlayer_lowered:
.L_overlay_start_2:
0xd0: {  	(tag) =	ssettag $0x2  }
0xd1: {  	s0 =	rddreg [dreg:$0x0];
	s2 =	stileid.u32  }
0xd2: {  	s1 =	rddreg [dreg:$0x1];
	p0 =	sne.s32 s2, $0x0  }
0xd3: {  	s3 =	rddreg [dreg:$0x2];
	[bflag:$0x3] =	sbarrier.arrive $0xFFFF;
	s2 =	simm.s32 @!p0 $0x1C06  }
0xd4: {  	[timem:s3], [sflag:s2] =	dma.local @!p0 [hbm:s0], s1  }
0xd5: {  	s0 =	simm.s32 @!p0 $0x6  }
0xd6: {  	_ =	swait.ge @!p0 [sflag:s0], s1  }
0xd7: {  	s1 =	ssub.s32 @!p0 $0x0, s1;
	[sflag:s0] =	ssyncset.done @!p0 $0x0  }
0xd8: {  	[sflag:s0] =	ssyncadd.s32 @!p0 s1  }
0xd9: {  	[bflag:$0x3] =	sbarrier.arrive $0xFFFF  }
0xda: {  	_ =	shalt  }

// kernel: kernel.8.cloned.1.call-start
scs
__scs_entry_jumppad:
0x0: {  	(pc) =	sbr.rel $0x88, $3  }
0x1: {  	(tag) =	ssettag $0x0;
	lr =	simm.s32 $0x1  }
0x2: {  	[smem:$0x3F9A] =	sst lr;
	_ =	strace $0xD0000000  }
0x3: {  	_ = 	snop  }
0x4: {  	_ = 	snop  }
0x5: {  	_ = 	snop  }
0x6: {  	_ = 	snop  }
0x7: {  	_ = 	snop  }
__scs_overlays_trampoline_lowered:
0x8: {  	[smem:$0x3FA9] =	sst s0  }
0x9: {  	[smem:$0x3FAA] =	sst s1  }
0xa: {  	[smem:$0x3FAB] =	sst s2  }
0xb: {  	[smem:$0x3FAC] =	sst s3  }
0xc: {  	[smem:$0x3FAD] =	sst s4  }
0xd: {  	[smem:$0x3FAE] =	sst s5  }
0xe: {  	[smem:$0x3FAF] =	sst s6  }
0xf: {  	[smem:$0x3FB0] =	sst s7  }
0x10: {  	[smem:$0x3FB1] =	sst s8  }
0x11: {  	[smem:$0x3FB2] =	sst s9;
	s0 =	simm.s32 @!p0 $0x0  }
0x12: {  	s1 =	sld [smem:$0x3F98];
	s0 =	simm.s32 @p0 $0x1  }
0x13: {  	[smem:$0x3FB3] =	sst s0;
	s0 =	simm.s32 @!p1 $0x0  }
0x14: {  	s2 =	sld [smem:$0x3F97];
	s0 =	simm.s32 @p1 $0x1  }
0x15: {  	[smem:$0x3FB4] =	sst s0;
	s0 =	simm.s32 @!p2 $0x0  }
0x16: {  	s3 =	sld [smem:$0x3FDB];
	s0 =	simm.s32 @p2 $0x1  }
0x17: {  	s4 =	simm.s32 $0x1BF5;
	[smem:$0x3FB6] =	sst s0  }
0x18: {  	s0 =	sld [smem:$0x3F99];
	_ =	swait.ge [sflag:s4], $0x0  }
0x19: {  	s7 =	sld [smem:$0x3F9A]  }
0x1a: {  	s8 =	sadd.s32 $0xFFFFE003, lr  }
0x1b: {  	s9 =	sadd.s32 $0xFFFFFEF7, lr;
	s5 =	simm.s32 $0xFFFFFFFF;
	p2 =	slt.u32 s8, $0xFFFFF086  }
0x1c: {  	p1 =	slt.u32 s9, $0xF7A;
	s5 =	simm.s32 @!p2 $0x0  }
0x1d: {  	s5 =	simm.s32 @p1 $0x1;
	p0 =	seq.s32 s7, s2  }
0x1e: {  	s7 =	smul.u32 @!p0 $0xF7A, s2;
	p2 =	seq.s32 @!p0 s5, $0x0  }
0x1f: {  	s9 =	smul.u32 $0xF7A, s1;
	s8 =	simm.s32 @!p0 $0x1BF5;
	p2 =	por !p2, p0  }
0x20: {  	[sflag:s8] =	ssyncset.s32 @!p0 $0xFFFFF086;
	s6 =	sadd.s32 @!p0 s3, s7;
	s7 =	simm.s32 @!p0 $0x108  }
0x21: {  	s3 =	sadd.s32 s3, s9;
	s6 =	sadd.s32 @!p0 $0x88, s6;
	s7 =	simm.s32 @p2 $0x1082  }
0x22: {  	[simem:s7], [sflag:s8] =	dma.local @!p0 [hbm:s6], $0xF7A  }
0x23: {  	s9 =	sor.u32 $0xD0000000, s2;
	s6 =	simm.s32 $0x108;
	_ =	swait.ge @!p0 [sflag:s8], $0x0  }
0x24: {  	s3 =	sadd.s32 $0x88, s3;
	s6 =	simm.s32 @!p1 $0x1082;
	[sflag:s4] =	ssyncset.s32 $0xFFFFF086  }
0x25: {  	[simem:s6], [sflag:s4] =	dma.local [hbm:s3], $0xF7A  }
0x26: {  	[smem:$0x3F9A] =	sst s1;
	(tag) =	ssettag s2;
	_ =	strace s9  }
0x27: {  	s1 =	sld [smem:$0x3FAA]  }
0x28: {  	s2 =	sld [smem:$0x3FAB]  }
0x29: {  	s4 =	sld [smem:$0x3FAD]  }
0x2a: {  	p0 =	seq.s32 s5, $0x0;
	s5 =	sld [smem:$0x3FAE]  }
0x2b: {  	s6 =	sld [smem:$0x3FAF]  }
0x2c: {  	s7 =	sld [smem:$0x3FB0]  }
0x2d: {  	s3 =	simm.s32 $0x108;
	s8 =	sld [smem:$0x3FB1]  }
0x2e: {  	s3 =	simm.s32 @!p0 $0x1082;
	s9 =	sld [smem:$0x3FB2]  }
0x2f: {  	lr =	sadd.s32 s0, s3;
	s0 =	sld [smem:$0x3FA9]  }
0x30: {  	s3 =	sld [smem:$0x3FAC]  }
0x31: {  	[smem:$0x3FB5] =	sst s10  }
0x32: {  	s10 =	sld [smem:$0x3FB3];
	_ =	sdelay $0x3  }
0x33: {  	p0 =	seq.s32 s10, $0x1;
	s10 =	sld [smem:$0x3FB5];
	_ =	sdelay $0x3  }
0x34: {  	[smem:$0x3FB5] =	sst s10  }
0x35: {  	s10 =	sld [smem:$0x3FB4];
	_ =	sdelay $0x3  }
0x36: {  	p1 =	seq.s32 s10, $0x1;
	s10 =	sld [smem:$0x3FB5];
	_ =	sdelay $0x3  }
0x37: {  	[smem:$0x3FB5] =	sst s10  }
0x38: {  	s10 =	sld [smem:$0x3FB6]  }
0x39: {  	_ = 	snop;
	(pc) =	sbr.ind lr, $3  }
0x3a: {  	_ = 	snop  }
0x3b: {  	_ = 	snop  }
0x3c: {  	p2 =	seq.s32 s10, $0x1;
	s10 =	sld [smem:$0x3FB5]  }
0x3d: {  	_ =	shalt  }
0x3e: {  	_ =	shalt  }
0x3f: {  	_ =	shalt  }
0x40: {  	_ =	shalt  }
0x41: {  	_ =	shalt  }
0x42: {  	_ =	shalt  }
0x43: {  	_ =	shalt  }
0x44: {  	_ =	shalt  }
0x45: {  	_ =	shalt  }
0x46: {  	_ =	shalt  }
0x47: {  	_ =	shalt  }
0x48: {  	_ =	shalt  }
0x49: {  	_ =	shalt  }
0x4a: {  	_ =	shalt  }
0x4b: {  	_ =	shalt  }
0x4c: {  	_ =	shalt  }
0x4d: {  	_ =	shalt  }
0x4e: {  	_ =	shalt  }
0x4f: {  	_ =	shalt  }
0x50: {  	_ =	shalt  }
0x51: {  	_ =	shalt  }
0x52: {  	_ =	shalt  }
0x53: {  	_ =	shalt  }
0x54: {  	_ =	shalt  }
0x55: {  	_ =	shalt  }
0x56: {  	_ =	shalt  }
0x57: {  	_ =	shalt  }
0x58: {  	_ =	shalt  }
0x59: {  	_ =	shalt  }
0x5a: {  	_ =	shalt  }
0x5b: {  	_ =	shalt  }
0x5c: {  	_ =	shalt  }
0x5d: {  	_ =	shalt  }
0x5e: {  	_ =	shalt  }
0x5f: {  	_ =	shalt  }
0x60: {  	_ =	shalt  }
0x61: {  	_ =	shalt  }
0x62: {  	_ =	shalt  }
0x63: {  	_ =	shalt  }
0x64: {  	_ =	shalt  }
0x65: {  	_ =	shalt  }
0x66: {  	_ =	shalt  }
0x67: {  	_ =	shalt  }
0x68: {  	_ =	shalt  }
0x69: {  	_ =	shalt  }
0x6a: {  	_ =	shalt  }
0x6b: {  	_ =	shalt  }
0x6c: {  	_ =	shalt  }
0x6d: {  	_ =	shalt  }
0x6e: {  	_ =	shalt  }
0x6f: {  	_ =	shalt  }
0x70: {  	_ =	shalt  }
0x71: {  	_ =	shalt  }
0x72: {  	_ =	shalt  }
0x73: {  	_ =	shalt  }
0x74: {  	_ =	shalt  }
0x75: {  	_ =	shalt  }
0x76: {  	_ =	shalt  }
0x77: {  	_ =	shalt  }
0x78: {  	_ =	shalt  }
0x79: {  	_ =	shalt  }
0x7a: {  	_ =	shalt  }
0x7b: {  	_ =	shalt  }
0x7c: {  	_ =	shalt  }
0x7d: {  	_ =	shalt  }
0x7e: {  	_ =	shalt  }
0x7f: {  	_ =	shalt  }
0x80: {  	_ =	shalt  }
0x81: {  	_ =	shalt  }
0x82: {  	_ =	shalt  }
0x83: {  	_ =	shalt  }
0x84: {  	_ =	shalt  }
0x85: {  	_ =	shalt  }
0x86: {  	_ =	shalt  }
0x87: {  	_ =	shalt  }
.Lfunc_end0:
.L_simem_size_0:
called_computation_lowered:
.L_overlay_start_0:
0x88: {  	s2 =	sld [smem:$0x3FD9]  }
0x89: {  	s3 =	sld [smem:$0x3FFE];
	_ =	sdelay $0x1  }
0x8a: {  	s1 =	srdreg.scid  }
0x8b: {  	s0 =	sand.u32 $0x1, s1  }
0x8c: {  	s16 =	sshll.u32 s0, $0xA;
	s2 =	sadd.s32 s3, s2  }
0x8d: {  	s2 =	sadd.s32 s2, s16  }
0x8e: {  	[smem:$0x3FC1] =	sst s2  }
0x8f: {  	_ = 	snop  }
0x90: {  	(tm) =	ssettm $0x1  }
0x91: {  	s17 =	sld [smem:$0x3FFB];
	_ =	sdelay $0x3  }
0x92: {  	_ =	strace s17  }
0x93: {  	s2 =	sld [smem:$0x3FFC];
	_ =	sdelay $0x3  }
0x94: {  	_ =	strace s2  }
0x95: {  	s2 =	sld [smem:$0x3FFD];
	_ =	sdelay $0x3  }
0x96: {  	_ =	strace s2  }
0x97: {  	_ =	strace $0x8FFFFFFF  }
0x98: {  	s18 =	sld [smem:$0x3FDB];
	_ =	sdelay $0x1  }
0x99: {  	s19 =	simm.s32 $_scs_section_size  }
0x9a: {  	s4 =	simm.s32 $_size__tile_overlayer_lowered;
	s5 =	simm.s32 $_tile_overlayer_lowered  }
0x9b: {  	s22 =	simm.s32 $0x1BFF;
	s21 =	sshll.u32 s5, $0x1;
	s2 =	sadd.s32 s19, s18  }
0x9c: {  	s6 =	simm.s32 $0x0;
	s20 =	sshll.u32 s4, $0x1;
	s4 =	sadd.s32 s21, s2  }
0x9d: {  	[timem:s6], [sflag:s22] =	dma.local [hbm:s4], s20  }
0x9e: {  	_ =	swait.ge [sflag:s22], s20  }
0x9f: {  	s3 =	ssub.s32 $0x0, s20;
	[sflag:s22] =	ssyncset.done $0x0  }
0xa0: {  	[sflag:s22] =	ssyncadd.s32 s3;
	_ =	sdelay $0x1  }
0xa1: {  	s23 =	simm.s32 $0x1B8B  }
0xa2: {  	_ =	swait.ge [sflag:s23], $0x1  }
0xa3: {  	[sflag:s23] =	ssyncset.done $0x0  }
0xa4: {  	s25 =	simm.s32 $0x1B8E;
	s24 =	sld [smem:$0x3FFE];
	[sflag:s23] =	ssyncadd.s32 $0xFFFFFFFF  }
0xa5: {  	s26 =	simm.s32 $execute0_lowered;
	[smem:$0x3FD2] =	sst s25  }
0xa6: {  	s4 =	sshll.u32 s26, $0x1;
	_ =	strace $0x80000046;
	[dreg:$0x1] =	wrdreg $0xFFFFFFFF  }
0xa7: {  	s28 =	simm.s32 $_size_execute0_lowered;
	s2 =	sadd.s32 s2, s4;
	[dreg:$0x0] =	wrdreg $0x0  }
0xa8: {  	s4 =	sshll.u32 s28, $0x1;
	[dreg:$0x2] =	wrdreg s2  }
0xa9: {  	[dreg:$0x3] =	wrdreg s4  }
0xaa: {  	[dreg:$0x4] =	wrdreg $0xC0  }
0xab: {  	_ =	task [dreg:s6], $0x5FFFF  }
0xac: {  	[dreg:$0x1] =	wrdreg $0xFFFFFFFF  }
0xad: {  	[dreg:$0x0] =	wrdreg $0x60  }
0xae: {  	[dreg:$0x2] =	wrdreg s24  }
0xaf: {  	[dreg:$0x3] =	wrdreg $0x9  }
0xb0: {  	_ =	task.clear_ibuf [dreg:s6], $0x4FFFF;
	_ =	strace $0x90000046  }
0xb1: {  	s29 =	simm.s32 $0x9;
	_ =	strace $0x80000048  }
0xb2: {  	_ =	swait.ge [sflag:s29], $0x1  }
0xb3: {  	[sflag:s29] =	ssyncadd.s32 $0xFFFFFFFF  }
0xb4: {  	_ =	strace $0x90000048  }
0xb5: {  	_ =	sfence  }
0xb6: {  	s30 =	sld [smem:$0x0];
	_ =	sdelay $0x2  }
0xb7: {  	s31 =	sshll.u32 s1, $0xD;
	s1 =	sshrl.u32 s1, $0x2  }
0xb8: {  	s3 =	sand.u32 $0x4000, s31;
	s1 =	sadd.s32 s1, s30  }
0xb9: {  	s0 =	sor.u32 s3, s0;
	s1 =	sshll.u32 s1, $0x11  }
0xba: {  	s0 =	sor.u32 s1, s0  }
0xbb: {  	s0 =	sadd.s32 $0x8F2B, s0  }
0xbc: {  	[sflag:s0] =	ssyncadd.remote.s32 $0x1  }
0xbd: {  	_ =	sfence.sel $0xFFFF  }
0xbe: {  	[dreg:$0x0] =	wrdreg $0xFFFFFFFF;
	(pc) =	sbr.abs _section_cstart, $3  }
0xbf: {  	[dreg:$0x1] =	wrdreg $0xFFFFFFFF  }
0xc0: {  	_ =	task.clear_ibuf [dreg:s6], $0x2FFFF;
	_ =	strace $0x9FFFFFFF  }
0xc1: {  	(tm) =	ssettm $0x7FFFFFFF  }
tec
execute0_lowered:
.L_overlay_start_1:
0x0: {  	(tag) =	ssettag $0x1  }
0x1: {  	s3 =	rddreg [dreg:$0x0]  }
0x2: {  	s1 =	srdreg.scid;
	s0 =	rddreg [dreg:$0x1]  }
0x3: {  	s2 =	simm.s32 $0x0;
	s4 =	sand.u32 $0x1, s1;
	s1 =	stileid.u32  }
0x4: {  	[smem:$0x7FF] =	sst s2;
	s30 =	sadd.s32 $0x1A00, s3;
	s5 =	sshll.u32 s4, $0x4  }
0x5: {  	_ =	strace $0x80000047;
	s4 =	ssub.s32 $0x2, s4;
	s9 =	sor.u32 s1, s5  }
0x6: {  	s8 =	sshll.u32 s1, $0x4;
	s31 =	sshrl.u32 s4, $0x1;
	s6 =	smul.u32 $0x4F0, s9  }
0x7: {  	s8 =	sadd.s32 s8, s30;
	s7 =	smul.u32 $0x4E0, s9;
	s10 =	ssub.s32 s4, s31  }
0x8: {  	s4 =	sadd.s32 $0x9C00, s8;
	s8 =	simm.s32 $0x1;
	p0 =	sgt.u32 s9, $0x3  }
0x9: {  	s9 =	simm.s32 $0x0;
	s6 =	sadd.s32 s6, s3;
	s3 =	sadd.s32 s30, s7  }
0xa: {  	v0 =	vimm.f32 $0.0e+00;
	v1 =	vimm.f32 $1.000000000e+00;
	s7 =	simm.s32 $0x2780;
	s5 =	sadd.s32 $0xB800, s6;
	s6 =	smax.u32 s10, $0x1  }
.LBB2_1:
0xb: {  	[tilespmem:s7], [sflag:$0x1] =	stream.linear.gather [hbm4b:s3+s2], $0x2700, $0x38;
	[tilespmem:$0x4F00] =	vst v63  }
0xc: {  	_ =	swait.ge [sflag:s8], $0x2700  }
0xd: {  	[sflag:s8] =	ssyncset.done $0x0  }
0xe: {  	s10 =	simm.s32 $0x0;
	[sflag:s8] =	ssyncadd.s32 $0xFFFFD900  }
.LBB2_2:
0xf: {  	p1 =	sne.s32 s10, $0x9C00  }
.Ltmp0:
0x10: {  	_ = 	snop;
	(pc) =	sbr.rel @p1 .LBB2_2-.Ltmp0, $3  }
0x11: {  	_ =	sdelay $0x1  }
0x12: {  	s11 =	sshra.s32 s10, $0x2  }
0x13: {  	s10 =	sadd.s32 $0x40, s10;
	[tilespmem:s11+$0x0] =	vst v0  }
0x14: {  	s10 =	simm.s32 $0x0  }
.LBB2_4:
0x15: {  	s11 =	sshra.s32 s10, $0x2  }
0x16: {  	v2 =	vld [tilespmem:s11+$0x2780];
	_ =	sdelay $0x7  }
0x17: {  	[tilespmem:v2+s2+$0x0] =	vst.idx.add.f32.msk $0xffff, v1  }
0x18: {  	v2 =	vld [tilespmem:s11+$0x2790];
	_ =	sdelay $0x7  }
0x19: {  	[tilespmem:v2+s2+$0x0] =	vst.idx.add.f32.msk $0xffff, v1  }
0x1a: {  	v2 =	vld [tilespmem:s11+$0x27A0];
	_ =	sdelay $0x7  }
0x1b: {  	[tilespmem:v2+s2+$0x0] =	vst.idx.add.f32.msk $0xffff, v1  }
0x1c: {  	v2 =	vld [tilespmem:s11+$0x27B0];
	_ =	sdelay $0x7  }
0x1d: {  	[tilespmem:v2+s2+$0x0] =	vst.idx.add.f32.msk $0xffff, v1  }
0x1e: {  	v2 =	vld [tilespmem:s11+$0x27C0];
	_ =	sdelay $0x7  }
0x1f: {  	[tilespmem:v2+s2+$0x0] =	vst.idx.add.f32.msk $0xffff, v1  }
0x20: {  	v2 =	vld [tilespmem:s11+$0x27D0];
	_ =	sdelay $0x7  }
0x21: {  	[tilespmem:v2+s2+$0x0] =	vst.idx.add.f32.msk $0xffff, v1  }
0x22: {  	v2 =	vld [tilespmem:s11+$0x27E0];
	_ =	sdelay $0x7  }
0x23: {  	[tilespmem:v2+s2+$0x0] =	vst.idx.add.f32.msk $0xffff, v1  }
0x24: {  	v2 =	vld [tilespmem:s11+$0x27F0];
	_ =	sdelay $0x2  }
0x25: {  	p1 =	sne.s32 s10, $0x9A00  }
.Ltmp1:
0x26: {  	_ = 	snop;
	(pc) =	sbr.rel @p1 .LBB2_4-.Ltmp1, $2  }
0x27: {  	_ =	sdelay $0x2  }
0x28: {  	s10 =	sadd.s32 $0x200, s10;
	[tilespmem:v2+s2+$0x0] =	vst.idx.add.f32.msk $0xffff, v1  }
0x29: {  	s10 =	simm.s32 @!p0 $0x0;
	s11 =	simm.s32 @!p0 $0x4E80  }
0x2a: {  	[tilespmem:s11], [sflag:$0x1] =	stream.linear.gather @!p0 [hbm4b:s4+s10], $0x80, $0x38;
	[tilespmem:$0x4F00] =	vst v63  }
0x2b: {  	s11 =	simm.s32 @!p0 $0x1  }
0x2c: {  	_ =	swait.ge @!p0 [sflag:s11], $0x80  }
0x2d: {  	[sflag:s11] =	ssyncset.done @!p0 $0x0  }
0x2e: {  	[sflag:s11] =	ssyncadd.s32 @!p0 $0xFFFFFF80  }
0x2f: {  	v2 =	vld @!p0 [tilespmem:$0x4E80];
	_ =	sdelay $0x6  }
0x30: {  	v3 =	vimm.f32 @!p0 $1.000000000e+00  }
0x31: {  	[tilespmem:v2+s10+$0x0] =	vst.idx.add.f32.msk @!p0 $0xffff, v3  }
0x32: {  	v2 =	vld @!p0 [tilespmem:$0x4E90];
	_ =	sdelay $0x7  }
0x33: {  	[tilespmem:v2+s10+$0x0] =	vst.idx.add.f32.msk @!p0 $0xffff, v3  }
0x34: {  	v2 =	vld @!p0 [tilespmem:$0x4EA0];
	_ =	sdelay $0x7  }
0x35: {  	[tilespmem:v2+s10+$0x0] =	vst.idx.add.f32.msk @!p0 $0xffff, v3  }
0x36: {  	v2 =	vld @!p0 [tilespmem:$0x4EB0];
	_ =	sdelay $0x7  }
0x37: {  	[tilespmem:v2+s10+$0x0] =	vst.idx.add.f32.msk @!p0 $0xffff, v3  }
0x38: {  	v2 =	vld @!p0 [tilespmem:$0x4EC0];
	_ =	sdelay $0x7  }
0x39: {  	[tilespmem:v2+s10+$0x0] =	vst.idx.add.f32.msk @!p0 $0xffff, v3  }
0x3a: {  	v2 =	vld @!p0 [tilespmem:$0x4ED0];
	_ =	sdelay $0x7  }
0x3b: {  	[tilespmem:v2+s10+$0x0] =	vst.idx.add.f32.msk @!p0 $0xffff, v3  }
0x3c: {  	v2 =	vld @!p0 [tilespmem:$0x4EE0];
	_ =	sdelay $0x7  }
0x3d: {  	[tilespmem:v2+s10+$0x0] =	vst.idx.add.f32.msk @!p0 $0xffff, v3  }
0x3e: {  	v2 =	vld @!p0 [tilespmem:$0x4EF0];
	_ =	sdelay $0x5  }
0x3f: {  	s9 =	sadd.s32 $0x1, s9  }
0x40: {  	p1 =	sne.s32 s9, s6  }
.Ltmp2:
0x41: {  	[tilespmem:v2+s10+$0x0] =	vst.idx.add.f32.msk @!p0 $0xffff, v3;
	(pc) =	sbr.rel @p1 .LBB2_1-.Ltmp2, $4  }
0x42: {  	[hbm4b:s5+s2] =	stream.linear.scatter [tilespmem:s2], [sflag:$0x1], $0x2780, $0x38;
	[tilespmem:$0x4F00] =	vst v63  }
0x43: {  	_ =	swait.ge [sflag:s8], $0x2780  }
0x44: {  	[sflag:s8] =	ssyncset.done $0x0  }
0x45: {  	[sflag:s8] =	ssyncadd.s32 $0xFFFFD880  }
0x46: {  	_ =	sfence.sel $0x180000  }
0x47: {  	[bflag:$0x0] =	sbarrier.arrive $0xFFFF  }
0x48: {  	p0 =	sne.s32 s1, $0x0;
	_ =	strace $0x90000047  }
0x49: {  	s0 =	sadd.s32 @!p0 $0x100000, s0;
	[bflag:$0x2] =	sbarrier.arrive $0xFFFF  }
0x4a: {  	[sflag:s0] =	ssyncadd.tile.s32 @!p0 $0x1;
	_ =	shalt  }
.Lfunc_end2:
_tile_overlayer_lowered:
.L_overlay_start_2:
0x4b: {  	(tag) =	ssettag $0x2  }
0x4c: {  	s0 =	rddreg [dreg:$0x0];
	s2 =	stileid.u32  }
0x4d: {  	s1 =	rddreg [dreg:$0x1];
	p0 =	sne.s32 s2, $0x0  }
0x4e: {  	s3 =	rddreg [dreg:$0x2];
	[bflag:$0x3] =	sbarrier.arrive $0xFFFF;
	s2 =	simm.s32 @!p0 $0x1C01  }
0x4f: {  	[timem:s3], [sflag:s2] =	dma.local @!p0 [hbm:s0], s1  }
0x50: {  	s0 =	simm.s32 @!p0 $0x1  }
0x51: {  	_ =	swait.ge @!p0 [sflag:s0], s1  }
0x52: {  	s1 =	ssub.s32 @!p0 $0x0, s1;
	[sflag:s0] =	ssyncset.done @!p0 $0x0  }
0x53: {  	[sflag:s0] =	ssyncadd.s32 @!p0 s1  }
0x54: {  	[bflag:$0x3] =	sbarrier.arrive $0xFFFF  }
0x55: {  	_ =	shalt  }

</sc_bundles>
